<compile_context>
chip_gen: v7x
topology: tpu7x:2x2x1
jax: 0.10.2.dev20260603
libtpu: 0.0.44.dev20260713+nightly
codegen_flags: <defaults>
</compile_context>

<pallas_src>
import functools

import jax
import jax.numpy as jnp
from jax import lax
from jax.experimental import pallas as pl
from jax.experimental.pallas import tpu as pltpu
from jax.experimental.pallas import tpu_sc as plsc

_R = 128
_N = 32768
_L = 16
_NC = 2
_NS = 16
_NW = _NC * _NS
_RPW = _R // _NW
_A = 4
_U = 16


def _insert(t0, t1, t2, v):
    hi0 = jnp.maximum(t0, v)
    lo0 = jnp.minimum(t0, v)
    hi1 = jnp.maximum(t1, lo0)
    lo1 = jnp.minimum(t1, lo0)
    hi2 = jnp.maximum(t2, lo1)
    return hi0, hi1, hi2


def _insert_low(t1, t2, v):
    hi1 = jnp.maximum(t1, v)
    lo1 = jnp.minimum(t1, v)
    hi2 = jnp.maximum(t2, lo1)
    return hi1, hi2


def _merge4(t0, t1, t2, v1, v2, v3, v4):
    m1 = jnp.maximum(v1, v2)
    n1 = jnp.minimum(v1, v2)
    m2 = jnp.maximum(v3, v4)
    n2 = jnp.minimum(v3, v4)
    a = jnp.maximum(m1, m2)
    b = jnp.minimum(m1, m2)
    c = jnp.maximum(n1, n2)
    t0, t1, t2 = _insert(t0, t1, t2, a)
    t1, t2 = _insert_low(t1, t2, b)
    t1, t2 = _insert_low(t1, t2, c)
    return t0, t1, t2


def _sc_topk3(a, b):
    mesh = plsc.VectorSubcoreMesh(core_axis_name="c", subcore_axis_name="s")

    @functools.partial(
        pl.kernel,
        mesh=mesh,
        compiler_params=pltpu.CompilerParams(needs_layout_passes=False),
        out_type=jax.ShapeDtypeStruct((_R, 3), jnp.float32),
        scratch_types=[
            pltpu.VMEM((_N // 2,), jnp.float32),
            pltpu.VMEM((_N // 2,), jnp.float32),
            pltpu.VMEM((_L,), jnp.float32),
            pltpu.VMEM((_L,), jnp.float32),
            pltpu.VMEM((_RPW, 3), jnp.float32),
            pltpu.SemaphoreType.DMA,
            pltpu.SemaphoreType.DMA,
            pltpu.SemaphoreType.DMA,
        ],
    )
    def k(a_hbm, b_hbm, out_hbm, buf0, buf1, bv, gs, ov, sem0, sem1, bsem):
        wid = lax.axis_index("s") * _NC + lax.axis_index("c")
        row0 = wid * _RPW
        bcopy = pltpu.async_copy(b_hbm, bv.at[pl.ds(0, 3)], bsem)
        idx = lax.iota(jnp.int32, _L)
        neg = jnp.full((_L,), -jnp.inf, jnp.float32)
        bufs = (buf0, buf1)
        sems = (sem0, sem1)
        copies = [None, None]
        _H = _N // 2
        copies[0] = pltpu.async_copy(
            a_hbm.at[row0, pl.ds(0, _H)], buf0, sem0)
        bvec = None
        init = (neg,) * (3 * _A)
        ts = init
        for h in range(2 * _RPW):
            if h + 1 < 2 * _RPW:
                nb = (h + 1) % 2
                copies[nb] = pltpu.async_copy(
                    a_hbm.at[row0 + (h + 1) // 2,
                             pl.ds(((h + 1) % 2) * _H, _H)],
                    bufs[nb], sems[nb])
            cb = h % 2
            copies[cb].wait()
            buf = bufs[cb]

            def step(i, c):
                ts_ = list(c)
                o = i * (_U * _L)
                for g in range(_U // 4):
                    vs = [buf[pl.ds(o + (4 * g + j) * _L, _L)]
                          for j in range(4)]
                    a_ = g % _A
                    t0, t1, t2 = _merge4(ts_[3 * a_], ts_[3 * a_ + 1],
                                         ts_[3 * a_ + 2], *vs)
                    ts_[3 * a_] = t0
                    ts_[3 * a_ + 1] = t1
                    ts_[3 * a_ + 2] = t2
                return tuple(ts_)

            ts = lax.fori_loop(0, _H // (_U * _L), step, ts)
            if h % 2 == 0:
                continue
            row = h // 2
            if bvec is None:
                bcopy.wait()
                bvec = bv[...]
            t0, t1, t2 = ts[0], ts[1], ts[2]
            for a_ in range(1, _A):
                t0, t1, t2 = _insert(t0, t1, t2, ts[3 * a_])
                t1, t2 = _insert_low(t1, t2, ts[3 * a_ + 1])
                t1, t2 = _insert_low(t1, t2, ts[3 * a_ + 2])
            s0 = lax.sort(t0)
            s1 = lax.sort(t1)
            s2 = lax.sort(t2)
            gs[...] = s1
            g1 = plsc.load_gather(gs, [(idx + 3) & 15])
            gs[...] = s2
            g2 = plsc.load_gather(gs, [(idx + 6) & 15])
            cand = jnp.where(idx >= 13, s0,
                             jnp.where(idx >= 10, g1,
                                       jnp.where(idx >= 7, g2, neg)))
            res = lax.rev(lax.sort(cand), (0,))
            rowv = jnp.full((_L,), row, jnp.int32)
            plsc.store_scatter(ov, [rowv, idx], res * 2.0 + bvec,
                               mask=idx < 3)
            ts = init
        pltpu.sync_copy(ov, out_hbm.at[pl.ds(row0, _RPW)])

    return k(a, b)


def kernel(a, b):
    return _sc_topk3(a, b)

# --- scband reference (transcript-rebuilt; emitter-appended) ---
"""Pipeline reference for scband-module-ops-return-multi-17386027614890 (READ-ONLY COPY).

The authoritative reference and input builder live on the scoring server;
editing this copy changes nothing except your own understanding.
"""

import jax, jax.numpy as jnp
import numpy as np


def setup_inputs(seed: int = 0) -> dict:
    key = jax.random.key(seed)
    k1, k2 = jax.random.split(key)
    a = jax.random.normal(k1, (128, 32768), dtype=jnp.float32)
    b = jax.random.normal(k2, (3,), dtype=jnp.float32)
    return {"a": a, "b": b}


def reference(a, b):
    # torch.topk(a, 3) along last dim -> (values, indices); only values used
    x, y = jax.lax.top_k(a, 3)
    return x * 2 + b

if __name__ == "__main__":
    import jax
    _d = setup_inputs()
    print(jax.jit(kernel)(*tuple(_d.values())))

</pallas_src>

<mosaic_0001>
#map = affine_map<(d0, d1) -> (0, 0)>
#map1 = affine_map<(d0, d1) -> (0)>
module attributes {stable_mosaic.version = 14 : i64} {
  func.func @k(%arg0: i32, %arg1: i32, %arg2: memref<128x32768xf32, #tpu.memory_space<hbm>>, %arg3: memref<3xf32, #tpu.memory_space<hbm>>, %arg4: memref<128x3xf32, #tpu.memory_space<hbm>>, %arg5: memref<16384xf32, #tpu.memory_space<vmem>>, %arg6: memref<16384xf32, #tpu.memory_space<vmem>>, %arg7: memref<16xf32, #tpu.memory_space<vmem>>, %arg8: memref<16xf32, #tpu.memory_space<vmem>>, %arg9: memref<4x3xf32, #tpu.memory_space<vmem>>, %arg10: memref<!tpu.dma_semaphore, #tpu.memory_space<semaphore_mem>>, %arg11: memref<!tpu.dma_semaphore, #tpu.memory_space<semaphore_mem>>, %arg12: memref<!tpu.dma_semaphore, #tpu.memory_space<semaphore_mem>>) attributes {dimension_semantics = [#tpu.dimension_semantics<core_parallel>, #tpu.dimension_semantics<subcore_parallel>], iteration_bounds = array<i64: 2, 16>, scalar_prefetch = 0 : i64, scratch_operands = 8 : i64, tpu.core_type = #tpu.core_type<sc_vector_subcore>, window_params = [{transform_indices = #map}, {transform_indices = #map1}, {transform_indices = #map}]} {
    %mul3A = arith.constant 2 : i32
    %mul3A_0 = arith.muli %arg1, %mul3A : i32
    %add3A = arith.addi %mul3A_0, %arg0 : i32
    %mul3A_1 = arith.constant 4 : i32
    %mul3A_2 = arith.muli %add3A, %mul3A_1 : i32
    %dma_start3A = arith.constant 0 : i32
    %dma_start3A_3 = tpu.memref_slice %arg7[%dma_start3A] : memref<16xf32, #tpu.memory_space<vmem>> -> memref<3xf32, #tpu.memory_space<vmem>>
    %dma_start3A_4 = arith.constant 0 : i32
    %dma_start3A_5 = tpu.memref_slice %arg7[%dma_start3A_4] : memref<16xf32, #tpu.memory_space<vmem>> -> memref<3xf32, #tpu.memory_space<vmem>>
    tpu.enqueue_dma source(%arg3 : memref<3xf32, #tpu.memory_space<hbm>>) target(%dma_start3A_5 : memref<3xf32, #tpu.memory_space<vmem>>) target_semaphore(%arg12 : memref<!tpu.dma_semaphore, #tpu.memory_space<semaphore_mem>>)
    %iota3A = tpu.iota {dimensions = array<i32: 0>} : vector<16xi32>
    %broadcast_in_dim3A = arith.constant 0xFF800000 : f32
    %broadcast_in_dim3A_6 = vector.broadcast %broadcast_in_dim3A : f32 to vector<16xf32>
    %dma_start3A_7 = arith.constant 0 : i32
    %dma_start3A_8 = tpu.memref_slice %arg2[%mul3A_2, %dma_start3A_7] : memref<128x32768xf32, #tpu.memory_space<hbm>> -> memref<1x16384xf32, #tpu.memory_space<hbm>>
    %dma_start3A_9 = tpu.memref_squeeze %dma_start3A_8 : memref<1x16384xf32, #tpu.memory_space<hbm>> -> memref<16384xf32, #tpu.memory_space<hbm>>
    %dma_start3A_10 = arith.constant 0 : i32
    %dma_start3A_11 = tpu.memref_slice %arg2[%mul3A_2, %dma_start3A_10] : memref<128x32768xf32, #tpu.memory_space<hbm>> -> memref<1x16384xf32, #tpu.memory_space<hbm>>
    %dma_start3A_12 = tpu.memref_squeeze %dma_start3A_11 : memref<1x16384xf32, #tpu.memory_space<hbm>> -> memref<16384xf32, #tpu.memory_space<hbm>>
    tpu.enqueue_dma source(%dma_start3A_12 : memref<16384xf32, #tpu.memory_space<hbm>>) target(%arg5 : memref<16384xf32, #tpu.memory_space<vmem>>) target_semaphore(%arg10 : memref<!tpu.dma_semaphore, #tpu.memory_space<semaphore_mem>>)
    %add3A_13 = arith.constant 0 : i32
    %add3A_14 = arith.addi %mul3A_2, %add3A_13 : i32
    %dma_start3A_15 = arith.constant 16384 : i32
    %dma_start3A_16 = tpu.memref_slice %arg2[%add3A_14, %dma_start3A_15] : memref<128x32768xf32, #tpu.memory_space<hbm>> -> memref<1x16384xf32, #tpu.memory_space<hbm>>
    %dma_start3A_17 = tpu.memref_squeeze %dma_start3A_16 : memref<1x16384xf32, #tpu.memory_space<hbm>> -> memref<16384xf32, #tpu.memory_space<hbm>>
    %dma_start3A_18 = arith.constant 16384 : i32
    %dma_start3A_19 = tpu.memref_slice %arg2[%add3A_14, %dma_start3A_18] : memref<128x32768xf32, #tpu.memory_space<hbm>> -> memref<1x16384xf32, #tpu.memory_space<hbm>>
    %dma_start3A_20 = tpu.memref_squeeze %dma_start3A_19 : memref<1x16384xf32, #tpu.memory_space<hbm>> -> memref<16384xf32, #tpu.memory_space<hbm>>
    tpu.enqueue_dma source(%dma_start3A_20 : memref<16384xf32, #tpu.memory_space<hbm>>) target(%arg6 : memref<16384xf32, #tpu.memory_space<vmem>>) target_semaphore(%arg11 : memref<!tpu.dma_semaphore, #tpu.memory_space<semaphore_mem>>)
    %dma_wait3A = arith.constant 0 : i32
    %dma_wait3A_21 = tpu.memref_slice %arg2[%mul3A_2, %dma_wait3A] : memref<128x32768xf32, #tpu.memory_space<hbm>> -> memref<1x16384xf32, #tpu.memory_space<hbm>>
    %dma_wait3A_22 = tpu.memref_squeeze %dma_wait3A_21 : memref<1x16384xf32, #tpu.memory_space<hbm>> -> memref<16384xf32, #tpu.memory_space<hbm>>
    %dma_wait3A_23 = arith.constant 0 : i32
    %dma_wait3A_24 = tpu.memref_slice %arg2[%mul3A_2, %dma_wait3A_23] : memref<128x32768xf32, #tpu.memory_space<hbm>> -> memref<1x16384xf32, #tpu.memory_space<hbm>>
    %dma_wait3A_25 = tpu.memref_squeeze %dma_wait3A_24 : memref<1x16384xf32, #tpu.memory_space<hbm>> -> memref<16384xf32, #tpu.memory_space<hbm>>
    tpu.wait_dma2 semaphore(%arg10 : memref<!tpu.dma_semaphore, #tpu.memory_space<semaphore_mem>>) src(%dma_wait3A_25 : memref<16384xf32, #tpu.memory_space<hbm>>) dst(%arg5 : memref<16384xf32, #tpu.memory_space<vmem>>)
    %scan3A = arith.constant 0 : i32
    %scan3A_26 = arith.constant 64 : i32
    %scan3A_27 = arith.addi %scan3A, %scan3A_26 : i32
    %scan3A_28 = arith.constant 1 : i32
    %scan3A_29:12 = scf.for %scan3A_530 = %scan3A to %scan3A_27 step %scan3A_28 iter_args(%scan3A_531 = %broadcast_in_dim3A_6, %scan3A_532 = %broadcast_in_dim3A_6, %scan3A_533 = %broadcast_in_dim3A_6, %scan3A_534 = %broadcast_in_dim3A_6, %scan3A_535 = %broadcast_in_dim3A_6, %scan3A_536 = %broadcast_in_dim3A_6, %scan3A_537 = %broadcast_in_dim3A_6, %scan3A_538 = %broadcast_in_dim3A_6, %scan3A_539 = %broadcast_in_dim3A_6, %scan3A_540 = %broadcast_in_dim3A_6, %scan3A_541 = %broadcast_in_dim3A_6, %scan3A_542 = %broadcast_in_dim3A_6) -> (vector<16xf32>, vector<16xf32>, vector<16xf32>, vector<16xf32>, vector<16xf32>, vector<16xf32>, vector<16xf32>, vector<16xf32>, vector<16xf32>, vector<16xf32>, vector<16xf32>, vector<16xf32>)  : i32 {
      %mul3A_543 = arith.constant 256 : i32
      %mul3A_544 = arith.muli %scan3A_530, %mul3A_543 : i32
      %add3A_545 = arith.constant 0 : i32
      %add3A_546 = arith.addi %mul3A_544, %add3A_545 : i32
      %get3A_547 = arith.index_cast %add3A_546 : i32 to index
      %get3A_548 = tpu.vector_load %arg5[%get3A_547] {strides = array<i32>} : memref<16384xf32, #tpu.memory_space<vmem>>, vector<16xf32>,
      %add3A_549 = arith.constant 16 : i32
      %add3A_550 = arith.addi %mul3A_544, %add3A_549 : i32
      %get3A_551 = arith.index_cast %add3A_550 : i32 to index
      %get3A_552 = tpu.vector_load %arg5[%get3A_551] {strides = array<i32>} : memref<16384xf32, #tpu.memory_space<vmem>>, vector<16xf32>,
      %add3A_553 = arith.constant 32 : i32
      %add3A_554 = arith.addi %mul3A_544, %add3A_553 : i32
      %get3A_555 = arith.index_cast %add3A_554 : i32 to index
      %get3A_556 = tpu.vector_load %arg5[%get3A_555] {strides = array<i32>} : memref<16384xf32, #tpu.memory_space<vmem>>, vector<16xf32>,
      %add3A_557 = arith.constant 48 : i32
      %add3A_558 = arith.addi %mul3A_544, %add3A_557 : i32
      %get3A_559 = arith.index_cast %add3A_558 : i32 to index
      %get3A_560 = tpu.vector_load %arg5[%get3A_559] {strides = array<i32>} : memref<16384xf32, #tpu.memory_space<vmem>>, vector<16xf32>,
      %max3A_561 = arith.maximumf %get3A_548, %get3A_552 : vector<16xf32>
      %min3A_562 = arith.minimumf %get3A_548, %get3A_552 : vector<16xf32>
      %max3A_563 = arith.maximumf %get3A_556, %get3A_560 : vector<16xf32>
      %min3A_564 = arith.minimumf %get3A_556, %get3A_560 : vector<16xf32>
      %max3A_565 = arith.maximumf %max3A_561, %max3A_563 : vector<16xf32>
      %min3A_566 = arith.minimumf %max3A_561, %max3A_563 : vector<16xf32>
      %max3A_567 = arith.maximumf %min3A_562, %min3A_564 : vector<16xf32>
      %max3A_568 = arith.maximumf %scan3A_531, %max3A_565 : vector<16xf32>
      %min3A_569 = arith.minimumf %scan3A_531, %max3A_565 : vector<16xf32>
      %max3A_570 = arith.maximumf %scan3A_532, %min3A_569 : vector<16xf32>
      %min3A_571 = arith.minimumf %scan3A_532, %min3A_569 : vector<16xf32>
      %max3A_572 = arith.maximumf %scan3A_533, %min3A_571 : vector<16xf32>
      %max3A_573 = arith.maximumf %max3A_570, %min3A_566 : vector<16xf32>
      %min3A_574 = arith.minimumf %max3A_570, %min3A_566 : vector<16xf32>
      %max3A_575 = arith.maximumf %max3A_572, %min3A_574 : vector<16xf32>
      %max3A_576 = arith.maximumf %max3A_573, %max3A_567 : vector<16xf32>
      %min3A_577 = arith.minimumf %max3A_573, %max3A_567 : vector<16xf32>
      %max3A_578 = arith.maximumf %max3A_575, %min3A_577 : vector<16xf32>
      %add3A_579 = arith.constant 64 : i32
      %add3A_580 = arith.addi %mul3A_544, %add3A_579 : i32
      %get3A_581 = arith.index_cast %add3A_580 : i32 to index
      %get3A_582 = tpu.vector_load %arg5[%get3A_581] {strides = array<i32>} : memref<16384xf32, #tpu.memory_space<vmem>>, vector<16xf32>,
      %add3A_583 = arith.constant 80 : i32
      %add3A_584 = arith.addi %mul3A_544, %add3A_583 : i32
      %get3A_585 = arith.index_cast %add3A_584 : i32 to index
      %get3A_586 = tpu.vector_load %arg5[%get3A_585] {strides = array<i32>} : memref<16384xf32, #tpu.memory_space<vmem>>, vector<16xf32>,
      %add3A_587 = arith.constant 96 : i32
      %add3A_588 = arith.addi %mul3A_544, %add3A_587 : i32
      %get3A_589 = arith.index_cast %add3A_588 : i32 to index
      %get3A_590 = tpu.vector_load %arg5[%get3A_589] {strides = array<i32>} : memref<16384xf32, #tpu.memory_space<vmem>>, vector<16xf32>,
      %add3A_591 = arith.constant 112 : i32
      %add3A_592 = arith.addi %mul3A_544, %add3A_591 : i32
      %get3A_593 = arith.index_cast %add3A_592 : i32 to index
      %get3A_594 = tpu.vector_load %arg5[%get3A_593] {strides = array<i32>} : memref<16384xf32, #tpu.memory_space<vmem>>, vector<16xf32>,
      %max3A_595 = arith.maximumf %get3A_582, %get3A_586 : vector<16xf32>
      %min3A_596 = arith.minimumf %get3A_582, %get3A_586 : vector<16xf32>
      %max3A_597 = arith.maximumf %get3A_590, %get3A_594 : vector<16xf32>
      %min3A_598 = arith.minimumf %get3A_590, %get3A_594 : vector<16xf32>
      %max3A_599 = arith.maximumf %max3A_595, %max3A_597 : vector<16xf32>
      %min3A_600 = arith.minimumf %max3A_595, %max3A_597 : vector<16xf32>
      %max3A_601 = arith.maximumf %min3A_596, %min3A_598 : vector<16xf32>
      %max3A_602 = arith.maximumf %scan3A_534, %max3A_599 : vector<16xf32>
      %min3A_603 = arith.minimumf %scan3A_534, %max3A_599 : vector<16xf32>
      %max3A_604 = arith.maximumf %scan3A_535, %min3A_603 : vector<16xf32>
      %min3A_605 = arith.minimumf %scan3A_535, %min3A_603 : vector<16xf32>
      %max3A_606 = arith.maximumf %scan3A_536, %min3A_605 : vector<16xf32>
      %max3A_607 = arith.maximumf %max3A_604, %min3A_600 : vector<16xf32>
      %min3A_608 = arith.minimumf %max3A_604, %min3A_600 : vector<16xf32>
      %max3A_609 = arith.maximumf %max3A_606, %min3A_608 : vector<16xf32>
      %max3A_610 = arith.maximumf %max3A_607, %max3A_601 : vector<16xf32>
      %min3A_611 = arith.minimumf %max3A_607, %max3A_601 : vector<16xf32>
      %max3A_612 = arith.maximumf %max3A_609, %min3A_611 : vector<16xf32>
      %add3A_613 = arith.constant 128 : i32
      %add3A_614 = arith.addi %mul3A_544, %add3A_613 : i32
      %get3A_615 = arith.index_cast %add3A_614 : i32 to index
      %get3A_616 = tpu.vector_load %arg5[%get3A_615] {strides = array<i32>} : memref<16384xf32, #tpu.memory_space<vmem>>, vector<16xf32>,
      %add3A_617 = arith.constant 144 : i32
      %add3A_618 = arith.addi %mul3A_544, %add3A_617 : i32
      %get3A_619 = arith.index_cast %add3A_618 : i32 to index
      %get3A_620 = tpu.vector_load %arg5[%get3A_619] {strides = array<i32>} : memref<16384xf32, #tpu.memory_space<vmem>>, vector<16xf32>,
      %add3A_621 = arith.constant 160 : i32
      %add3A_622 = arith.addi %mul3A_544, %add3A_621 : i32
      %get3A_623 = arith.index_cast %add3A_622 : i32 to index
      %get3A_624 = tpu.vector_load %arg5[%get3A_623] {strides = array<i32>} : memref<16384xf32, #tpu.memory_space<vmem>>, vector<16xf32>,
      %add3A_625 = arith.constant 176 : i32
      %add3A_626 = arith.addi %mul3A_544, %add3A_625 : i32
      %get3A_627 = arith.index_cast %add3A_626 : i32 to index
      %get3A_628 = tpu.vector_load %arg5[%get3A_627] {strides = array<i32>} : memref<16384xf32, #tpu.memory_space<vmem>>, vector<16xf32>,
      %max3A_629 = arith.maximumf %get3A_616, %get3A_620 : vector<16xf32>
      %min3A_630 = arith.minimumf %get3A_616, %get3A_620 : vector<16xf32>
      %max3A_631 = arith.maximumf %get3A_624, %get3A_628 : vector<16xf32>
      %min3A_632 = arith.minimumf %get3A_624, %get3A_628 : vector<16xf32>
      %max3A_633 = arith.maximumf %max3A_629, %max3A_631 : vector<16xf32>
      %min3A_634 = arith.minimumf %max3A_629, %max3A_631 : vector<16xf32>
      %max3A_635 = arith.maximumf %min3A_630, %min3A_632 : vector<16xf32>
      %max3A_636 = arith.maximumf %scan3A_537, %max3A_633 : vector<16xf32>
      %min3A_637 = arith.minimumf %scan3A_537, %max3A_633 : vector<16xf32>
      %max3A_638 = arith.maximumf %scan3A_538, %min3A_637 : vector<16xf32>
      %min3A_639 = arith.minimumf %scan3A_538, %min3A_637 : vector<16xf32>
      %max3A_640 = arith.maximumf %scan3A_539, %min3A_639 : vector<16xf32>
      %max3A_641 = arith.maximumf %max3A_638, %min3A_634 : vector<16xf32>
      %min3A_642 = arith.minimumf %max3A_638, %min3A_634 : vector<16xf32>
      %max3A_643 = arith.maximumf %max3A_640, %min3A_642 : vector<16xf32>
      %max3A_644 = arith.maximumf %max3A_641, %max3A_635 : vector<16xf32>
      %min3A_645 = arith.minimumf %max3A_641, %max3A_635 : vector<16xf32>
      %max3A_646 = arith.maximumf %max3A_643, %min3A_645 : vector<16xf32>
      %add3A_647 = arith.constant 192 : i32
      %add3A_648 = arith.addi %mul3A_544, %add3A_647 : i32
      %get3A_649 = arith.index_cast %add3A_648 : i32 to index
      %get3A_650 = tpu.vector_load %arg5[%get3A_649] {strides = array<i32>} : memref<16384xf32, #tpu.memory_space<vmem>>, vector<16xf32>,
      %add3A_651 = arith.constant 208 : i32
      %add3A_652 = arith.addi %mul3A_544, %add3A_651 : i32
      %get3A_653 = arith.index_cast %add3A_652 : i32 to index
      %get3A_654 = tpu.vector_load %arg5[%get3A_653] {strides = array<i32>} : memref<16384xf32, #tpu.memory_space<vmem>>, vector<16xf32>,
      %add3A_655 = arith.constant 224 : i32
      %add3A_656 = arith.addi %mul3A_544, %add3A_655 : i32
      %get3A_657 = arith.index_cast %add3A_656 : i32 to index
      %get3A_658 = tpu.vector_load %arg5[%get3A_657] {strides = array<i32>} : memref<16384xf32, #tpu.memory_space<vmem>>, vector<16xf32>,
      %add3A_659 = arith.constant 240 : i32
      %add3A_660 = arith.addi %mul3A_544, %add3A_659 : i32
      %get3A_661 = arith.index_cast %add3A_660 : i32 to index
      %get3A_662 = tpu.vector_load %arg5[%get3A_661] {strides = array<i32>} : memref<16384xf32, #tpu.memory_space<vmem>>, vector<16xf32>,
      %max3A_663 = arith.maximumf %get3A_650, %get3A_654 : vector<16xf32>
      %min3A_664 = arith.minimumf %get3A_650, %get3A_654 : vector<16xf32>
      %max3A_665 = arith.maximumf %get3A_658, %get3A_662 : vector<16xf32>
      %min3A_666 = arith.minimumf %get3A_658, %get3A_662 : vector<16xf32>
      %max3A_667 = arith.maximumf %max3A_663, %max3A_665 : vector<16xf32>
      %min3A_668 = arith.minimumf %max3A_663, %max3A_665 : vector<16xf32>
      %max3A_669 = arith.maximumf %min3A_664, %min3A_666 : vector<16xf32>
      %max3A_670 = arith.maximumf %scan3A_540, %max3A_667 : vector<16xf32>
      %min3A_671 = arith.minimumf %scan3A_540, %max3A_667 : vector<16xf32>
      %max3A_672 = arith.maximumf %scan3A_541, %min3A_671 : vector<16xf32>
      %min3A_673 = arith.minimumf %scan3A_541, %min3A_671 : vector<16xf32>
      %max3A_674 = arith.maximumf %scan3A_542, %min3A_673 : vector<16xf32>
      %max3A_675 = arith.maximumf %max3A_672, %min3A_668 : vector<16xf32>
      %min3A_676 = arith.minimumf %max3A_672, %min3A_668 : vector<16xf32>
      %max3A_677 = arith.maximumf %max3A_674, %min3A_676 : vector<16xf32>
      %max3A_678 = arith.maximumf %max3A_675, %max3A_669 : vector<16xf32>
      %min3A_679 = arith.minimumf %max3A_675, %max3A_669 : vector<16xf32>
      %max3A_680 = arith.maximumf %max3A_677, %min3A_679 : vector<16xf32>
      scf.yield %max3A_568, %max3A_576, %max3A_578, %max3A_602, %max3A_610, %max3A_612, %max3A_636, %max3A_644, %max3A_646, %max3A_670, %max3A_678, %max3A_680 : vector<16xf32>, vector<16xf32>, vector<16xf32>, vector<16xf32>, vector<16xf32>, vector<16xf32>, vector<16xf32>, vector<16xf32>, vector<16xf32>, vector<16xf32>, vector<16xf32>, vector<16xf32>
    }
    %scan3A_30 = arith.constant 64 : i32
    %add3A_31 = arith.constant 1 : i32
    %add3A_32 = arith.addi %mul3A_2, %add3A_31 : i32
    %dma_start3A_33 = arith.constant 0 : i32
    %dma_start3A_34 = tpu.memref_slice %arg2[%add3A_32, %dma_start3A_33] : memref<128x32768xf32, #tpu.memory_space<hbm>> -> memref<1x16384xf32, #tpu.memory_space<hbm>>
    %dma_start3A_35 = tpu.memref_squeeze %dma_start3A_34 : memref<1x16384xf32, #tpu.memory_space<hbm>> -> memref<16384xf32, #tpu.memory_space<hbm>>
    %dma_start3A_36 = arith.constant 0 : i32
    %dma_start3A_37 = tpu.memref_slice %arg2[%add3A_32, %dma_start3A_36] : memref<128x32768xf32, #tpu.memory_space<hbm>> -> memref<1x16384xf32, #tpu.memory_space<hbm>>
    %dma_start3A_38 = tpu.memref_squeeze %dma_start3A_37 : memref<1x16384xf32, #tpu.memory_space<hbm>> -> memref<16384xf32, #tpu.memory_space<hbm>>
    tpu.enqueue_dma source(%dma_start3A_38 : memref<16384xf32, #tpu.memory_space<hbm>>) target(%arg5 : memref<16384xf32, #tpu.memory_space<vmem>>) target_semaphore(%arg10 : memref<!tpu.dma_semaphore, #tpu.memory_space<semaphore_mem>>)
    %dma_wait3A_39 = arith.constant 16384 : i32
    %dma_wait3A_40 = tpu.memref_slice %arg2[%add3A_14, %dma_wait3A_39] : memref<128x32768xf32, #tpu.memory_space<hbm>> -> memref<1x16384xf32, #tpu.memory_space<hbm>>
    %dma_wait3A_41 = tpu.memref_squeeze %dma_wait3A_40 : memref<1x16384xf32, #tpu.memory_space<hbm>> -> memref<16384xf32, #tpu.memory_space<hbm>>
    %dma_wait3A_42 = arith.constant 16384 : i32
    %dma_wait3A_43 = tpu.memref_slice %arg2[%add3A_14, %dma_wait3A_42] : memref<128x32768xf32, #tpu.memory_space<hbm>> -> memref<1x16384xf32, #tpu.memory_space<hbm>>
    %dma_wait3A_44 = tpu.memref_squeeze %dma_wait3A_43 : memref<1x16384xf32, #tpu.memory_space<hbm>> -> memref<16384xf32, #tpu.memory_space<hbm>>
    tpu.wait_dma2 semaphore(%arg11 : memref<!tpu.dma_semaphore, #tpu.memory_space<semaphore_mem>>) src(%dma_wait3A_44 : memref<16384xf32, #tpu.memory_space<hbm>>) dst(%arg6 : memref<16384xf32, #tpu.memory_space<vmem>>)
    %scan3A_45 = arith.constant 0 : i32
    %scan3A_46 = arith.constant 64 : i32
    %scan3A_47 = arith.addi %scan3A_45, %scan3A_46 : i32
    %scan3A_48 = arith.constant 1 : i32
    %scan3A_49:12 = scf.for %scan3A_530 = %scan3A_45 to %scan3A_47 step %scan3A_48 iter_args(%scan3A_531 = %scan3A_29#0, %scan3A_532 = %scan3A_29#1, %scan3A_533 = %scan3A_29#2, %scan3A_534 = %scan3A_29#3, %scan3A_535 = %scan3A_29#4, %scan3A_536 = %scan3A_29#5, %scan3A_537 = %scan3A_29#6, %scan3A_538 = %scan3A_29#7, %scan3A_539 = %scan3A_29#8, %scan3A_540 = %scan3A_29#9, %scan3A_541 = %scan3A_29#10, %scan3A_542 = %scan3A_29#11) -> (vector<16xf32>, vector<16xf32>, vector<16xf32>, vector<16xf32>, vector<16xf32>, vector<16xf32>, vector<16xf32>, vector<16xf32>, vector<16xf32>, vector<16xf32>, vector<16xf32>, vector<16xf32>)  : i32 {
      %mul3A_543 = arith.constant 256 : i32
      %mul3A_544 = arith.muli %scan3A_530, %mul3A_543 : i32
      %add3A_545 = arith.constant 0 : i32
      %add3A_546 = arith.addi %mul3A_544, %add3A_545 : i32
      %get3A_547 = arith.index_cast %add3A_546 : i32 to index
      %get3A_548 = tpu.vector_load %arg6[%get3A_547] {strides = array<i32>} : memref<16384xf32, #tpu.memory_space<vmem>>, vector<16xf32>,
      %add3A_549 = arith.constant 16 : i32
      %add3A_550 = arith.addi %mul3A_544, %add3A_549 : i32
      %get3A_551 = arith.index_cast %add3A_550 : i32 to index
      %get3A_552 = tpu.vector_load %arg6[%get3A_551] {strides = array<i32>} : memref<16384xf32, #tpu.memory_space<vmem>>, vector<16xf32>,
      %add3A_553 = arith.constant 32 : i32
      %add3A_554 = arith.addi %mul3A_544, %add3A_553 : i32
      %get3A_555 = arith.index_cast %add3A_554 : i32 to index
      %get3A_556 = tpu.vector_load %arg6[%get3A_555] {strides = array<i32>} : memref<16384xf32, #tpu.memory_space<vmem>>, vector<16xf32>,
      %add3A_557 = arith.constant 48 : i32
      %add3A_558 = arith.addi %mul3A_544, %add3A_557 : i32
      %get3A_559 = arith.index_cast %add3A_558 : i32 to index
      %get3A_560 = tpu.vector_load %arg6[%get3A_559] {strides = array<i32>} : memref<16384xf32, #tpu.memory_space<vmem>>, vector<16xf32>,
      %max3A_561 = arith.maximumf %get3A_548, %get3A_552 : vector<16xf32>
      %min3A_562 = arith.minimumf %get3A_548, %get3A_552 : vector<16xf32>
      %max3A_563 = arith.maximumf %get3A_556, %get3A_560 : vector<16xf32>
      %min3A_564 = arith.minimumf %get3A_556, %get3A_560 : vector<16xf32>
      %max3A_565 = arith.maximumf %max3A_561, %max3A_563 : vector<16xf32>
      %min3A_566 = arith.minimumf %max3A_561, %max3A_563 : vector<16xf32>
      %max3A_567 = arith.maximumf %min3A_562, %min3A_564 : vector<16xf32>
      %max3A_568 = arith.maximumf %scan3A_531, %max3A_565 : vector<16xf32>
      %min3A_569 = arith.minimumf %scan3A_531, %max3A_565 : vector<16xf32>
      %max3A_570 = arith.maximumf %scan3A_532, %min3A_569 : vector<16xf32>
      %min3A_571 = arith.minimumf %scan3A_532, %min3A_569 : vector<16xf32>
      %max3A_572 = arith.maximumf %scan3A_533, %min3A_571 : vector<16xf32>
      %max3A_573 = arith.maximumf %max3A_570, %min3A_566 : vector<16xf32>
      %min3A_574 = arith.minimumf %max3A_570, %min3A_566 : vector<16xf32>
      %max3A_575 = arith.maximumf %max3A_572, %min3A_574 : vector<16xf32>
      %max3A_576 = arith.maximumf %max3A_573, %max3A_567 : vector<16xf32>
      %min3A_577 = arith.minimumf %max3A_573, %max3A_567 : vector<16xf32>
      %max3A_578 = arith.maximumf %max3A_575, %min3A_577 : vector<16xf32>
      %add3A_579 = arith.constant 64 : i32
      %add3A_580 = arith.addi %mul3A_544, %add3A_579 : i32
      %get3A_581 = arith.index_cast %add3A_580 : i32 to index
      %get3A_582 = tpu.vector_load %arg6[%get3A_581] {strides = array<i32>} : memref<16384xf32, #tpu.memory_space<vmem>>, vector<16xf32>,
      %add3A_583 = arith.constant 80 : i32
      %add3A_584 = arith.addi %mul3A_544, %add3A_583 : i32
      %get3A_585 = arith.index_cast %add3A_584 : i32 to index
      %get3A_586 = tpu.vector_load %arg6[%get3A_585] {strides = array<i32>} : memref<16384xf32, #tpu.memory_space<vmem>>, vector<16xf32>,
      %add3A_587 = arith.constant 96 : i32
      %add3A_588 = arith.addi %mul3A_544, %add3A_587 : i32
      %get3A_589 = arith.index_cast %add3A_588 : i32 to index
      %get3A_590 = tpu.vector_load %arg6[%get3A_589] {strides = array<i32>} : memref<16384xf32, #tpu.memory_space<vmem>>, vector<16xf32>,
      %add3A_591 = arith.constant 112 : i32
      %add3A_592 = arith.addi %mul3A_544, %add3A_591 : i32
      %get3A_593 = arith.index_cast %add3A_592 : i32 to index
      %get3A_594 = tpu.vector_load %arg6[%get3A_593] {strides = array<i32>} : memref<16384xf32, #tpu.memory_space<vmem>>, vector<16xf32>,
      %max3A_595 = arith.maximumf %get3A_582, %get3A_586 : vector<16xf32>
      %min3A_596 = arith.minimumf %get3A_582, %get3A_586 : vector<16xf32>
      %max3A_597 = arith.maximumf %get3A_590, %get3A_594 : vector<16xf32>
      %min3A_598 = arith.minimumf %get3A_590, %get3A_594 : vector<16xf32>
      %max3A_599 = arith.maximumf %max3A_595, %max3A_597 : vector<16xf32>
      %min3A_600 = arith.minimumf %max3A_595, %max3A_597 : vector<16xf32>
      %max3A_601 = arith.maximumf %min3A_596, %min3A_598 : vector<16xf32>
      %max3A_602 = arith.maximumf %scan3A_534, %max3A_599 : vector<16xf32>
      %min3A_603 = arith.minimumf %scan3A_534, %max3A_599 : vector<16xf32>
      %max3A_604 = arith.maximumf %scan3A_535, %min3A_603 : vector<16xf32>
      %min3A_605 = arith.minimumf %scan3A_535, %min3A_603 : vector<16xf32>
      %max3A_606 = arith.maximumf %scan3A_536, %min3A_605 : vector<16xf32>
      %max3A_607 = arith.maximumf %max3A_604, %min3A_600 : vector<16xf32>
      %min3A_608 = arith.minimumf %max3A_604, %min3A_600 : vector<16xf32>
      %max3A_609 = arith.maximumf %max3A_606, %min3A_608 : vector<16xf32>
      %max3A_610 = arith.maximumf %max3A_607, %max3A_601 : vector<16xf32>
      %min3A_611 = arith.minimumf %max3A_607, %max3A_601 : vector<16xf32>
      %max3A_612 = arith.maximumf %max3A_609, %min3A_611 : vector<16xf32>
      %add3A_613 = arith.constant 128 : i32
      %add3A_614 = arith.addi %mul3A_544, %add3A_613 : i32
      %get3A_615 = arith.index_cast %add3A_614 : i32 to index
      %get3A_616 = tpu.vector_load %arg6[%get3A_615] {strides = array<i32>} : memref<16384xf32, #tpu.memory_space<vmem>>, vector<16xf32>,
      %add3A_617 = arith.constant 144 : i32
      %add3A_618 = arith.addi %mul3A_544, %add3A_617 : i32
      %get3A_619 = arith.index_cast %add3A_618 : i32 to index
      %get3A_620 = tpu.vector_load %arg6[%get3A_619] {strides = array<i32>} : memref<16384xf32, #tpu.memory_space<vmem>>, vector<16xf32>,
      %add3A_621 = arith.constant 160 : i32
      %add3A_622 = arith.addi %mul3A_544, %add3A_621 : i32
      %get3A_623 = arith.index_cast %add3A_622 : i32 to index
      %get3A_624 = tpu.vector_load %arg6[%get3A_623] {strides = array<i32>} : memref<16384xf32, #tpu.memory_space<vmem>>, vector<16xf32>,
      %add3A_625 = arith.constant 176 : i32
      %add3A_626 = arith.addi %mul3A_544, %add3A_625 : i32
      %get3A_627 = arith.index_cast %add3A_626 : i32 to index
      %get3A_628 = tpu.vector_load %arg6[%get3A_627] {strides = array<i32>} : memref<16384xf32, #tpu.memory_space<vmem>>, vector<16xf32>,
      %max3A_629 = arith.maximumf %get3A_616, %get3A_620 : vector<16xf32>
      %min3A_630 = arith.minimumf %get3A_616, %get3A_620 : vector<16xf32>
      %max3A_631 = arith.maximumf %get3A_624, %get3A_628 : vector<16xf32>
      %min3A_632 = arith.minimumf %get3A_624, %get3A_628 : vector<16xf32>
      %max3A_633 = arith.maximumf %max3A_629, %max3A_631 : vector<16xf32>
      %min3A_634 = arith.minimumf %max3A_629, %max3A_631 : vector<16xf32>
      %max3A_635 = arith.maximumf %min3A_630, %min3A_632 : vector<16xf32>
      %max3A_636 = arith.maximumf %scan3A_537, %max3A_633 : vector<16xf32>
      %min3A_637 = arith.minimumf %scan3A_537, %max3A_633 : vector<16xf32>
      %max3A_638 = arith.maximumf %scan3A_538, %min3A_637 : vector<16xf32>
      %min3A_639 = arith.minimumf %scan3A_538, %min3A_637 : vector<16xf32>
      %max3A_640 = arith.maximumf %scan3A_539, %min3A_639 : vector<16xf32>
      %max3A_641 = arith.maximumf %max3A_638, %min3A_634 : vector<16xf32>
      %min3A_642 = arith.minimumf %max3A_638, %min3A_634 : vector<16xf32>
      %max3A_643 = arith.maximumf %max3A_640, %min3A_642 : vector<16xf32>
      %max3A_644 = arith.maximumf %max3A_641, %max3A_635 : vector<16xf32>
      %min3A_645 = arith.minimumf %max3A_641, %max3A_635 : vector<16xf32>
      %max3A_646 = arith.maximumf %max3A_643, %min3A_645 : vector<16xf32>
      %add3A_647 = arith.constant 192 : i32
      %add3A_648 = arith.addi %mul3A_544, %add3A_647 : i32
      %get3A_649 = arith.index_cast %add3A_648 : i32 to index
      %get3A_650 = tpu.vector_load %arg6[%get3A_649] {strides = array<i32>} : memref<16384xf32, #tpu.memory_space<vmem>>, vector<16xf32>,
      %add3A_651 = arith.constant 208 : i32
      %add3A_652 = arith.addi %mul3A_544, %add3A_651 : i32
      %get3A_653 = arith.index_cast %add3A_652 : i32 to index
      %get3A_654 = tpu.vector_load %arg6[%get3A_653] {strides = array<i32>} : memref<16384xf32, #tpu.memory_space<vmem>>, vector<16xf32>,
      %add3A_655 = arith.constant 224 : i32
      %add3A_656 = arith.addi %mul3A_544, %add3A_655 : i32
      %get3A_657 = arith.index_cast %add3A_656 : i32 to index
      %get3A_658 = tpu.vector_load %arg6[%get3A_657] {strides = array<i32>} : memref<16384xf32, #tpu.memory_space<vmem>>, vector<16xf32>,
      %add3A_659 = arith.constant 240 : i32
      %add3A_660 = arith.addi %mul3A_544, %add3A_659 : i32
      %get3A_661 = arith.index_cast %add3A_660 : i32 to index
      %get3A_662 = tpu.vector_load %arg6[%get3A_661] {strides = array<i32>} : memref<16384xf32, #tpu.memory_space<vmem>>, vector<16xf32>,
      %max3A_663 = arith.maximumf %get3A_650, %get3A_654 : vector<16xf32>
      %min3A_664 = arith.minimumf %get3A_650, %get3A_654 : vector<16xf32>
      %max3A_665 = arith.maximumf %get3A_658, %get3A_662 : vector<16xf32>
      %min3A_666 = arith.minimumf %get3A_658, %get3A_662 : vector<16xf32>
      %max3A_667 = arith.maximumf %max3A_663, %max3A_665 : vector<16xf32>
      %min3A_668 = arith.minimumf %max3A_663, %max3A_665 : vector<16xf32>
      %max3A_669 = arith.maximumf %min3A_664, %min3A_666 : vector<16xf32>
      %max3A_670 = arith.maximumf %scan3A_540, %max3A_667 : vector<16xf32>
      %min3A_671 = arith.minimumf %scan3A_540, %max3A_667 : vector<16xf32>
      %max3A_672 = arith.maximumf %scan3A_541, %min3A_671 : vector<16xf32>
      %min3A_673 = arith.minimumf %scan3A_541, %min3A_671 : vector<16xf32>
      %max3A_674 = arith.maximumf %scan3A_542, %min3A_673 : vector<16xf32>
      %max3A_675 = arith.maximumf %max3A_672, %min3A_668 : vector<16xf32>
      %min3A_676 = arith.minimumf %max3A_672, %min3A_668 : vector<16xf32>
      %max3A_677 = arith.maximumf %max3A_674, %min3A_676 : vector<16xf32>
      %max3A_678 = arith.maximumf %max3A_675, %max3A_669 : vector<16xf32>
      %min3A_679 = arith.minimumf %max3A_675, %max3A_669 : vector<16xf32>
      %max3A_680 = arith.maximumf %max3A_677, %min3A_679 : vector<16xf32>
      scf.yield %max3A_568, %max3A_576, %max3A_578, %max3A_602, %max3A_610, %max3A_612, %max3A_636, %max3A_644, %max3A_646, %max3A_670, %max3A_678, %max3A_680 : vector<16xf32>, vector<16xf32>, vector<16xf32>, vector<16xf32>, vector<16xf32>, vector<16xf32>, vector<16xf32>, vector<16xf32>, vector<16xf32>, vector<16xf32>, vector<16xf32>, vector<16xf32>
    }
    %scan3A_50 = arith.constant 64 : i32
    %dma_wait3A_51 = arith.constant 0 : i32
    %dma_wait3A_52 = tpu.memref_slice %arg7[%dma_wait3A_51] : memref<16xf32, #tpu.memory_space<vmem>> -> memref<3xf32, #tpu.memory_space<vmem>>
    %dma_wait3A_53 = arith.constant 0 : i32
    %dma_wait3A_54 = tpu.memref_slice %arg7[%dma_wait3A_53] : memref<16xf32, #tpu.memory_space<vmem>> -> memref<3xf32, #tpu.memory_space<vmem>>
    tpu.wait_dma2 semaphore(%arg12 : memref<!tpu.dma_semaphore, #tpu.memory_space<semaphore_mem>>) src(%arg3 : memref<3xf32, #tpu.memory_space<hbm>>) dst(%dma_wait3A_54 : memref<3xf32, #tpu.memory_space<vmem>>)
    %get3A = arith.constant 0 : index
    %get3A_55 = tpu.vector_load %arg7[%get3A] {strides = array<i32>} : memref<16xf32, #tpu.memory_space<vmem>>, vector<16xf32>,
    %max3A = arith.maximumf %scan3A_49#0, %scan3A_49#3 : vector<16xf32>
    %min3A = arith.minimumf %scan3A_49#0, %scan3A_49#3 : vector<16xf32>
    %max3A_56 = arith.maximumf %scan3A_49#1, %min3A : vector<16xf32>
    %min3A_57 = arith.minimumf %scan3A_49#1, %min3A : vector<16xf32>
    %max3A_58 = arith.maximumf %scan3A_49#2, %min3A_57 : vector<16xf32>
    %max3A_59 = arith.maximumf %max3A_56, %scan3A_49#4 : vector<16xf32>
    %min3A_60 = arith.minimumf %max3A_56, %scan3A_49#4 : vector<16xf32>
    %max3A_61 = arith.maximumf %max3A_58, %min3A_60 : vector<16xf32>
    %max3A_62 = arith.maximumf %max3A_59, %scan3A_49#5 : vector<16xf32>
    %min3A_63 = arith.minimumf %max3A_59, %scan3A_49#5 : vector<16xf32>
    %max3A_64 = arith.maximumf %max3A_61, %min3A_63 : vector<16xf32>
    %max3A_65 = arith.maximumf %max3A, %scan3A_49#6 : vector<16xf32>
    %min3A_66 = arith.minimumf %max3A, %scan3A_49#6 : vector<16xf32>
    %max3A_67 = arith.maximumf %max3A_62, %min3A_66 : vector<16xf32>
    %min3A_68 = arith.minimumf %max3A_62, %min3A_66 : vector<16xf32>
    %max3A_69 = arith.maximumf %max3A_64, %min3A_68 : vector<16xf32>
    %max3A_70 = arith.maximumf %max3A_67, %scan3A_49#7 : vector<16xf32>
    %min3A_71 = arith.minimumf %max3A_67, %scan3A_49#7 : vector<16xf32>
    %max3A_72 = arith.maximumf %max3A_69, %min3A_71 : vector<16xf32>
    %max3A_73 = arith.maximumf %max3A_70, %scan3A_49#8 : vector<16xf32>
    %min3A_74 = arith.minimumf %max3A_70, %scan3A_49#8 : vector<16xf32>
    %max3A_75 = arith.maximumf %max3A_72, %min3A_74 : vector<16xf32>
    %max3A_76 = arith.maximumf %max3A_65, %scan3A_49#9 : vector<16xf32>
    %min3A_77 = arith.minimumf %max3A_65, %scan3A_49#9 : vector<16xf32>
    %max3A_78 = arith.maximumf %max3A_73, %min3A_77 : vector<16xf32>
    %min3A_79 = arith.minimumf %max3A_73, %min3A_77 : vector<16xf32>
    %max3A_80 = arith.maximumf %max3A_75, %min3A_79 : vector<16xf32>
    %max3A_81 = arith.maximumf %max3A_78, %scan3A_49#10 : vector<16xf32>
    %min3A_82 = arith.minimumf %max3A_78, %scan3A_49#10 : vector<16xf32>
    %max3A_83 = arith.maximumf %max3A_80, %min3A_82 : vector<16xf32>
    %max3A_84 = arith.maximumf %max3A_81, %scan3A_49#11 : vector<16xf32>
    %min3A_85 = arith.minimumf %max3A_81, %scan3A_49#11 : vector<16xf32>
    %max3A_86 = arith.maximumf %max3A_83, %min3A_85 : vector<16xf32>
    %sort3A = arith.constant dense<true> : vector<16xi1>
    %sort3A_87, %sort3A_88, %sort3A_89 = tpu.sort %max3A_76, %max3A_76 masked %sort3A : (vector<16xf32>, vector<16xf32>, vector<16xi1>) -> (vector<16xi1>, vector<16xf32>, vector<16xf32>)
    %sort3A_90 = arith.constant dense<true> : vector<16xi1>
    %sort3A_91, %sort3A_92, %sort3A_93 = tpu.sort %max3A_84, %max3A_84 masked %sort3A_90 : (vector<16xf32>, vector<16xf32>, vector<16xi1>) -> (vector<16xi1>, vector<16xf32>, vector<16xf32>)
    %sort3A_94 = arith.constant dense<true> : vector<16xi1>
    %sort3A_95, %sort3A_96, %sort3A_97 = tpu.sort %max3A_86, %max3A_86 masked %sort3A_94 : (vector<16xf32>, vector<16xf32>, vector<16xi1>) -> (vector<16xi1>, vector<16xf32>, vector<16xf32>)
    %swap3A = arith.constant 0 : index
    %swap3A_98 = tpu.vector_load %arg8[%swap3A] {strides = array<i32>} : memref<16xf32, #tpu.memory_space<vmem>>, vector<16xf32>,
    tpu.vector_store %arg8[%swap3A], %sort3A_92 {strides = array<i32>} : memref<16xf32, #tpu.memory_space<vmem>>, vector<16xf32>,
    %add3A_99 = arith.constant 3 : i32
    %add3A_100 = vector.broadcast %add3A_99 : i32 to vector<16xi32>
    %add3A_101 = arith.addi %iota3A, %add3A_100 : vector<16xi32>
    %and3A = arith.constant 15 : i32
    %and3A_102 = vector.broadcast %and3A : i32 to vector<16xi32>
    %and3A_103 = arith.andi %add3A_101, %and3A_102 : vector<16xi32>
    %gather3A = tpu.vector_load_idx %arg8[%and3A_103] : memref<16xf32, #tpu.memory_space<vmem>>[vector<16xi32>], vector<16xf32>,
    %swap3A_104 = arith.constant 0 : index
    %swap3A_105 = tpu.vector_load %arg8[%swap3A_104] {strides = array<i32>} : memref<16xf32, #tpu.memory_space<vmem>>, vector<16xf32>,
    tpu.vector_store %arg8[%swap3A_104], %sort3A_96 {strides = array<i32>} : memref<16xf32, #tpu.memory_space<vmem>>, vector<16xf32>,
    %add3A_106 = arith.constant 6 : i32
    %add3A_107 = vector.broadcast %add3A_106 : i32 to vector<16xi32>
    %add3A_108 = arith.addi %iota3A, %add3A_107 : vector<16xi32>
    %and3A_109 = arith.constant 15 : i32
    %and3A_110 = vector.broadcast %and3A_109 : i32 to vector<16xi32>
    %and3A_111 = arith.andi %add3A_108, %and3A_110 : vector<16xi32>
    %gather3A_112 = tpu.vector_load_idx %arg8[%and3A_111] : memref<16xf32, #tpu.memory_space<vmem>>[vector<16xi32>], vector<16xf32>,
    %ge3A = arith.constant 13 : i32
    %ge3A_113 = vector.broadcast %ge3A : i32 to vector<16xi32>
    %ge3A_114 = arith.cmpi sge, %iota3A, %ge3A_113 : vector<16xi32>
    %ge3A_115 = arith.constant 10 : i32
    %ge3A_116 = vector.broadcast %ge3A_115 : i32 to vector<16xi32>
    %ge3A_117 = arith.cmpi sge, %iota3A, %ge3A_116 : vector<16xi32>
    %ge3A_118 = arith.constant 7 : i32
    %ge3A_119 = vector.broadcast %ge3A_118 : i32 to vector<16xi32>
    %ge3A_120 = arith.cmpi sge, %iota3A, %ge3A_119 : vector<16xi32>
    %select_n3A = arith.select %ge3A_120, %gather3A_112, %broadcast_in_dim3A_6 : vector<16xi1>, vector<16xf32>
    %select_n3A_121 = arith.select %ge3A_117, %gather3A, %select_n3A : vector<16xi1>, vector<16xf32>
    %select_n3A_122 = arith.select %ge3A_114, %sort3A_88, %select_n3A_121 : vector<16xi1>, vector<16xf32>
    %sort3A_123 = arith.constant dense<true> : vector<16xi1>
    %sort3A_124, %sort3A_125, %sort3A_126 = tpu.sort %select_n3A_122, %select_n3A_122 masked %sort3A_123 : (vector<16xf32>, vector<16xf32>, vector<16xi1>) -> (vector<16xi1>, vector<16xf32>, vector<16xf32>)
    %rev3A = arith.constant 15 : i32
    %rev3A_127 = vector.broadcast %rev3A : i32 to vector<16xi32>
    %rev3A_128 = tpu.iota {dimensions = array<i32: 0>} : vector<16xi32>
    %rev3A_129 = arith.subi %rev3A_127, %rev3A_128 : vector<16xi32>
    %rev3A_130 = tpu.dynamic_gather %sort3A_125[%rev3A_129] in [0] : vector<16xf32>, vector<16xi32> -> vector<16xf32>
    %broadcast_in_dim3A_131 = arith.constant 0 : i32
    %broadcast_in_dim3A_132 = vector.broadcast %broadcast_in_dim3A_131 : i32 to vector<16xi32>
    %mul3A_133 = arith.constant 2.000000e+00 : f32
    %mul3A_134 = vector.broadcast %mul3A_133 : f32 to vector<16xf32>
    %mul3A_135 = arith.mulf %rev3A_130, %mul3A_134 : vector<16xf32>
    %add3A_136 = arith.addf %mul3A_135, %get3A_55 : vector<16xf32>
    %lt3A = arith.constant 3 : i32
    %lt3A_137 = vector.broadcast %lt3A : i32 to vector<16xi32>
    %lt3A_138 = arith.cmpi slt, %iota3A, %lt3A_137 : vector<16xi32>
    tpu.vector_store_idx %arg9[%broadcast_in_dim3A_132, %iota3A], %add3A_136 masked %lt3A_138 : memref<4x3xf32, #tpu.memory_space<vmem>>[vector<16xi32>, vector<16xi32>], vector<16xf32>, vector<16xi1>
    %add3A_139 = arith.constant 1 : i32
    %add3A_140 = arith.addi %mul3A_2, %add3A_139 : i32
    %dma_start3A_141 = arith.constant 16384 : i32
    %dma_start3A_142 = tpu.memref_slice %arg2[%add3A_140, %dma_start3A_141] : memref<128x32768xf32, #tpu.memory_space<hbm>> -> memref<1x16384xf32, #tpu.memory_space<hbm>>
    %dma_start3A_143 = tpu.memref_squeeze %dma_start3A_142 : memref<1x16384xf32, #tpu.memory_space<hbm>> -> memref<16384xf32, #tpu.memory_space<hbm>>
    %dma_start3A_144 = arith.constant 16384 : i32
    %dma_start3A_145 = tpu.memref_slice %arg2[%add3A_140, %dma_start3A_144] : memref<128x32768xf32, #tpu.memory_space<hbm>> -> memref<1x16384xf32, #tpu.memory_space<hbm>>
    %dma_start3A_146 = tpu.memref_squeeze %dma_start3A_145 : memref<1x16384xf32, #tpu.memory_space<hbm>> -> memref<16384xf32, #tpu.memory_space<hbm>>
    tpu.enqueue_dma source(%dma_start3A_146 : memref<16384xf32, #tpu.memory_space<hbm>>) target(%arg6 : memref<16384xf32, #tpu.memory_space<vmem>>) target_semaphore(%arg11 : memref<!tpu.dma_semaphore, #tpu.memory_space<semaphore_mem>>)
    %dma_wait3A_147 = arith.constant 0 : i32
    %dma_wait3A_148 = tpu.memref_slice %arg2[%add3A_32, %dma_wait3A_147] : memref<128x32768xf32, #tpu.memory_space<hbm>> -> memref<1x16384xf32, #tpu.memory_space<hbm>>
    %dma_wait3A_149 = tpu.memref_squeeze %dma_wait3A_148 : memref<1x16384xf32, #tpu.memory_space<hbm>> -> memref<16384xf32, #tpu.memory_space<hbm>>
    %dma_wait3A_150 = arith.constant 0 : i32
    %dma_wait3A_151 = tpu.memref_slice %arg2[%add3A_32, %dma_wait3A_150] : memref<128x32768xf32, #tpu.memory_space<hbm>> -> memref<1x16384xf32, #tpu.memory_space<hbm>>
    %dma_wait3A_152 = tpu.memref_squeeze %dma_wait3A_151 : memref<1x16384xf32, #tpu.memory_space<hbm>> -> memref<16384xf32, #tpu.memory_space<hbm>>
    tpu.wait_dma2 semaphore(%arg10 : memref<!tpu.dma_semaphore, #tpu.memory_space<semaphore_mem>>) src(%dma_wait3A_152 : memref<16384xf32, #tpu.memory_space<hbm>>) dst(%arg5 : memref<16384xf32, #tpu.memory_space<vmem>>)
    %scan3A_153 = arith.constant 0 : i32
    %scan3A_154 = arith.constant 64 : i32
    %scan3A_155 = arith.addi %scan3A_153, %scan3A_154 : i32
    %scan3A_156 = arith.constant 1 : i32
    %scan3A_157:12 = scf.for %scan3A_530 = %scan3A_153 to %scan3A_155 step %scan3A_156 iter_args(%scan3A_531 = %broadcast_in_dim3A_6, %scan3A_532 = %broadcast_in_dim3A_6, %scan3A_533 = %broadcast_in_dim3A_6, %scan3A_534 = %broadcast_in_dim3A_6, %scan3A_535 = %broadcast_in_dim3A_6, %scan3A_536 = %broadcast_in_dim3A_6, %scan3A_537 = %broadcast_in_dim3A_6, %scan3A_538 = %broadcast_in_dim3A_6, %scan3A_539 = %broadcast_in_dim3A_6, %scan3A_540 = %broadcast_in_dim3A_6, %scan3A_541 = %broadcast_in_dim3A_6, %scan3A_542 = %broadcast_in_dim3A_6) -> (vector<16xf32>, vector<16xf32>, vector<16xf32>, vector<16xf32>, vector<16xf32>, vector<16xf32>, vector<16xf32>, vector<16xf32>, vector<16xf32>, vector<16xf32>, vector<16xf32>, vector<16xf32>)  : i32 {
      %mul3A_543 = arith.constant 256 : i32
      %mul3A_544 = arith.muli %scan3A_530, %mul3A_543 : i32
      %add3A_545 = arith.constant 0 : i32
      %add3A_546 = arith.addi %mul3A_544, %add3A_545 : i32
      %get3A_547 = arith.index_cast %add3A_546 : i32 to index
      %get3A_548 = tpu.vector_load %arg5[%get3A_547] {strides = array<i32>} : memref<16384xf32, #tpu.memory_space<vmem>>, vector<16xf32>,
      %add3A_549 = arith.constant 16 : i32
      %add3A_550 = arith.addi %mul3A_544, %add3A_549 : i32
      %get3A_551 = arith.index_cast %add3A_550 : i32 to index
      %get3A_552 = tpu.vector_load %arg5[%get3A_551] {strides = array<i32>} : memref<16384xf32, #tpu.memory_space<vmem>>, vector<16xf32>,
      %add3A_553 = arith.constant 32 : i32
      %add3A_554 = arith.addi %mul3A_544, %add3A_553 : i32
      %get3A_555 = arith.index_cast %add3A_554 : i32 to index
      %get3A_556 = tpu.vector_load %arg5[%get3A_555] {strides = array<i32>} : memref<16384xf32, #tpu.memory_space<vmem>>, vector<16xf32>,
      %add3A_557 = arith.constant 48 : i32
      %add3A_558 = arith.addi %mul3A_544, %add3A_557 : i32
      %get3A_559 = arith.index_cast %add3A_558 : i32 to index
      %get3A_560 = tpu.vector_load %arg5[%get3A_559] {strides = array<i32>} : memref<16384xf32, #tpu.memory_space<vmem>>, vector<16xf32>,
      %max3A_561 = arith.maximumf %get3A_548, %get3A_552 : vector<16xf32>
      %min3A_562 = arith.minimumf %get3A_548, %get3A_552 : vector<16xf32>
      %max3A_563 = arith.maximumf %get3A_556, %get3A_560 : vector<16xf32>
      %min3A_564 = arith.minimumf %get3A_556, %get3A_560 : vector<16xf32>
      %max3A_565 = arith.maximumf %max3A_561, %max3A_563 : vector<16xf32>
      %min3A_566 = arith.minimumf %max3A_561, %max3A_563 : vector<16xf32>
      %max3A_567 = arith.maximumf %min3A_562, %min3A_564 : vector<16xf32>
      %max3A_568 = arith.maximumf %scan3A_531, %max3A_565 : vector<16xf32>
      %min3A_569 = arith.minimumf %scan3A_531, %max3A_565 : vector<16xf32>
      %max3A_570 = arith.maximumf %scan3A_532, %min3A_569 : vector<16xf32>
      %min3A_571 = arith.minimumf %scan3A_532, %min3A_569 : vector<16xf32>
      %max3A_572 = arith.maximumf %scan3A_533, %min3A_571 : vector<16xf32>
      %max3A_573 = arith.maximumf %max3A_570, %min3A_566 : vector<16xf32>
      %min3A_574 = arith.minimumf %max3A_570, %min3A_566 : vector<16xf32>
      %max3A_575 = arith.maximumf %max3A_572, %min3A_574 : vector<16xf32>
      %max3A_576 = arith.maximumf %max3A_573, %max3A_567 : vector<16xf32>
      %min3A_577 = arith.minimumf %max3A_573, %max3A_567 : vector<16xf32>
      %max3A_578 = arith.maximumf %max3A_575, %min3A_577 : vector<16xf32>
      %add3A_579 = arith.constant 64 : i32
      %add3A_580 = arith.addi %mul3A_544, %add3A_579 : i32
      %get3A_581 = arith.index_cast %add3A_580 : i32 to index
      %get3A_582 = tpu.vector_load %arg5[%get3A_581] {strides = array<i32>} : memref<16384xf32, #tpu.memory_space<vmem>>, vector<16xf32>,
      %add3A_583 = arith.constant 80 : i32
      %add3A_584 = arith.addi %mul3A_544, %add3A_583 : i32
      %get3A_585 = arith.index_cast %add3A_584 : i32 to index
      %get3A_586 = tpu.vector_load %arg5[%get3A_585] {strides = array<i32>} : memref<16384xf32, #tpu.memory_space<vmem>>, vector<16xf32>,
      %add3A_587 = arith.constant 96 : i32
      %add3A_588 = arith.addi %mul3A_544, %add3A_587 : i32
      %get3A_589 = arith.index_cast %add3A_588 : i32 to index
      %get3A_590 = tpu.vector_load %arg5[%get3A_589] {strides = array<i32>} : memref<16384xf32, #tpu.memory_space<vmem>>, vector<16xf32>,
      %add3A_591 = arith.constant 112 : i32
      %add3A_592 = arith.addi %mul3A_544, %add3A_591 : i32
      %get3A_593 = arith.index_cast %add3A_592 : i32 to index
      %get3A_594 = tpu.vector_load %arg5[%get3A_593] {strides = array<i32>} : memref<16384xf32, #tpu.memory_space<vmem>>, vector<16xf32>,
      %max3A_595 = arith.maximumf %get3A_582, %get3A_586 : vector<16xf32>
      %min3A_596 = arith.minimumf %get3A_582, %get3A_586 : vector<16xf32>
      %max3A_597 = arith.maximumf %get3A_590, %get3A_594 : vector<16xf32>
      %min3A_598 = arith.minimumf %get3A_590, %get3A_594 : vector<16xf32>
      %max3A_599 = arith.maximumf %max3A_595, %max3A_597 : vector<16xf32>
      %min3A_600 = arith.minimumf %max3A_595, %max3A_597 : vector<16xf32>
      %max3A_601 = arith.maximumf %min3A_596, %min3A_598 : vector<16xf32>
      %max3A_602 = arith.maximumf %scan3A_534, %max3A_599 : vector<16xf32>
      %min3A_603 = arith.minimumf %scan3A_534, %max3A_599 : vector<16xf32>
      %max3A_604 = arith.maximumf %scan3A_535, %min3A_603 : vector<16xf32>
      %min3A_605 = arith.minimumf %scan3A_535, %min3A_603 : vector<16xf32>
      %max3A_606 = arith.maximumf %scan3A_536, %min3A_605 : vector<16xf32>
      %max3A_607 = arith.maximumf %max3A_604, %min3A_600 : vector<16xf32>
      %min3A_608 = arith.minimumf %max3A_604, %min3A_600 : vector<16xf32>
      %max3A_609 = arith.maximumf %max3A_606, %min3A_608 : vector<16xf32>
      %max3A_610 = arith.maximumf %max3A_607, %max3A_601 : vector<16xf32>
      %min3A_611 = arith.minimumf %max3A_607, %max3A_601 : vector<16xf32>
      %max3A_612 = arith.maximumf %max3A_609, %min3A_611 : vector<16xf32>
      %add3A_613 = arith.constant 128 : i32
      %add3A_614 = arith.addi %mul3A_544, %add3A_613 : i32
      %get3A_615 = arith.index_cast %add3A_614 : i32 to index
      %get3A_616 = tpu.vector_load %arg5[%get3A_615] {strides = array<i32>} : memref<16384xf32, #tpu.memory_space<vmem>>, vector<16xf32>,
      %add3A_617 = arith.constant 144 : i32
      %add3A_618 = arith.addi %mul3A_544, %add3A_617 : i32
      %get3A_619 = arith.index_cast %add3A_618 : i32 to index
      %get3A_620 = tpu.vector_load %arg5[%get3A_619] {strides = array<i32>} : memref<16384xf32, #tpu.memory_space<vmem>>, vector<16xf32>,
      %add3A_621 = arith.constant 160 : i32
      %add3A_622 = arith.addi %mul3A_544, %add3A_621 : i32
      %get3A_623 = arith.index_cast %add3A_622 : i32 to index
      %get3A_624 = tpu.vector_load %arg5[%get3A_623] {strides = array<i32>} : memref<16384xf32, #tpu.memory_space<vmem>>, vector<16xf32>,
      %add3A_625 = arith.constant 176 : i32
      %add3A_626 = arith.addi %mul3A_544, %add3A_625 : i32
      %get3A_627 = arith.index_cast %add3A_626 : i32 to index
      %get3A_628 = tpu.vector_load %arg5[%get3A_627] {strides = array<i32>} : memref<16384xf32, #tpu.memory_space<vmem>>, vector<16xf32>,
      %max3A_629 = arith.maximumf %get3A_616, %get3A_620 : vector<16xf32>
      %min3A_630 = arith.minimumf %get3A_616, %get3A_620 : vector<16xf32>
      %max3A_631 = arith.maximumf %get3A_624, %get3A_628 : vector<16xf32>
      %min3A_632 = arith.minimumf %get3A_624, %get3A_628 : vector<16xf32>
      %max3A_633 = arith.maximumf %max3A_629, %max3A_631 : vector<16xf32>
      %min3A_634 = arith.minimumf %max3A_629, %max3A_631 : vector<16xf32>
      %max3A_635 = arith.maximumf %min3A_630, %min3A_632 : vector<16xf32>
      %max3A_636 = arith.maximumf %scan3A_537, %max3A_633 : vector<16xf32>
      %min3A_637 = arith.minimumf %scan3A_537, %max3A_633 : vector<16xf32>
      %max3A_638 = arith.maximumf %scan3A_538, %min3A_637 : vector<16xf32>
      %min3A_639 = arith.minimumf %scan3A_538, %min3A_637 : vector<16xf32>
      %max3A_640 = arith.maximumf %scan3A_539, %min3A_639 : vector<16xf32>
      %max3A_641 = arith.maximumf %max3A_638, %min3A_634 : vector<16xf32>
      %min3A_642 = arith.minimumf %max3A_638, %min3A_634 : vector<16xf32>
      %max3A_643 = arith.maximumf %max3A_640, %min3A_642 : vector<16xf32>
      %max3A_644 = arith.maximumf %max3A_641, %max3A_635 : vector<16xf32>
      %min3A_645 = arith.minimumf %max3A_641, %max3A_635 : vector<16xf32>
      %max3A_646 = arith.maximumf %max3A_643, %min3A_645 : vector<16xf32>
      %add3A_647 = arith.constant 192 : i32
      %add3A_648 = arith.addi %mul3A_544, %add3A_647 : i32
      %get3A_649 = arith.index_cast %add3A_648 : i32 to index
      %get3A_650 = tpu.vector_load %arg5[%get3A_649] {strides = array<i32>} : memref<16384xf32, #tpu.memory_space<vmem>>, vector<16xf32>,
      %add3A_651 = arith.constant 208 : i32
      %add3A_652 = arith.addi %mul3A_544, %add3A_651 : i32
      %get3A_653 = arith.index_cast %add3A_652 : i32 to index
      %get3A_654 = tpu.vector_load %arg5[%get3A_653] {strides = array<i32>} : memref<16384xf32, #tpu.memory_space<vmem>>, vector<16xf32>,
      %add3A_655 = arith.constant 224 : i32
      %add3A_656 = arith.addi %mul3A_544, %add3A_655 : i32
      %get3A_657 = arith.index_cast %add3A_656 : i32 to index
      %get3A_658 = tpu.vector_load %arg5[%get3A_657] {strides = array<i32>} : memref<16384xf32, #tpu.memory_space<vmem>>, vector<16xf32>,
      %add3A_659 = arith.constant 240 : i32
      %add3A_660 = arith.addi %mul3A_544, %add3A_659 : i32
      %get3A_661 = arith.index_cast %add3A_660 : i32 to index
      %get3A_662 = tpu.vector_load %arg5[%get3A_661] {strides = array<i32>} : memref<16384xf32, #tpu.memory_space<vmem>>, vector<16xf32>,
      %max3A_663 = arith.maximumf %get3A_650, %get3A_654 : vector<16xf32>
      %min3A_664 = arith.minimumf %get3A_650, %get3A_654 : vector<16xf32>
      %max3A_665 = arith.maximumf %get3A_658, %get3A_662 : vector<16xf32>
      %min3A_666 = arith.minimumf %get3A_658, %get3A_662 : vector<16xf32>
      %max3A_667 = arith.maximumf %max3A_663, %max3A_665 : vector<16xf32>
      %min3A_668 = arith.minimumf %max3A_663, %max3A_665 : vector<16xf32>
      %max3A_669 = arith.maximumf %min3A_664, %min3A_666 : vector<16xf32>
      %max3A_670 = arith.maximumf %scan3A_540, %max3A_667 : vector<16xf32>
      %min3A_671 = arith.minimumf %scan3A_540, %max3A_667 : vector<16xf32>
      %max3A_672 = arith.maximumf %scan3A_541, %min3A_671 : vector<16xf32>
      %min3A_673 = arith.minimumf %scan3A_541, %min3A_671 : vector<16xf32>
      %max3A_674 = arith.maximumf %scan3A_542, %min3A_673 : vector<16xf32>
      %max3A_675 = arith.maximumf %max3A_672, %min3A_668 : vector<16xf32>
      %min3A_676 = arith.minimumf %max3A_672, %min3A_668 : vector<16xf32>
      %max3A_677 = arith.maximumf %max3A_674, %min3A_676 : vector<16xf32>
      %max3A_678 = arith.maximumf %max3A_675, %max3A_669 : vector<16xf32>
      %min3A_679 = arith.minimumf %max3A_675, %max3A_669 : vector<16xf32>
      %max3A_680 = arith.maximumf %max3A_677, %min3A_679 : vector<16xf32>
      scf.yield %max3A_568, %max3A_576, %max3A_578, %max3A_602, %max3A_610, %max3A_612, %max3A_636, %max3A_644, %max3A_646, %max3A_670, %max3A_678, %max3A_680 : vector<16xf32>, vector<16xf32>, vector<16xf32>, vector<16xf32>, vector<16xf32>, vector<16xf32>, vector<16xf32>, vector<16xf32>, vector<16xf32>, vector<16xf32>, vector<16xf32>, vector<16xf32>
    }
    %scan3A_158 = arith.constant 64 : i32
    %add3A_159 = arith.constant 2 : i32
    %add3A_160 = arith.addi %mul3A_2, %add3A_159 : i32
    %dma_start3A_161 = arith.constant 0 : i32
    %dma_start3A_162 = tpu.memref_slice %arg2[%add3A_160, %dma_start3A_161] : memref<128x32768xf32, #tpu.memory_space<hbm>> -> memref<1x16384xf32, #tpu.memory_space<hbm>>
    %dma_start3A_163 = tpu.memref_squeeze %dma_start3A_162 : memref<1x16384xf32, #tpu.memory_space<hbm>> -> memref<16384xf32, #tpu.memory_space<hbm>>
    %dma_start3A_164 = arith.constant 0 : i32
    %dma_start3A_165 = tpu.memref_slice %arg2[%add3A_160, %dma_start3A_164] : memref<128x32768xf32, #tpu.memory_space<hbm>> -> memref<1x16384xf32, #tpu.memory_space<hbm>>
    %dma_start3A_166 = tpu.memref_squeeze %dma_start3A_165 : memref<1x16384xf32, #tpu.memory_space<hbm>> -> memref<16384xf32, #tpu.memory_space<hbm>>
    tpu.enqueue_dma source(%dma_start3A_166 : memref<16384xf32, #tpu.memory_space<hbm>>) target(%arg5 : memref<16384xf32, #tpu.memory_space<vmem>>) target_semaphore(%arg10 : memref<!tpu.dma_semaphore, #tpu.memory_space<semaphore_mem>>)
    %dma_wait3A_167 = arith.constant 16384 : i32
    %dma_wait3A_168 = tpu.memref_slice %arg2[%add3A_140, %dma_wait3A_167] : memref<128x32768xf32, #tpu.memory_space<hbm>> -> memref<1x16384xf32, #tpu.memory_space<hbm>>
    %dma_wait3A_169 = tpu.memref_squeeze %dma_wait3A_168 : memref<1x16384xf32, #tpu.memory_space<hbm>> -> memref<16384xf32, #tpu.memory_space<hbm>>
    %dma_wait3A_170 = arith.constant 16384 : i32
    %dma_wait3A_171 = tpu.memref_slice %arg2[%add3A_140, %dma_wait3A_170] : memref<128x32768xf32, #tpu.memory_space<hbm>> -> memref<1x16384xf32, #tpu.memory_space<hbm>>
    %dma_wait3A_172 = tpu.memref_squeeze %dma_wait3A_171 : memref<1x16384xf32, #tpu.memory_space<hbm>> -> memref<16384xf32, #tpu.memory_space<hbm>>
    tpu.wait_dma2 semaphore(%arg11 : memref<!tpu.dma_semaphore, #tpu.memory_space<semaphore_mem>>) src(%dma_wait3A_172 : memref<16384xf32, #tpu.memory_space<hbm>>) dst(%arg6 : memref<16384xf32, #tpu.memory_space<vmem>>)
    %scan3A_173 = arith.constant 0 : i32
    %scan3A_174 = arith.constant 64 : i32
    %scan3A_175 = arith.addi %scan3A_173, %scan3A_174 : i32
    %scan3A_176 = arith.constant 1 : i32
    %scan3A_177:12 = scf.for %scan3A_530 = %scan3A_173 to %scan3A_175 step %scan3A_176 iter_args(%scan3A_531 = %scan3A_157#0, %scan3A_532 = %scan3A_157#1, %scan3A_533 = %scan3A_157#2, %scan3A_534 = %scan3A_157#3, %scan3A_535 = %scan3A_157#4, %scan3A_536 = %scan3A_157#5, %scan3A_537 = %scan3A_157#6, %scan3A_538 = %scan3A_157#7, %scan3A_539 = %scan3A_157#8, %scan3A_540 = %scan3A_157#9, %scan3A_541 = %scan3A_157#10, %scan3A_542 = %scan3A_157#11) -> (vector<16xf32>, vector<16xf32>, vector<16xf32>, vector<16xf32>, vector<16xf32>, vector<16xf32>, vector<16xf32>, vector<16xf32>, vector<16xf32>, vector<16xf32>, vector<16xf32>, vector<16xf32>)  : i32 {
      %mul3A_543 = arith.constant 256 : i32
      %mul3A_544 = arith.muli %scan3A_530, %mul3A_543 : i32
      %add3A_545 = arith.constant 0 : i32
      %add3A_546 = arith.addi %mul3A_544, %add3A_545 : i32
      %get3A_547 = arith.index_cast %add3A_546 : i32 to index
      %get3A_548 = tpu.vector_load %arg6[%get3A_547] {strides = array<i32>} : memref<16384xf32, #tpu.memory_space<vmem>>, vector<16xf32>,
      %add3A_549 = arith.constant 16 : i32
      %add3A_550 = arith.addi %mul3A_544, %add3A_549 : i32
      %get3A_551 = arith.index_cast %add3A_550 : i32 to index
      %get3A_552 = tpu.vector_load %arg6[%get3A_551] {strides = array<i32>} : memref<16384xf32, #tpu.memory_space<vmem>>, vector<16xf32>,
      %add3A_553 = arith.constant 32 : i32
      %add3A_554 = arith.addi %mul3A_544, %add3A_553 : i32
      %get3A_555 = arith.index_cast %add3A_554 : i32 to index
      %get3A_556 = tpu.vector_load %arg6[%get3A_555] {strides = array<i32>} : memref<16384xf32, #tpu.memory_space<vmem>>, vector<16xf32>,
      %add3A_557 = arith.constant 48 : i32
      %add3A_558 = arith.addi %mul3A_544, %add3A_557 : i32
      %get3A_559 = arith.index_cast %add3A_558 : i32 to index
      %get3A_560 = tpu.vector_load %arg6[%get3A_559] {strides = array<i32>} : memref<16384xf32, #tpu.memory_space<vmem>>, vector<16xf32>,
      %max3A_561 = arith.maximumf %get3A_548, %get3A_552 : vector<16xf32>
      %min3A_562 = arith.minimumf %get3A_548, %get3A_552 : vector<16xf32>
      %max3A_563 = arith.maximumf %get3A_556, %get3A_560 : vector<16xf32>
      %min3A_564 = arith.minimumf %get3A_556, %get3A_560 : vector<16xf32>
      %max3A_565 = arith.maximumf %max3A_561, %max3A_563 : vector<16xf32>
      %min3A_566 = arith.minimumf %max3A_561, %max3A_563 : vector<16xf32>
      %max3A_567 = arith.maximumf %min3A_562, %min3A_564 : vector<16xf32>
      %max3A_568 = arith.maximumf %scan3A_531, %max3A_565 : vector<16xf32>
      %min3A_569 = arith.minimumf %scan3A_531, %max3A_565 : vector<16xf32>
      %max3A_570 = arith.maximumf %scan3A_532, %min3A_569 : vector<16xf32>
      %min3A_571 = arith.minimumf %scan3A_532, %min3A_569 : vector<16xf32>
      %max3A_572 = arith.maximumf %scan3A_533, %min3A_571 : vector<16xf32>
      %max3A_573 = arith.maximumf %max3A_570, %min3A_566 : vector<16xf32>
      %min3A_574 = arith.minimumf %max3A_570, %min3A_566 : vector<16xf32>
      %max3A_575 = arith.maximumf %max3A_572, %min3A_574 : vector<16xf32>
      %max3A_576 = arith.maximumf %max3A_573, %max3A_567 : vector<16xf32>
      %min3A_577 = arith.minimumf %max3A_573, %max3A_567 : vector<16xf32>
      %max3A_578 = arith.maximumf %max3A_575, %min3A_577 : vector<16xf32>
      %add3A_579 = arith.constant 64 : i32
      %add3A_580 = arith.addi %mul3A_544, %add3A_579 : i32
      %get3A_581 = arith.index_cast %add3A_580 : i32 to index
      %get3A_582 = tpu.vector_load %arg6[%get3A_581] {strides = array<i32>} : memref<16384xf32, #tpu.memory_space<vmem>>, vector<16xf32>,
      %add3A_583 = arith.constant 80 : i32
      %add3A_584 = arith.addi %mul3A_544, %add3A_583 : i32
      %get3A_585 = arith.index_cast %add3A_584 : i32 to index
      %get3A_586 = tpu.vector_load %arg6[%get3A_585] {strides = array<i32>} : memref<16384xf32, #tpu.memory_space<vmem>>, vector<16xf32>,
      %add3A_587 = arith.constant 96 : i32
      %add3A_588 = arith.addi %mul3A_544, %add3A_587 : i32
      %get3A_589 = arith.index_cast %add3A_588 : i32 to index
      %get3A_590 = tpu.vector_load %arg6[%get3A_589] {strides = array<i32>} : memref<16384xf32, #tpu.memory_space<vmem>>, vector<16xf32>,
      %add3A_591 = arith.constant 112 : i32
      %add3A_592 = arith.addi %mul3A_544, %add3A_591 : i32
      %get3A_593 = arith.index_cast %add3A_592 : i32 to index
      %get3A_594 = tpu.vector_load %arg6[%get3A_593] {strides = array<i32>} : memref<16384xf32, #tpu.memory_space<vmem>>, vector<16xf32>,
      %max3A_595 = arith.maximumf %get3A_582, %get3A_586 : vector<16xf32>
      %min3A_596 = arith.minimumf %get3A_582, %get3A_586 : vector<16xf32>
      %max3A_597 = arith.maximumf %get3A_590, %get3A_594 : vector<16xf32>
      %min3A_598 = arith.minimumf %get3A_590, %get3A_594 : vector<16xf32>
      %max3A_599 = arith.maximumf %max3A_595, %max3A_597 : vector<16xf32>
      %min3A_600 = arith.minimumf %max3A_595, %max3A_597 : vector<16xf32>
      %max3A_601 = arith.maximumf %min3A_596, %min3A_598 : vector<16xf32>
      %max3A_602 = arith.maximumf %scan3A_534, %max3A_599 : vector<16xf32>
      %min3A_603 = arith.minimumf %scan3A_534, %max3A_599 : vector<16xf32>
      %max3A_604 = arith.maximumf %scan3A_535, %min3A_603 : vector<16xf32>
      %min3A_605 = arith.minimumf %scan3A_535, %min3A_603 : vector<16xf32>
      %max3A_606 = arith.maximumf %scan3A_536, %min3A_605 : vector<16xf32>
      %max3A_607 = arith.maximumf %max3A_604, %min3A_600 : vector<16xf32>
      %min3A_608 = arith.minimumf %max3A_604, %min3A_600 : vector<16xf32>
      %max3A_609 = arith.maximumf %max3A_606, %min3A_608 : vector<16xf32>
      %max3A_610 = arith.maximumf %max3A_607, %max3A_601 : vector<16xf32>
      %min3A_611 = arith.minimumf %max3A_607, %max3A_601 : vector<16xf32>
      %max3A_612 = arith.maximumf %max3A_609, %min3A_611 : vector<16xf32>
      %add3A_613 = arith.constant 128 : i32
      %add3A_614 = arith.addi %mul3A_544, %add3A_613 : i32
      %get3A_615 = arith.index_cast %add3A_614 : i32 to index
      %get3A_616 = tpu.vector_load %arg6[%get3A_615] {strides = array<i32>} : memref<16384xf32, #tpu.memory_space<vmem>>, vector<16xf32>,
      %add3A_617 = arith.constant 144 : i32
      %add3A_618 = arith.addi %mul3A_544, %add3A_617 : i32
      %get3A_619 = arith.index_cast %add3A_618 : i32 to index
      %get3A_620 = tpu.vector_load %arg6[%get3A_619] {strides = array<i32>} : memref<16384xf32, #tpu.memory_space<vmem>>, vector<16xf32>,
      %add3A_621 = arith.constant 160 : i32
      %add3A_622 = arith.addi %mul3A_544, %add3A_621 : i32
      %get3A_623 = arith.index_cast %add3A_622 : i32 to index
      %get3A_624 = tpu.vector_load %arg6[%get3A_623] {strides = array<i32>} : memref<16384xf32, #tpu.memory_space<vmem>>, vector<16xf32>,
      %add3A_625 = arith.constant 176 : i32
      %add3A_626 = arith.addi %mul3A_544, %add3A_625 : i32
      %get3A_627 = arith.index_cast %add3A_626 : i32 to index
      %get3A_628 = tpu.vector_load %arg6[%get3A_627] {strides = array<i32>} : memref<16384xf32, #tpu.memory_space<vmem>>, vector<16xf32>,
      %max3A_629 = arith.maximumf %get3A_616, %get3A_620 : vector<16xf32>
      %min3A_630 = arith.minimumf %get3A_616, %get3A_620 : vector<16xf32>
      %max3A_631 = arith.maximumf %get3A_624, %get3A_628 : vector<16xf32>
      %min3A_632 = arith.minimumf %get3A_624, %get3A_628 : vector<16xf32>
      %max3A_633 = arith.maximumf %max3A_629, %max3A_631 : vector<16xf32>
      %min3A_634 = arith.minimumf %max3A_629, %max3A_631 : vector<16xf32>
      %max3A_635 = arith.maximumf %min3A_630, %min3A_632 : vector<16xf32>
      %max3A_636 = arith.maximumf %scan3A_537, %max3A_633 : vector<16xf32>
      %min3A_637 = arith.minimumf %scan3A_537, %max3A_633 : vector<16xf32>
      %max3A_638 = arith.maximumf %scan3A_538, %min3A_637 : vector<16xf32>
      %min3A_639 = arith.minimumf %scan3A_538, %min3A_637 : vector<16xf32>
      %max3A_640 = arith.maximumf %scan3A_539, %min3A_639 : vector<16xf32>
      %max3A_641 = arith.maximumf %max3A_638, %min3A_634 : vector<16xf32>
      %min3A_642 = arith.minimumf %max3A_638, %min3A_634 : vector<16xf32>
      %max3A_643 = arith.maximumf %max3A_640, %min3A_642 : vector<16xf32>
      %max3A_644 = arith.maximumf %max3A_641, %max3A_635 : vector<16xf32>
      %min3A_645 = arith.minimumf %max3A_641, %max3A_635 : vector<16xf32>
      %max3A_646 = arith.maximumf %max3A_643, %min3A_645 : vector<16xf32>
      %add3A_647 = arith.constant 192 : i32
      %add3A_648 = arith.addi %mul3A_544, %add3A_647 : i32
      %get3A_649 = arith.index_cast %add3A_648 : i32 to index
      %get3A_650 = tpu.vector_load %arg6[%get3A_649] {strides = array<i32>} : memref<16384xf32, #tpu.memory_space<vmem>>, vector<16xf32>,
      %add3A_651 = arith.constant 208 : i32
      %add3A_652 = arith.addi %mul3A_544, %add3A_651 : i32
      %get3A_653 = arith.index_cast %add3A_652 : i32 to index
      %get3A_654 = tpu.vector_load %arg6[%get3A_653] {strides = array<i32>} : memref<16384xf32, #tpu.memory_space<vmem>>, vector<16xf32>,
      %add3A_655 = arith.constant 224 : i32
      %add3A_656 = arith.addi %mul3A_544, %add3A_655 : i32
      %get3A_657 = arith.index_cast %add3A_656 : i32 to index
      %get3A_658 = tpu.vector_load %arg6[%get3A_657] {strides = array<i32>} : memref<16384xf32, #tpu.memory_space<vmem>>, vector<16xf32>,
      %add3A_659 = arith.constant 240 : i32
      %add3A_660 = arith.addi %mul3A_544, %add3A_659 : i32
      %get3A_661 = arith.index_cast %add3A_660 : i32 to index
      %get3A_662 = tpu.vector_load %arg6[%get3A_661] {strides = array<i32>} : memref<16384xf32, #tpu.memory_space<vmem>>, vector<16xf32>,
      %max3A_663 = arith.maximumf %get3A_650, %get3A_654 : vector<16xf32>
      %min3A_664 = arith.minimumf %get3A_650, %get3A_654 : vector<16xf32>
      %max3A_665 = arith.maximumf %get3A_658, %get3A_662 : vector<16xf32>
      %min3A_666 = arith.minimumf %get3A_658, %get3A_662 : vector<16xf32>
      %max3A_667 = arith.maximumf %max3A_663, %max3A_665 : vector<16xf32>
      %min3A_668 = arith.minimumf %max3A_663, %max3A_665 : vector<16xf32>
      %max3A_669 = arith.maximumf %min3A_664, %min3A_666 : vector<16xf32>
      %max3A_670 = arith.maximumf %scan3A_540, %max3A_667 : vector<16xf32>
      %min3A_671 = arith.minimumf %scan3A_540, %max3A_667 : vector<16xf32>
      %max3A_672 = arith.maximumf %scan3A_541, %min3A_671 : vector<16xf32>
      %min3A_673 = arith.minimumf %scan3A_541, %min3A_671 : vector<16xf32>
      %max3A_674 = arith.maximumf %scan3A_542, %min3A_673 : vector<16xf32>
      %max3A_675 = arith.maximumf %max3A_672, %min3A_668 : vector<16xf32>
      %min3A_676 = arith.minimumf %max3A_672, %min3A_668 : vector<16xf32>
      %max3A_677 = arith.maximumf %max3A_674, %min3A_676 : vector<16xf32>
      %max3A_678 = arith.maximumf %max3A_675, %max3A_669 : vector<16xf32>
      %min3A_679 = arith.minimumf %max3A_675, %max3A_669 : vector<16xf32>
      %max3A_680 = arith.maximumf %max3A_677, %min3A_679 : vector<16xf32>
      scf.yield %max3A_568, %max3A_576, %max3A_578, %max3A_602, %max3A_610, %max3A_612, %max3A_636, %max3A_644, %max3A_646, %max3A_670, %max3A_678, %max3A_680 : vector<16xf32>, vector<16xf32>, vector<16xf32>, vector<16xf32>, vector<16xf32>, vector<16xf32>, vector<16xf32>, vector<16xf32>, vector<16xf32>, vector<16xf32>, vector<16xf32>, vector<16xf32>
    }
    %scan3A_178 = arith.constant 64 : i32
    %max3A_179 = arith.maximumf %scan3A_177#0, %scan3A_177#3 : vector<16xf32>
    %min3A_180 = arith.minimumf %scan3A_177#0, %scan3A_177#3 : vector<16xf32>
    %max3A_181 = arith.maximumf %scan3A_177#1, %min3A_180 : vector<16xf32>
    %min3A_182 = arith.minimumf %scan3A_177#1, %min3A_180 : vector<16xf32>
    %max3A_183 = arith.maximumf %scan3A_177#2, %min3A_182 : vector<16xf32>
    %max3A_184 = arith.maximumf %max3A_181, %scan3A_177#4 : vector<16xf32>
    %min3A_185 = arith.minimumf %max3A_181, %scan3A_177#4 : vector<16xf32>
    %max3A_186 = arith.maximumf %max3A_183, %min3A_185 : vector<16xf32>
    %max3A_187 = arith.maximumf %max3A_184, %scan3A_177#5 : vector<16xf32>
    %min3A_188 = arith.minimumf %max3A_184, %scan3A_177#5 : vector<16xf32>
    %max3A_189 = arith.maximumf %max3A_186, %min3A_188 : vector<16xf32>
    %max3A_190 = arith.maximumf %max3A_179, %scan3A_177#6 : vector<16xf32>
    %min3A_191 = arith.minimumf %max3A_179, %scan3A_177#6 : vector<16xf32>
    %max3A_192 = arith.maximumf %max3A_187, %min3A_191 : vector<16xf32>
    %min3A_193 = arith.minimumf %max3A_187, %min3A_191 : vector<16xf32>
    %max3A_194 = arith.maximumf %max3A_189, %min3A_193 : vector<16xf32>
    %max3A_195 = arith.maximumf %max3A_192, %scan3A_177#7 : vector<16xf32>
    %min3A_196 = arith.minimumf %max3A_192, %scan3A_177#7 : vector<16xf32>
    %max3A_197 = arith.maximumf %max3A_194, %min3A_196 : vector<16xf32>
    %max3A_198 = arith.maximumf %max3A_195, %scan3A_177#8 : vector<16xf32>
    %min3A_199 = arith.minimumf %max3A_195, %scan3A_177#8 : vector<16xf32>
    %max3A_200 = arith.maximumf %max3A_197, %min3A_199 : vector<16xf32>
    %max3A_201 = arith.maximumf %max3A_190, %scan3A_177#9 : vector<16xf32>
    %min3A_202 = arith.minimumf %max3A_190, %scan3A_177#9 : vector<16xf32>
    %max3A_203 = arith.maximumf %max3A_198, %min3A_202 : vector<16xf32>
    %min3A_204 = arith.minimumf %max3A_198, %min3A_202 : vector<16xf32>
    %max3A_205 = arith.maximumf %max3A_200, %min3A_204 : vector<16xf32>
    %max3A_206 = arith.maximumf %max3A_203, %scan3A_177#10 : vector<16xf32>
    %min3A_207 = arith.minimumf %max3A_203, %scan3A_177#10 : vector<16xf32>
    %max3A_208 = arith.maximumf %max3A_205, %min3A_207 : vector<16xf32>
    %max3A_209 = arith.maximumf %max3A_206, %scan3A_177#11 : vector<16xf32>
    %min3A_210 = arith.minimumf %max3A_206, %scan3A_177#11 : vector<16xf32>
    %max3A_211 = arith.maximumf %max3A_208, %min3A_210 : vector<16xf32>
    %sort3A_212 = arith.constant dense<true> : vector<16xi1>
    %sort3A_213, %sort3A_214, %sort3A_215 = tpu.sort %max3A_201, %max3A_201 masked %sort3A_212 : (vector<16xf32>, vector<16xf32>, vector<16xi1>) -> (vector<16xi1>, vector<16xf32>, vector<16xf32>)
    %sort3A_216 = arith.constant dense<true> : vector<16xi1>
    %sort3A_217, %sort3A_218, %sort3A_219 = tpu.sort %max3A_209, %max3A_209 masked %sort3A_216 : (vector<16xf32>, vector<16xf32>, vector<16xi1>) -> (vector<16xi1>, vector<16xf32>, vector<16xf32>)
    %sort3A_220 = arith.constant dense<true> : vector<16xi1>
    %sort3A_221, %sort3A_222, %sort3A_223 = tpu.sort %max3A_211, %max3A_211 masked %sort3A_220 : (vector<16xf32>, vector<16xf32>, vector<16xi1>) -> (vector<16xi1>, vector<16xf32>, vector<16xf32>)
    %swap3A_224 = arith.constant 0 : index
    %swap3A_225 = tpu.vector_load %arg8[%swap3A_224] {strides = array<i32>} : memref<16xf32, #tpu.memory_space<vmem>>, vector<16xf32>,
    tpu.vector_store %arg8[%swap3A_224], %sort3A_218 {strides = array<i32>} : memref<16xf32, #tpu.memory_space<vmem>>, vector<16xf32>,
    %add3A_226 = arith.constant 3 : i32
    %add3A_227 = vector.broadcast %add3A_226 : i32 to vector<16xi32>
    %add3A_228 = arith.addi %iota3A, %add3A_227 : vector<16xi32>
    %and3A_229 = arith.constant 15 : i32
    %and3A_230 = vector.broadcast %and3A_229 : i32 to vector<16xi32>
    %and3A_231 = arith.andi %add3A_228, %and3A_230 : vector<16xi32>
    %gather3A_232 = tpu.vector_load_idx %arg8[%and3A_231] : memref<16xf32, #tpu.memory_space<vmem>>[vector<16xi32>], vector<16xf32>,
    %swap3A_233 = arith.constant 0 : index
    %swap3A_234 = tpu.vector_load %arg8[%swap3A_233] {strides = array<i32>} : memref<16xf32, #tpu.memory_space<vmem>>, vector<16xf32>,
    tpu.vector_store %arg8[%swap3A_233], %sort3A_222 {strides = array<i32>} : memref<16xf32, #tpu.memory_space<vmem>>, vector<16xf32>,
    %add3A_235 = arith.constant 6 : i32
    %add3A_236 = vector.broadcast %add3A_235 : i32 to vector<16xi32>
    %add3A_237 = arith.addi %iota3A, %add3A_236 : vector<16xi32>
    %and3A_238 = arith.constant 15 : i32
    %and3A_239 = vector.broadcast %and3A_238 : i32 to vector<16xi32>
    %and3A_240 = arith.andi %add3A_237, %and3A_239 : vector<16xi32>
    %gather3A_241 = tpu.vector_load_idx %arg8[%and3A_240] : memref<16xf32, #tpu.memory_space<vmem>>[vector<16xi32>], vector<16xf32>,
    %ge3A_242 = arith.constant 13 : i32
    %ge3A_243 = vector.broadcast %ge3A_242 : i32 to vector<16xi32>
    %ge3A_244 = arith.cmpi sge, %iota3A, %ge3A_243 : vector<16xi32>
    %ge3A_245 = arith.constant 10 : i32
    %ge3A_246 = vector.broadcast %ge3A_245 : i32 to vector<16xi32>
    %ge3A_247 = arith.cmpi sge, %iota3A, %ge3A_246 : vector<16xi32>
    %ge3A_248 = arith.constant 7 : i32
    %ge3A_249 = vector.broadcast %ge3A_248 : i32 to vector<16xi32>
    %ge3A_250 = arith.cmpi sge, %iota3A, %ge3A_249 : vector<16xi32>
    %select_n3A_251 = arith.select %ge3A_250, %gather3A_241, %broadcast_in_dim3A_6 : vector<16xi1>, vector<16xf32>
    %select_n3A_252 = arith.select %ge3A_247, %gather3A_232, %select_n3A_251 : vector<16xi1>, vector<16xf32>
    %select_n3A_253 = arith.select %ge3A_244, %sort3A_214, %select_n3A_252 : vector<16xi1>, vector<16xf32>
    %sort3A_254 = arith.constant dense<true> : vector<16xi1>
    %sort3A_255, %sort3A_256, %sort3A_257 = tpu.sort %select_n3A_253, %select_n3A_253 masked %sort3A_254 : (vector<16xf32>, vector<16xf32>, vector<16xi1>) -> (vector<16xi1>, vector<16xf32>, vector<16xf32>)
    %rev3A_258 = arith.constant 15 : i32
    %rev3A_259 = vector.broadcast %rev3A_258 : i32 to vector<16xi32>
    %rev3A_260 = tpu.iota {dimensions = array<i32: 0>} : vector<16xi32>
    %rev3A_261 = arith.subi %rev3A_259, %rev3A_260 : vector<16xi32>
    %rev3A_262 = tpu.dynamic_gather %sort3A_256[%rev3A_261] in [0] : vector<16xf32>, vector<16xi32> -> vector<16xf32>
    %broadcast_in_dim3A_263 = arith.constant 1 : i32
    %broadcast_in_dim3A_264 = vector.broadcast %broadcast_in_dim3A_263 : i32 to vector<16xi32>
    %mul3A_265 = arith.constant 2.000000e+00 : f32
    %mul3A_266 = vector.broadcast %mul3A_265 : f32 to vector<16xf32>
    %mul3A_267 = arith.mulf %rev3A_262, %mul3A_266 : vector<16xf32>
    %add3A_268 = arith.addf %mul3A_267, %get3A_55 : vector<16xf32>
    %lt3A_269 = arith.constant 3 : i32
    %lt3A_270 = vector.broadcast %lt3A_269 : i32 to vector<16xi32>
    %lt3A_271 = arith.cmpi slt, %iota3A, %lt3A_270 : vector<16xi32>
    tpu.vector_store_idx %arg9[%broadcast_in_dim3A_264, %iota3A], %add3A_268 masked %lt3A_271 : memref<4x3xf32, #tpu.memory_space<vmem>>[vector<16xi32>, vector<16xi32>], vector<16xf32>, vector<16xi1>
    %add3A_272 = arith.constant 2 : i32
    %add3A_273 = arith.addi %mul3A_2, %add3A_272 : i32
    %dma_start3A_274 = arith.constant 16384 : i32
    %dma_start3A_275 = tpu.memref_slice %arg2[%add3A_273, %dma_start3A_274] : memref<128x32768xf32, #tpu.memory_space<hbm>> -> memref<1x16384xf32, #tpu.memory_space<hbm>>
    %dma_start3A_276 = tpu.memref_squeeze %dma_start3A_275 : memref<1x16384xf32, #tpu.memory_space<hbm>> -> memref<16384xf32, #tpu.memory_space<hbm>>
    %dma_start3A_277 = arith.constant 16384 : i32
    %dma_start3A_278 = tpu.memref_slice %arg2[%add3A_273, %dma_start3A_277] : memref<128x32768xf32, #tpu.memory_space<hbm>> -> memref<1x16384xf32, #tpu.memory_space<hbm>>
    %dma_start3A_279 = tpu.memref_squeeze %dma_start3A_278 : memref<1x16384xf32, #tpu.memory_space<hbm>> -> memref<16384xf32, #tpu.memory_space<hbm>>
    tpu.enqueue_dma source(%dma_start3A_279 : memref<16384xf32, #tpu.memory_space<hbm>>) target(%arg6 : memref<16384xf32, #tpu.memory_space<vmem>>) target_semaphore(%arg11 : memref<!tpu.dma_semaphore, #tpu.memory_space<semaphore_mem>>)
    %dma_wait3A_280 = arith.constant 0 : i32
    %dma_wait3A_281 = tpu.memref_slice %arg2[%add3A_160, %dma_wait3A_280] : memref<128x32768xf32, #tpu.memory_space<hbm>> -> memref<1x16384xf32, #tpu.memory_space<hbm>>
    %dma_wait3A_282 = tpu.memref_squeeze %dma_wait3A_281 : memref<1x16384xf32, #tpu.memory_space<hbm>> -> memref<16384xf32, #tpu.memory_space<hbm>>
    %dma_wait3A_283 = arith.constant 0 : i32
    %dma_wait3A_284 = tpu.memref_slice %arg2[%add3A_160, %dma_wait3A_283] : memref<128x32768xf32, #tpu.memory_space<hbm>> -> memref<1x16384xf32, #tpu.memory_space<hbm>>
    %dma_wait3A_285 = tpu.memref_squeeze %dma_wait3A_284 : memref<1x16384xf32, #tpu.memory_space<hbm>> -> memref<16384xf32, #tpu.memory_space<hbm>>
    tpu.wait_dma2 semaphore(%arg10 : memref<!tpu.dma_semaphore, #tpu.memory_space<semaphore_mem>>) src(%dma_wait3A_285 : memref<16384xf32, #tpu.memory_space<hbm>>) dst(%arg5 : memref<16384xf32, #tpu.memory_space<vmem>>)
    %scan3A_286 = arith.constant 0 : i32
    %scan3A_287 = arith.constant 64 : i32
    %scan3A_288 = arith.addi %scan3A_286, %scan3A_287 : i32
    %scan3A_289 = arith.constant 1 : i32
    %scan3A_290:12 = scf.for %scan3A_530 = %scan3A_286 to %scan3A_288 step %scan3A_289 iter_args(%scan3A_531 = %broadcast_in_dim3A_6, %scan3A_532 = %broadcast_in_dim3A_6, %scan3A_533 = %broadcast_in_dim3A_6, %scan3A_534 = %broadcast_in_dim3A_6, %scan3A_535 = %broadcast_in_dim3A_6, %scan3A_536 = %broadcast_in_dim3A_6, %scan3A_537 = %broadcast_in_dim3A_6, %scan3A_538 = %broadcast_in_dim3A_6, %scan3A_539 = %broadcast_in_dim3A_6, %scan3A_540 = %broadcast_in_dim3A_6, %scan3A_541 = %broadcast_in_dim3A_6, %scan3A_542 = %broadcast_in_dim3A_6) -> (vector<16xf32>, vector<16xf32>, vector<16xf32>, vector<16xf32>, vector<16xf32>, vector<16xf32>, vector<16xf32>, vector<16xf32>, vector<16xf32>, vector<16xf32>, vector<16xf32>, vector<16xf32>)  : i32 {
      %mul3A_543 = arith.constant 256 : i32
      %mul3A_544 = arith.muli %scan3A_530, %mul3A_543 : i32
      %add3A_545 = arith.constant 0 : i32
      %add3A_546 = arith.addi %mul3A_544, %add3A_545 : i32
      %get3A_547 = arith.index_cast %add3A_546 : i32 to index
      %get3A_548 = tpu.vector_load %arg5[%get3A_547] {strides = array<i32>} : memref<16384xf32, #tpu.memory_space<vmem>>, vector<16xf32>,
      %add3A_549 = arith.constant 16 : i32
      %add3A_550 = arith.addi %mul3A_544, %add3A_549 : i32
      %get3A_551 = arith.index_cast %add3A_550 : i32 to index
      %get3A_552 = tpu.vector_load %arg5[%get3A_551] {strides = array<i32>} : memref<16384xf32, #tpu.memory_space<vmem>>, vector<16xf32>,
      %add3A_553 = arith.constant 32 : i32
      %add3A_554 = arith.addi %mul3A_544, %add3A_553 : i32
      %get3A_555 = arith.index_cast %add3A_554 : i32 to index
      %get3A_556 = tpu.vector_load %arg5[%get3A_555] {strides = array<i32>} : memref<16384xf32, #tpu.memory_space<vmem>>, vector<16xf32>,
      %add3A_557 = arith.constant 48 : i32
      %add3A_558 = arith.addi %mul3A_544, %add3A_557 : i32
      %get3A_559 = arith.index_cast %add3A_558 : i32 to index
      %get3A_560 = tpu.vector_load %arg5[%get3A_559] {strides = array<i32>} : memref<16384xf32, #tpu.memory_space<vmem>>, vector<16xf32>,
      %max3A_561 = arith.maximumf %get3A_548, %get3A_552 : vector<16xf32>
      %min3A_562 = arith.minimumf %get3A_548, %get3A_552 : vector<16xf32>
      %max3A_563 = arith.maximumf %get3A_556, %get3A_560 : vector<16xf32>
      %min3A_564 = arith.minimumf %get3A_556, %get3A_560 : vector<16xf32>
      %max3A_565 = arith.maximumf %max3A_561, %max3A_563 : vector<16xf32>
      %min3A_566 = arith.minimumf %max3A_561, %max3A_563 : vector<16xf32>
      %max3A_567 = arith.maximumf %min3A_562, %min3A_564 : vector<16xf32>
      %max3A_568 = arith.maximumf %scan3A_531, %max3A_565 : vector<16xf32>
      %min3A_569 = arith.minimumf %scan3A_531, %max3A_565 : vector<16xf32>
      %max3A_570 = arith.maximumf %scan3A_532, %min3A_569 : vector<16xf32>
      %min3A_571 = arith.minimumf %scan3A_532, %min3A_569 : vector<16xf32>
      %max3A_572 = arith.maximumf %scan3A_533, %min3A_571 : vector<16xf32>
      %max3A_573 = arith.maximumf %max3A_570, %min3A_566 : vector<16xf32>
      %min3A_574 = arith.minimumf %max3A_570, %min3A_566 : vector<16xf32>
      %max3A_575 = arith.maximumf %max3A_572, %min3A_574 : vector<16xf32>
      %max3A_576 = arith.maximumf %max3A_573, %max3A_567 : vector<16xf32>
      %min3A_577 = arith.minimumf %max3A_573, %max3A_567 : vector<16xf32>
      %max3A_578 = arith.maximumf %max3A_575, %min3A_577 : vector<16xf32>
      %add3A_579 = arith.constant 64 : i32
      %add3A_580 = arith.addi %mul3A_544, %add3A_579 : i32
      %get3A_581 = arith.index_cast %add3A_580 : i32 to index
      %get3A_582 = tpu.vector_load %arg5[%get3A_581] {strides = array<i32>} : memref<16384xf32, #tpu.memory_space<vmem>>, vector<16xf32>,
      %add3A_583 = arith.constant 80 : i32
      %add3A_584 = arith.addi %mul3A_544, %add3A_583 : i32
      %get3A_585 = arith.index_cast %add3A_584 : i32 to index
      %get3A_586 = tpu.vector_load %arg5[%get3A_585] {strides = array<i32>} : memref<16384xf32, #tpu.memory_space<vmem>>, vector<16xf32>,
      %add3A_587 = arith.constant 96 : i32
      %add3A_588 = arith.addi %mul3A_544, %add3A_587 : i32
      %get3A_589 = arith.index_cast %add3A_588 : i32 to index
      %get3A_590 = tpu.vector_load %arg5[%get3A_589] {strides = array<i32>} : memref<16384xf32, #tpu.memory_space<vmem>>, vector<16xf32>,
      %add3A_591 = arith.constant 112 : i32
      %add3A_592 = arith.addi %mul3A_544, %add3A_591 : i32
      %get3A_593 = arith.index_cast %add3A_592 : i32 to index
      %get3A_594 = tpu.vector_load %arg5[%get3A_593] {strides = array<i32>} : memref<16384xf32, #tpu.memory_space<vmem>>, vector<16xf32>,
      %max3A_595 = arith.maximumf %get3A_582, %get3A_586 : vector<16xf32>
      %min3A_596 = arith.minimumf %get3A_582, %get3A_586 : vector<16xf32>
      %max3A_597 = arith.maximumf %get3A_590, %get3A_594 : vector<16xf32>
      %min3A_598 = arith.minimumf %get3A_590, %get3A_594 : vector<16xf32>
      %max3A_599 = arith.maximumf %max3A_595, %max3A_597 : vector<16xf32>
      %min3A_600 = arith.minimumf %max3A_595, %max3A_597 : vector<16xf32>
      %max3A_601 = arith.maximumf %min3A_596, %min3A_598 : vector<16xf32>
      %max3A_602 = arith.maximumf %scan3A_534, %max3A_599 : vector<16xf32>
      %min3A_603 = arith.minimumf %scan3A_534, %max3A_599 : vector<16xf32>
      %max3A_604 = arith.maximumf %scan3A_535, %min3A_603 : vector<16xf32>
      %min3A_605 = arith.minimumf %scan3A_535, %min3A_603 : vector<16xf32>
      %max3A_606 = arith.maximumf %scan3A_536, %min3A_605 : vector<16xf32>
      %max3A_607 = arith.maximumf %max3A_604, %min3A_600 : vector<16xf32>
      %min3A_608 = arith.minimumf %max3A_604, %min3A_600 : vector<16xf32>
      %max3A_609 = arith.maximumf %max3A_606, %min3A_608 : vector<16xf32>
      %max3A_610 = arith.maximumf %max3A_607, %max3A_601 : vector<16xf32>
      %min3A_611 = arith.minimumf %max3A_607, %max3A_601 : vector<16xf32>
      %max3A_612 = arith.maximumf %max3A_609, %min3A_611 : vector<16xf32>
      %add3A_613 = arith.constant 128 : i32
      %add3A_614 = arith.addi %mul3A_544, %add3A_613 : i32
      %get3A_615 = arith.index_cast %add3A_614 : i32 to index
      %get3A_616 = tpu.vector_load %arg5[%get3A_615] {strides = array<i32>} : memref<16384xf32, #tpu.memory_space<vmem>>, vector<16xf32>,
      %add3A_617 = arith.constant 144 : i32
      %add3A_618 = arith.addi %mul3A_544, %add3A_617 : i32
      %get3A_619 = arith.index_cast %add3A_618 : i32 to index
      %get3A_620 = tpu.vector_load %arg5[%get3A_619] {strides = array<i32>} : memref<16384xf32, #tpu.memory_space<vmem>>, vector<16xf32>,
      %add3A_621 = arith.constant 160 : i32
      %add3A_622 = arith.addi %mul3A_544, %add3A_621 : i32
      %get3A_623 = arith.index_cast %add3A_622 : i32 to index
      %get3A_624 = tpu.vector_load %arg5[%get3A_623] {strides = array<i32>} : memref<16384xf32, #tpu.memory_space<vmem>>, vector<16xf32>,
      %add3A_625 = arith.constant 176 : i32
      %add3A_626 = arith.addi %mul3A_544, %add3A_625 : i32
      %get3A_627 = arith.index_cast %add3A_626 : i32 to index
      %get3A_628 = tpu.vector_load %arg5[%get3A_627] {strides = array<i32>} : memref<16384xf32, #tpu.memory_space<vmem>>, vector<16xf32>,
      %max3A_629 = arith.maximumf %get3A_616, %get3A_620 : vector<16xf32>
      %min3A_630 = arith.minimumf %get3A_616, %get3A_620 : vector<16xf32>
      %max3A_631 = arith.maximumf %get3A_624, %get3A_628 : vector<16xf32>
      %min3A_632 = arith.minimumf %get3A_624, %get3A_628 : vector<16xf32>
      %max3A_633 = arith.maximumf %max3A_629, %max3A_631 : vector<16xf32>
      %min3A_634 = arith.minimumf %max3A_629, %max3A_631 : vector<16xf32>
      %max3A_635 = arith.maximumf %min3A_630, %min3A_632 : vector<16xf32>
      %max3A_636 = arith.maximumf %scan3A_537, %max3A_633 : vector<16xf32>
      %min3A_637 = arith.minimumf %scan3A_537, %max3A_633 : vector<16xf32>
      %max3A_638 = arith.maximumf %scan3A_538, %min3A_637 : vector<16xf32>
      %min3A_639 = arith.minimumf %scan3A_538, %min3A_637 : vector<16xf32>
      %max3A_640 = arith.maximumf %scan3A_539, %min3A_639 : vector<16xf32>
      %max3A_641 = arith.maximumf %max3A_638, %min3A_634 : vector<16xf32>
      %min3A_642 = arith.minimumf %max3A_638, %min3A_634 : vector<16xf32>
      %max3A_643 = arith.maximumf %max3A_640, %min3A_642 : vector<16xf32>
      %max3A_644 = arith.maximumf %max3A_641, %max3A_635 : vector<16xf32>
      %min3A_645 = arith.minimumf %max3A_641, %max3A_635 : vector<16xf32>
      %max3A_646 = arith.maximumf %max3A_643, %min3A_645 : vector<16xf32>
      %add3A_647 = arith.constant 192 : i32
      %add3A_648 = arith.addi %mul3A_544, %add3A_647 : i32
      %get3A_649 = arith.index_cast %add3A_648 : i32 to index
      %get3A_650 = tpu.vector_load %arg5[%get3A_649] {strides = array<i32>} : memref<16384xf32, #tpu.memory_space<vmem>>, vector<16xf32>,
      %add3A_651 = arith.constant 208 : i32
      %add3A_652 = arith.addi %mul3A_544, %add3A_651 : i32
      %get3A_653 = arith.index_cast %add3A_652 : i32 to index
      %get3A_654 = tpu.vector_load %arg5[%get3A_653] {strides = array<i32>} : memref<16384xf32, #tpu.memory_space<vmem>>, vector<16xf32>,
      %add3A_655 = arith.constant 224 : i32
      %add3A_656 = arith.addi %mul3A_544, %add3A_655 : i32
      %get3A_657 = arith.index_cast %add3A_656 : i32 to index
      %get3A_658 = tpu.vector_load %arg5[%get3A_657] {strides = array<i32>} : memref<16384xf32, #tpu.memory_space<vmem>>, vector<16xf32>,
      %add3A_659 = arith.constant 240 : i32
      %add3A_660 = arith.addi %mul3A_544, %add3A_659 : i32
      %get3A_661 = arith.index_cast %add3A_660 : i32 to index
      %get3A_662 = tpu.vector_load %arg5[%get3A_661] {strides = array<i32>} : memref<16384xf32, #tpu.memory_space<vmem>>, vector<16xf32>,
      %max3A_663 = arith.maximumf %get3A_650, %get3A_654 : vector<16xf32>
      %min3A_664 = arith.minimumf %get3A_650, %get3A_654 : vector<16xf32>
      %max3A_665 = arith.maximumf %get3A_658, %get3A_662 : vector<16xf32>
      %min3A_666 = arith.minimumf %get3A_658, %get3A_662 : vector<16xf32>
      %max3A_667 = arith.maximumf %max3A_663, %max3A_665 : vector<16xf32>
      %min3A_668 = arith.minimumf %max3A_663, %max3A_665 : vector<16xf32>
      %max3A_669 = arith.maximumf %min3A_664, %min3A_666 : vector<16xf32>
      %max3A_670 = arith.maximumf %scan3A_540, %max3A_667 : vector<16xf32>
      %min3A_671 = arith.minimumf %scan3A_540, %max3A_667 : vector<16xf32>
      %max3A_672 = arith.maximumf %scan3A_541, %min3A_671 : vector<16xf32>
      %min3A_673 = arith.minimumf %scan3A_541, %min3A_671 : vector<16xf32>
      %max3A_674 = arith.maximumf %scan3A_542, %min3A_673 : vector<16xf32>
      %max3A_675 = arith.maximumf %max3A_672, %min3A_668 : vector<16xf32>
      %min3A_676 = arith.minimumf %max3A_672, %min3A_668 : vector<16xf32>
      %max3A_677 = arith.maximumf %max3A_674, %min3A_676 : vector<16xf32>
      %max3A_678 = arith.maximumf %max3A_675, %max3A_669 : vector<16xf32>
      %min3A_679 = arith.minimumf %max3A_675, %max3A_669 : vector<16xf32>
      %max3A_680 = arith.maximumf %max3A_677, %min3A_679 : vector<16xf32>
      scf.yield %max3A_568, %max3A_576, %max3A_578, %max3A_602, %max3A_610, %max3A_612, %max3A_636, %max3A_644, %max3A_646, %max3A_670, %max3A_678, %max3A_680 : vector<16xf32>, vector<16xf32>, vector<16xf32>, vector<16xf32>, vector<16xf32>, vector<16xf32>, vector<16xf32>, vector<16xf32>, vector<16xf32>, vector<16xf32>, vector<16xf32>, vector<16xf32>
    }
    %scan3A_291 = arith.constant 64 : i32
    %add3A_292 = arith.constant 3 : i32
    %add3A_293 = arith.addi %mul3A_2, %add3A_292 : i32
    %dma_start3A_294 = arith.constant 0 : i32
    %dma_start3A_295 = tpu.memref_slice %arg2[%add3A_293, %dma_start3A_294] : memref<128x32768xf32, #tpu.memory_space<hbm>> -> memref<1x16384xf32, #tpu.memory_space<hbm>>
    %dma_start3A_296 = tpu.memref_squeeze %dma_start3A_295 : memref<1x16384xf32, #tpu.memory_space<hbm>> -> memref<16384xf32, #tpu.memory_space<hbm>>
    %dma_start3A_297 = arith.constant 0 : i32
    %dma_start3A_298 = tpu.memref_slice %arg2[%add3A_293, %dma_start3A_297] : memref<128x32768xf32, #tpu.memory_space<hbm>> -> memref<1x16384xf32, #tpu.memory_space<hbm>>
    %dma_start3A_299 = tpu.memref_squeeze %dma_start3A_298 : memref<1x16384xf32, #tpu.memory_space<hbm>> -> memref<16384xf32, #tpu.memory_space<hbm>>
    tpu.enqueue_dma source(%dma_start3A_299 : memref<16384xf32, #tpu.memory_space<hbm>>) target(%arg5 : memref<16384xf32, #tpu.memory_space<vmem>>) target_semaphore(%arg10 : memref<!tpu.dma_semaphore, #tpu.memory_space<semaphore_mem>>)
    %dma_wait3A_300 = arith.constant 16384 : i32
    %dma_wait3A_301 = tpu.memref_slice %arg2[%add3A_273, %dma_wait3A_300] : memref<128x32768xf32, #tpu.memory_space<hbm>> -> memref<1x16384xf32, #tpu.memory_space<hbm>>
    %dma_wait3A_302 = tpu.memref_squeeze %dma_wait3A_301 : memref<1x16384xf32, #tpu.memory_space<hbm>> -> memref<16384xf32, #tpu.memory_space<hbm>>
    %dma_wait3A_303 = arith.constant 16384 : i32
    %dma_wait3A_304 = tpu.memref_slice %arg2[%add3A_273, %dma_wait3A_303] : memref<128x32768xf32, #tpu.memory_space<hbm>> -> memref<1x16384xf32, #tpu.memory_space<hbm>>
    %dma_wait3A_305 = tpu.memref_squeeze %dma_wait3A_304 : memref<1x16384xf32, #tpu.memory_space<hbm>> -> memref<16384xf32, #tpu.memory_space<hbm>>
    tpu.wait_dma2 semaphore(%arg11 : memref<!tpu.dma_semaphore, #tpu.memory_space<semaphore_mem>>) src(%dma_wait3A_305 : memref<16384xf32, #tpu.memory_space<hbm>>) dst(%arg6 : memref<16384xf32, #tpu.memory_space<vmem>>)
    %scan3A_306 = arith.constant 0 : i32
    %scan3A_307 = arith.constant 64 : i32
    %scan3A_308 = arith.addi %scan3A_306, %scan3A_307 : i32
    %scan3A_309 = arith.constant 1 : i32
    %scan3A_310:12 = scf.for %scan3A_530 = %scan3A_306 to %scan3A_308 step %scan3A_309 iter_args(%scan3A_531 = %scan3A_290#0, %scan3A_532 = %scan3A_290#1, %scan3A_533 = %scan3A_290#2, %scan3A_534 = %scan3A_290#3, %scan3A_535 = %scan3A_290#4, %scan3A_536 = %scan3A_290#5, %scan3A_537 = %scan3A_290#6, %scan3A_538 = %scan3A_290#7, %scan3A_539 = %scan3A_290#8, %scan3A_540 = %scan3A_290#9, %scan3A_541 = %scan3A_290#10, %scan3A_542 = %scan3A_290#11) -> (vector<16xf32>, vector<16xf32>, vector<16xf32>, vector<16xf32>, vector<16xf32>, vector<16xf32>, vector<16xf32>, vector<16xf32>, vector<16xf32>, vector<16xf32>, vector<16xf32>, vector<16xf32>)  : i32 {
      %mul3A_543 = arith.constant 256 : i32
      %mul3A_544 = arith.muli %scan3A_530, %mul3A_543 : i32
      %add3A_545 = arith.constant 0 : i32
      %add3A_546 = arith.addi %mul3A_544, %add3A_545 : i32
      %get3A_547 = arith.index_cast %add3A_546 : i32 to index
      %get3A_548 = tpu.vector_load %arg6[%get3A_547] {strides = array<i32>} : memref<16384xf32, #tpu.memory_space<vmem>>, vector<16xf32>,
      %add3A_549 = arith.constant 16 : i32
      %add3A_550 = arith.addi %mul3A_544, %add3A_549 : i32
      %get3A_551 = arith.index_cast %add3A_550 : i32 to index
      %get3A_552 = tpu.vector_load %arg6[%get3A_551] {strides = array<i32>} : memref<16384xf32, #tpu.memory_space<vmem>>, vector<16xf32>,
      %add3A_553 = arith.constant 32 : i32
      %add3A_554 = arith.addi %mul3A_544, %add3A_553 : i32
      %get3A_555 = arith.index_cast %add3A_554 : i32 to index
      %get3A_556 = tpu.vector_load %arg6[%get3A_555] {strides = array<i32>} : memref<16384xf32, #tpu.memory_space<vmem>>, vector<16xf32>,
      %add3A_557 = arith.constant 48 : i32
      %add3A_558 = arith.addi %mul3A_544, %add3A_557 : i32
      %get3A_559 = arith.index_cast %add3A_558 : i32 to index
      %get3A_560 = tpu.vector_load %arg6[%get3A_559] {strides = array<i32>} : memref<16384xf32, #tpu.memory_space<vmem>>, vector<16xf32>,
      %max3A_561 = arith.maximumf %get3A_548, %get3A_552 : vector<16xf32>
      %min3A_562 = arith.minimumf %get3A_548, %get3A_552 : vector<16xf32>
      %max3A_563 = arith.maximumf %get3A_556, %get3A_560 : vector<16xf32>
      %min3A_564 = arith.minimumf %get3A_556, %get3A_560 : vector<16xf32>
      %max3A_565 = arith.maximumf %max3A_561, %max3A_563 : vector<16xf32>
      %min3A_566 = arith.minimumf %max3A_561, %max3A_563 : vector<16xf32>
      %max3A_567 = arith.maximumf %min3A_562, %min3A_564 : vector<16xf32>
      %max3A_568 = arith.maximumf %scan3A_531, %max3A_565 : vector<16xf32>
      %min3A_569 = arith.minimumf %scan3A_531, %max3A_565 : vector<16xf32>
      %max3A_570 = arith.maximumf %scan3A_532, %min3A_569 : vector<16xf32>
      %min3A_571 = arith.minimumf %scan3A_532, %min3A_569 : vector<16xf32>
      %max3A_572 = arith.maximumf %scan3A_533, %min3A_571 : vector<16xf32>
      %max3A_573 = arith.maximumf %max3A_570, %min3A_566 : vector<16xf32>
      %min3A_574 = arith.minimumf %max3A_570, %min3A_566 : vector<16xf32>
      %max3A_575 = arith.maximumf %max3A_572, %min3A_574 : vector<16xf32>
      %max3A_576 = arith.maximumf %max3A_573, %max3A_567 : vector<16xf32>
      %min3A_577 = arith.minimumf %max3A_573, %max3A_567 : vector<16xf32>
      %max3A_578 = arith.maximumf %max3A_575, %min3A_577 : vector<16xf32>
      %add3A_579 = arith.constant 64 : i32
      %add3A_580 = arith.addi %mul3A_544, %add3A_579 : i32
      %get3A_581 = arith.index_cast %add3A_580 : i32 to index
      %get3A_582 = tpu.vector_load %arg6[%get3A_581] {strides = array<i32>} : memref<16384xf32, #tpu.memory_space<vmem>>, vector<16xf32>,
      %add3A_583 = arith.constant 80 : i32
      %add3A_584 = arith.addi %mul3A_544, %add3A_583 : i32
      %get3A_585 = arith.index_cast %add3A_584 : i32 to index
      %get3A_586 = tpu.vector_load %arg6[%get3A_585] {strides = array<i32>} : memref<16384xf32, #tpu.memory_space<vmem>>, vector<16xf32>,
      %add3A_587 = arith.constant 96 : i32
      %add3A_588 = arith.addi %mul3A_544, %add3A_587 : i32
      %get3A_589 = arith.index_cast %add3A_588 : i32 to index
      %get3A_590 = tpu.vector_load %arg6[%get3A_589] {strides = array<i32>} : memref<16384xf32, #tpu.memory_space<vmem>>, vector<16xf32>,
      %add3A_591 = arith.constant 112 : i32
      %add3A_592 = arith.addi %mul3A_544, %add3A_591 : i32
      %get3A_593 = arith.index_cast %add3A_592 : i32 to index
      %get3A_594 = tpu.vector_load %arg6[%get3A_593] {strides = array<i32>} : memref<16384xf32, #tpu.memory_space<vmem>>, vector<16xf32>,
      %max3A_595 = arith.maximumf %get3A_582, %get3A_586 : vector<16xf32>
      %min3A_596 = arith.minimumf %get3A_582, %get3A_586 : vector<16xf32>
      %max3A_597 = arith.maximumf %get3A_590, %get3A_594 : vector<16xf32>
      %min3A_598 = arith.minimumf %get3A_590, %get3A_594 : vector<16xf32>
      %max3A_599 = arith.maximumf %max3A_595, %max3A_597 : vector<16xf32>
      %min3A_600 = arith.minimumf %max3A_595, %max3A_597 : vector<16xf32>
      %max3A_601 = arith.maximumf %min3A_596, %min3A_598 : vector<16xf32>
      %max3A_602 = arith.maximumf %scan3A_534, %max3A_599 : vector<16xf32>
      %min3A_603 = arith.minimumf %scan3A_534, %max3A_599 : vector<16xf32>
      %max3A_604 = arith.maximumf %scan3A_535, %min3A_603 : vector<16xf32>
      %min3A_605 = arith.minimumf %scan3A_535, %min3A_603 : vector<16xf32>
      %max3A_606 = arith.maximumf %scan3A_536, %min3A_605 : vector<16xf32>
      %max3A_607 = arith.maximumf %max3A_604, %min3A_600 : vector<16xf32>
      %min3A_608 = arith.minimumf %max3A_604, %min3A_600 : vector<16xf32>
      %max3A_609 = arith.maximumf %max3A_606, %min3A_608 : vector<16xf32>
      %max3A_610 = arith.maximumf %max3A_607, %max3A_601 : vector<16xf32>
      %min3A_611 = arith.minimumf %max3A_607, %max3A_601 : vector<16xf32>
      %max3A_612 = arith.maximumf %max3A_609, %min3A_611 : vector<16xf32>
      %add3A_613 = arith.constant 128 : i32
      %add3A_614 = arith.addi %mul3A_544, %add3A_613 : i32
      %get3A_615 = arith.index_cast %add3A_614 : i32 to index
      %get3A_616 = tpu.vector_load %arg6[%get3A_615] {strides = array<i32>} : memref<16384xf32, #tpu.memory_space<vmem>>, vector<16xf32>,
      %add3A_617 = arith.constant 144 : i32
      %add3A_618 = arith.addi %mul3A_544, %add3A_617 : i32
      %get3A_619 = arith.index_cast %add3A_618 : i32 to index
      %get3A_620 = tpu.vector_load %arg6[%get3A_619] {strides = array<i32>} : memref<16384xf32, #tpu.memory_space<vmem>>, vector<16xf32>,
      %add3A_621 = arith.constant 160 : i32
      %add3A_622 = arith.addi %mul3A_544, %add3A_621 : i32
      %get3A_623 = arith.index_cast %add3A_622 : i32 to index
      %get3A_624 = tpu.vector_load %arg6[%get3A_623] {strides = array<i32>} : memref<16384xf32, #tpu.memory_space<vmem>>, vector<16xf32>,
      %add3A_625 = arith.constant 176 : i32
      %add3A_626 = arith.addi %mul3A_544, %add3A_625 : i32
      %get3A_627 = arith.index_cast %add3A_626 : i32 to index
      %get3A_628 = tpu.vector_load %arg6[%get3A_627] {strides = array<i32>} : memref<16384xf32, #tpu.memory_space<vmem>>, vector<16xf32>,
      %max3A_629 = arith.maximumf %get3A_616, %get3A_620 : vector<16xf32>
      %min3A_630 = arith.minimumf %get3A_616, %get3A_620 : vector<16xf32>
      %max3A_631 = arith.maximumf %get3A_624, %get3A_628 : vector<16xf32>
      %min3A_632 = arith.minimumf %get3A_624, %get3A_628 : vector<16xf32>
      %max3A_633 = arith.maximumf %max3A_629, %max3A_631 : vector<16xf32>
      %min3A_634 = arith.minimumf %max3A_629, %max3A_631 : vector<16xf32>
      %max3A_635 = arith.maximumf %min3A_630, %min3A_632 : vector<16xf32>
      %max3A_636 = arith.maximumf %scan3A_537, %max3A_633 : vector<16xf32>
      %min3A_637 = arith.minimumf %scan3A_537, %max3A_633 : vector<16xf32>
      %max3A_638 = arith.maximumf %scan3A_538, %min3A_637 : vector<16xf32>
      %min3A_639 = arith.minimumf %scan3A_538, %min3A_637 : vector<16xf32>
      %max3A_640 = arith.maximumf %scan3A_539, %min3A_639 : vector<16xf32>
      %max3A_641 = arith.maximumf %max3A_638, %min3A_634 : vector<16xf32>
      %min3A_642 = arith.minimumf %max3A_638, %min3A_634 : vector<16xf32>
      %max3A_643 = arith.maximumf %max3A_640, %min3A_642 : vector<16xf32>
      %max3A_644 = arith.maximumf %max3A_641, %max3A_635 : vector<16xf32>
      %min3A_645 = arith.minimumf %max3A_641, %max3A_635 : vector<16xf32>
      %max3A_646 = arith.maximumf %max3A_643, %min3A_645 : vector<16xf32>
      %add3A_647 = arith.constant 192 : i32
      %add3A_648 = arith.addi %mul3A_544, %add3A_647 : i32
      %get3A_649 = arith.index_cast %add3A_648 : i32 to index
      %get3A_650 = tpu.vector_load %arg6[%get3A_649] {strides = array<i32>} : memref<16384xf32, #tpu.memory_space<vmem>>, vector<16xf32>,
      %add3A_651 = arith.constant 208 : i32
      %add3A_652 = arith.addi %mul3A_544, %add3A_651 : i32
      %get3A_653 = arith.index_cast %add3A_652 : i32 to index
      %get3A_654 = tpu.vector_load %arg6[%get3A_653] {strides = array<i32>} : memref<16384xf32, #tpu.memory_space<vmem>>, vector<16xf32>,
      %add3A_655 = arith.constant 224 : i32
      %add3A_656 = arith.addi %mul3A_544, %add3A_655 : i32
      %get3A_657 = arith.index_cast %add3A_656 : i32 to index
      %get3A_658 = tpu.vector_load %arg6[%get3A_657] {strides = array<i32>} : memref<16384xf32, #tpu.memory_space<vmem>>, vector<16xf32>,
      %add3A_659 = arith.constant 240 : i32
      %add3A_660 = arith.addi %mul3A_544, %add3A_659 : i32
      %get3A_661 = arith.index_cast %add3A_660 : i32 to index
      %get3A_662 = tpu.vector_load %arg6[%get3A_661] {strides = array<i32>} : memref<16384xf32, #tpu.memory_space<vmem>>, vector<16xf32>,
      %max3A_663 = arith.maximumf %get3A_650, %get3A_654 : vector<16xf32>
      %min3A_664 = arith.minimumf %get3A_650, %get3A_654 : vector<16xf32>
      %max3A_665 = arith.maximumf %get3A_658, %get3A_662 : vector<16xf32>
      %min3A_666 = arith.minimumf %get3A_658, %get3A_662 : vector<16xf32>
      %max3A_667 = arith.maximumf %max3A_663, %max3A_665 : vector<16xf32>
      %min3A_668 = arith.minimumf %max3A_663, %max3A_665 : vector<16xf32>
      %max3A_669 = arith.maximumf %min3A_664, %min3A_666 : vector<16xf32>
      %max3A_670 = arith.maximumf %scan3A_540, %max3A_667 : vector<16xf32>
      %min3A_671 = arith.minimumf %scan3A_540, %max3A_667 : vector<16xf32>
      %max3A_672 = arith.maximumf %scan3A_541, %min3A_671 : vector<16xf32>
      %min3A_673 = arith.minimumf %scan3A_541, %min3A_671 : vector<16xf32>
      %max3A_674 = arith.maximumf %scan3A_542, %min3A_673 : vector<16xf32>
      %max3A_675 = arith.maximumf %max3A_672, %min3A_668 : vector<16xf32>
      %min3A_676 = arith.minimumf %max3A_672, %min3A_668 : vector<16xf32>
      %max3A_677 = arith.maximumf %max3A_674, %min3A_676 : vector<16xf32>
      %max3A_678 = arith.maximumf %max3A_675, %max3A_669 : vector<16xf32>
      %min3A_679 = arith.minimumf %max3A_675, %max3A_669 : vector<16xf32>
      %max3A_680 = arith.maximumf %max3A_677, %min3A_679 : vector<16xf32>
      scf.yield %max3A_568, %max3A_576, %max3A_578, %max3A_602, %max3A_610, %max3A_612, %max3A_636, %max3A_644, %max3A_646, %max3A_670, %max3A_678, %max3A_680 : vector<16xf32>, vector<16xf32>, vector<16xf32>, vector<16xf32>, vector<16xf32>, vector<16xf32>, vector<16xf32>, vector<16xf32>, vector<16xf32>, vector<16xf32>, vector<16xf32>, vector<16xf32>
    }
    %scan3A_311 = arith.constant 64 : i32
    %max3A_312 = arith.maximumf %scan3A_310#0, %scan3A_310#3 : vector<16xf32>
    %min3A_313 = arith.minimumf %scan3A_310#0, %scan3A_310#3 : vector<16xf32>
    %max3A_314 = arith.maximumf %scan3A_310#1, %min3A_313 : vector<16xf32>
    %min3A_315 = arith.minimumf %scan3A_310#1, %min3A_313 : vector<16xf32>
    %max3A_316 = arith.maximumf %scan3A_310#2, %min3A_315 : vector<16xf32>
    %max3A_317 = arith.maximumf %max3A_314, %scan3A_310#4 : vector<16xf32>
    %min3A_318 = arith.minimumf %max3A_314, %scan3A_310#4 : vector<16xf32>
    %max3A_319 = arith.maximumf %max3A_316, %min3A_318 : vector<16xf32>
    %max3A_320 = arith.maximumf %max3A_317, %scan3A_310#5 : vector<16xf32>
    %min3A_321 = arith.minimumf %max3A_317, %scan3A_310#5 : vector<16xf32>
    %max3A_322 = arith.maximumf %max3A_319, %min3A_321 : vector<16xf32>
    %max3A_323 = arith.maximumf %max3A_312, %scan3A_310#6 : vector<16xf32>
    %min3A_324 = arith.minimumf %max3A_312, %scan3A_310#6 : vector<16xf32>
    %max3A_325 = arith.maximumf %max3A_320, %min3A_324 : vector<16xf32>
    %min3A_326 = arith.minimumf %max3A_320, %min3A_324 : vector<16xf32>
    %max3A_327 = arith.maximumf %max3A_322, %min3A_326 : vector<16xf32>
    %max3A_328 = arith.maximumf %max3A_325, %scan3A_310#7 : vector<16xf32>
    %min3A_329 = arith.minimumf %max3A_325, %scan3A_310#7 : vector<16xf32>
    %max3A_330 = arith.maximumf %max3A_327, %min3A_329 : vector<16xf32>
    %max3A_331 = arith.maximumf %max3A_328, %scan3A_310#8 : vector<16xf32>
    %min3A_332 = arith.minimumf %max3A_328, %scan3A_310#8 : vector<16xf32>
    %max3A_333 = arith.maximumf %max3A_330, %min3A_332 : vector<16xf32>
    %max3A_334 = arith.maximumf %max3A_323, %scan3A_310#9 : vector<16xf32>
    %min3A_335 = arith.minimumf %max3A_323, %scan3A_310#9 : vector<16xf32>
    %max3A_336 = arith.maximumf %max3A_331, %min3A_335 : vector<16xf32>
    %min3A_337 = arith.minimumf %max3A_331, %min3A_335 : vector<16xf32>
    %max3A_338 = arith.maximumf %max3A_333, %min3A_337 : vector<16xf32>
    %max3A_339 = arith.maximumf %max3A_336, %scan3A_310#10 : vector<16xf32>
    %min3A_340 = arith.minimumf %max3A_336, %scan3A_310#10 : vector<16xf32>
    %max3A_341 = arith.maximumf %max3A_338, %min3A_340 : vector<16xf32>
    %max3A_342 = arith.maximumf %max3A_339, %scan3A_310#11 : vector<16xf32>
    %min3A_343 = arith.minimumf %max3A_339, %scan3A_310#11 : vector<16xf32>
    %max3A_344 = arith.maximumf %max3A_341, %min3A_343 : vector<16xf32>
    %sort3A_345 = arith.constant dense<true> : vector<16xi1>
    %sort3A_346, %sort3A_347, %sort3A_348 = tpu.sort %max3A_334, %max3A_334 masked %sort3A_345 : (vector<16xf32>, vector<16xf32>, vector<16xi1>) -> (vector<16xi1>, vector<16xf32>, vector<16xf32>)
    %sort3A_349 = arith.constant dense<true> : vector<16xi1>
    %sort3A_350, %sort3A_351, %sort3A_352 = tpu.sort %max3A_342, %max3A_342 masked %sort3A_349 : (vector<16xf32>, vector<16xf32>, vector<16xi1>) -> (vector<16xi1>, vector<16xf32>, vector<16xf32>)
    %sort3A_353 = arith.constant dense<true> : vector<16xi1>
    %sort3A_354, %sort3A_355, %sort3A_356 = tpu.sort %max3A_344, %max3A_344 masked %sort3A_353 : (vector<16xf32>, vector<16xf32>, vector<16xi1>) -> (vector<16xi1>, vector<16xf32>, vector<16xf32>)
    %swap3A_357 = arith.constant 0 : index
    %swap3A_358 = tpu.vector_load %arg8[%swap3A_357] {strides = array<i32>} : memref<16xf32, #tpu.memory_space<vmem>>, vector<16xf32>,
    tpu.vector_store %arg8[%swap3A_357], %sort3A_351 {strides = array<i32>} : memref<16xf32, #tpu.memory_space<vmem>>, vector<16xf32>,
    %add3A_359 = arith.constant 3 : i32
    %add3A_360 = vector.broadcast %add3A_359 : i32 to vector<16xi32>
    %add3A_361 = arith.addi %iota3A, %add3A_360 : vector<16xi32>
    %and3A_362 = arith.constant 15 : i32
    %and3A_363 = vector.broadcast %and3A_362 : i32 to vector<16xi32>
    %and3A_364 = arith.andi %add3A_361, %and3A_363 : vector<16xi32>
    %gather3A_365 = tpu.vector_load_idx %arg8[%and3A_364] : memref<16xf32, #tpu.memory_space<vmem>>[vector<16xi32>], vector<16xf32>,
    %swap3A_366 = arith.constant 0 : index
    %swap3A_367 = tpu.vector_load %arg8[%swap3A_366] {strides = array<i32>} : memref<16xf32, #tpu.memory_space<vmem>>, vector<16xf32>,
    tpu.vector_store %arg8[%swap3A_366], %sort3A_355 {strides = array<i32>} : memref<16xf32, #tpu.memory_space<vmem>>, vector<16xf32>,
    %add3A_368 = arith.constant 6 : i32
    %add3A_369 = vector.broadcast %add3A_368 : i32 to vector<16xi32>
    %add3A_370 = arith.addi %iota3A, %add3A_369 : vector<16xi32>
    %and3A_371 = arith.constant 15 : i32
    %and3A_372 = vector.broadcast %and3A_371 : i32 to vector<16xi32>
    %and3A_373 = arith.andi %add3A_370, %and3A_372 : vector<16xi32>
    %gather3A_374 = tpu.vector_load_idx %arg8[%and3A_373] : memref<16xf32, #tpu.memory_space<vmem>>[vector<16xi32>], vector<16xf32>,
    %ge3A_375 = arith.constant 13 : i32
    %ge3A_376 = vector.broadcast %ge3A_375 : i32 to vector<16xi32>
    %ge3A_377 = arith.cmpi sge, %iota3A, %ge3A_376 : vector<16xi32>
    %ge3A_378 = arith.constant 10 : i32
    %ge3A_379 = vector.broadcast %ge3A_378 : i32 to vector<16xi32>
    %ge3A_380 = arith.cmpi sge, %iota3A, %ge3A_379 : vector<16xi32>
    %ge3A_381 = arith.constant 7 : i32
    %ge3A_382 = vector.broadcast %ge3A_381 : i32 to vector<16xi32>
    %ge3A_383 = arith.cmpi sge, %iota3A, %ge3A_382 : vector<16xi32>
    %select_n3A_384 = arith.select %ge3A_383, %gather3A_374, %broadcast_in_dim3A_6 : vector<16xi1>, vector<16xf32>
    %select_n3A_385 = arith.select %ge3A_380, %gather3A_365, %select_n3A_384 : vector<16xi1>, vector<16xf32>
    %select_n3A_386 = arith.select %ge3A_377, %sort3A_347, %select_n3A_385 : vector<16xi1>, vector<16xf32>
    %sort3A_387 = arith.constant dense<true> : vector<16xi1>
    %sort3A_388, %sort3A_389, %sort3A_390 = tpu.sort %select_n3A_386, %select_n3A_386 masked %sort3A_387 : (vector<16xf32>, vector<16xf32>, vector<16xi1>) -> (vector<16xi1>, vector<16xf32>, vector<16xf32>)
    %rev3A_391 = arith.constant 15 : i32
    %rev3A_392 = vector.broadcast %rev3A_391 : i32 to vector<16xi32>
    %rev3A_393 = tpu.iota {dimensions = array<i32: 0>} : vector<16xi32>
    %rev3A_394 = arith.subi %rev3A_392, %rev3A_393 : vector<16xi32>
    %rev3A_395 = tpu.dynamic_gather %sort3A_389[%rev3A_394] in [0] : vector<16xf32>, vector<16xi32> -> vector<16xf32>
    %broadcast_in_dim3A_396 = arith.constant 2 : i32
    %broadcast_in_dim3A_397 = vector.broadcast %broadcast_in_dim3A_396 : i32 to vector<16xi32>
    %mul3A_398 = arith.constant 2.000000e+00 : f32
    %mul3A_399 = vector.broadcast %mul3A_398 : f32 to vector<16xf32>
    %mul3A_400 = arith.mulf %rev3A_395, %mul3A_399 : vector<16xf32>
    %add3A_401 = arith.addf %mul3A_400, %get3A_55 : vector<16xf32>
    %lt3A_402 = arith.constant 3 : i32
    %lt3A_403 = vector.broadcast %lt3A_402 : i32 to vector<16xi32>
    %lt3A_404 = arith.cmpi slt, %iota3A, %lt3A_403 : vector<16xi32>
    tpu.vector_store_idx %arg9[%broadcast_in_dim3A_397, %iota3A], %add3A_401 masked %lt3A_404 : memref<4x3xf32, #tpu.memory_space<vmem>>[vector<16xi32>, vector<16xi32>], vector<16xf32>, vector<16xi1>
    %add3A_405 = arith.constant 3 : i32
    %add3A_406 = arith.addi %mul3A_2, %add3A_405 : i32
    %dma_start3A_407 = arith.constant 16384 : i32
    %dma_start3A_408 = tpu.memref_slice %arg2[%add3A_406, %dma_start3A_407] : memref<128x32768xf32, #tpu.memory_space<hbm>> -> memref<1x16384xf32, #tpu.memory_space<hbm>>
    %dma_start3A_409 = tpu.memref_squeeze %dma_start3A_408 : memref<1x16384xf32, #tpu.memory_space<hbm>> -> memref<16384xf32, #tpu.memory_space<hbm>>
    %dma_start3A_410 = arith.constant 16384 : i32
    %dma_start3A_411 = tpu.memref_slice %arg2[%add3A_406, %dma_start3A_410] : memref<128x32768xf32, #tpu.memory_space<hbm>> -> memref<1x16384xf32, #tpu.memory_space<hbm>>
    %dma_start3A_412 = tpu.memref_squeeze %dma_start3A_411 : memref<1x16384xf32, #tpu.memory_space<hbm>> -> memref<16384xf32, #tpu.memory_space<hbm>>
    tpu.enqueue_dma source(%dma_start3A_412 : memref<16384xf32, #tpu.memory_space<hbm>>) target(%arg6 : memref<16384xf32, #tpu.memory_space<vmem>>) target_semaphore(%arg11 : memref<!tpu.dma_semaphore, #tpu.memory_space<semaphore_mem>>)
    %dma_wait3A_413 = arith.constant 0 : i32
    %dma_wait3A_414 = tpu.memref_slice %arg2[%add3A_293, %dma_wait3A_413] : memref<128x32768xf32, #tpu.memory_space<hbm>> -> memref<1x16384xf32, #tpu.memory_space<hbm>>
    %dma_wait3A_415 = tpu.memref_squeeze %dma_wait3A_414 : memref<1x16384xf32, #tpu.memory_space<hbm>> -> memref<16384xf32, #tpu.memory_space<hbm>>
    %dma_wait3A_416 = arith.constant 0 : i32
    %dma_wait3A_417 = tpu.memref_slice %arg2[%add3A_293, %dma_wait3A_416] : memref<128x32768xf32, #tpu.memory_space<hbm>> -> memref<1x16384xf32, #tpu.memory_space<hbm>>
    %dma_wait3A_418 = tpu.memref_squeeze %dma_wait3A_417 : memref<1x16384xf32, #tpu.memory_space<hbm>> -> memref<16384xf32, #tpu.memory_space<hbm>>
    tpu.wait_dma2 semaphore(%arg10 : memref<!tpu.dma_semaphore, #tpu.memory_space<semaphore_mem>>) src(%dma_wait3A_418 : memref<16384xf32, #tpu.memory_space<hbm>>) dst(%arg5 : memref<16384xf32, #tpu.memory_space<vmem>>)
    %scan3A_419 = arith.constant 0 : i32
    %scan3A_420 = arith.constant 64 : i32
    %scan3A_421 = arith.addi %scan3A_419, %scan3A_420 : i32
    %scan3A_422 = arith.constant 1 : i32
    %scan3A_423:12 = scf.for %scan3A_530 = %scan3A_419 to %scan3A_421 step %scan3A_422 iter_args(%scan3A_531 = %broadcast_in_dim3A_6, %scan3A_532 = %broadcast_in_dim3A_6, %scan3A_533 = %broadcast_in_dim3A_6, %scan3A_534 = %broadcast_in_dim3A_6, %scan3A_535 = %broadcast_in_dim3A_6, %scan3A_536 = %broadcast_in_dim3A_6, %scan3A_537 = %broadcast_in_dim3A_6, %scan3A_538 = %broadcast_in_dim3A_6, %scan3A_539 = %broadcast_in_dim3A_6, %scan3A_540 = %broadcast_in_dim3A_6, %scan3A_541 = %broadcast_in_dim3A_6, %scan3A_542 = %broadcast_in_dim3A_6) -> (vector<16xf32>, vector<16xf32>, vector<16xf32>, vector<16xf32>, vector<16xf32>, vector<16xf32>, vector<16xf32>, vector<16xf32>, vector<16xf32>, vector<16xf32>, vector<16xf32>, vector<16xf32>)  : i32 {
      %mul3A_543 = arith.constant 256 : i32
      %mul3A_544 = arith.muli %scan3A_530, %mul3A_543 : i32
      %add3A_545 = arith.constant 0 : i32
      %add3A_546 = arith.addi %mul3A_544, %add3A_545 : i32
      %get3A_547 = arith.index_cast %add3A_546 : i32 to index
      %get3A_548 = tpu.vector_load %arg5[%get3A_547] {strides = array<i32>} : memref<16384xf32, #tpu.memory_space<vmem>>, vector<16xf32>,
      %add3A_549 = arith.constant 16 : i32
      %add3A_550 = arith.addi %mul3A_544, %add3A_549 : i32
      %get3A_551 = arith.index_cast %add3A_550 : i32 to index
      %get3A_552 = tpu.vector_load %arg5[%get3A_551] {strides = array<i32>} : memref<16384xf32, #tpu.memory_space<vmem>>, vector<16xf32>,
      %add3A_553 = arith.constant 32 : i32
      %add3A_554 = arith.addi %mul3A_544, %add3A_553 : i32
      %get3A_555 = arith.index_cast %add3A_554 : i32 to index
      %get3A_556 = tpu.vector_load %arg5[%get3A_555] {strides = array<i32>} : memref<16384xf32, #tpu.memory_space<vmem>>, vector<16xf32>,
      %add3A_557 = arith.constant 48 : i32
      %add3A_558 = arith.addi %mul3A_544, %add3A_557 : i32
      %get3A_559 = arith.index_cast %add3A_558 : i32 to index
      %get3A_560 = tpu.vector_load %arg5[%get3A_559] {strides = array<i32>} : memref<16384xf32, #tpu.memory_space<vmem>>, vector<16xf32>,
      %max3A_561 = arith.maximumf %get3A_548, %get3A_552 : vector<16xf32>
      %min3A_562 = arith.minimumf %get3A_548, %get3A_552 : vector<16xf32>
      %max3A_563 = arith.maximumf %get3A_556, %get3A_560 : vector<16xf32>
      %min3A_564 = arith.minimumf %get3A_556, %get3A_560 : vector<16xf32>
      %max3A_565 = arith.maximumf %max3A_561, %max3A_563 : vector<16xf32>
      %min3A_566 = arith.minimumf %max3A_561, %max3A_563 : vector<16xf32>
      %max3A_567 = arith.maximumf %min3A_562, %min3A_564 : vector<16xf32>
      %max3A_568 = arith.maximumf %scan3A_531, %max3A_565 : vector<16xf32>
      %min3A_569 = arith.minimumf %scan3A_531, %max3A_565 : vector<16xf32>
      %max3A_570 = arith.maximumf %scan3A_532, %min3A_569 : vector<16xf32>
      %min3A_571 = arith.minimumf %scan3A_532, %min3A_569 : vector<16xf32>
      %max3A_572 = arith.maximumf %scan3A_533, %min3A_571 : vector<16xf32>
      %max3A_573 = arith.maximumf %max3A_570, %min3A_566 : vector<16xf32>
      %min3A_574 = arith.minimumf %max3A_570, %min3A_566 : vector<16xf32>
      %max3A_575 = arith.maximumf %max3A_572, %min3A_574 : vector<16xf32>
      %max3A_576 = arith.maximumf %max3A_573, %max3A_567 : vector<16xf32>
      %min3A_577 = arith.minimumf %max3A_573, %max3A_567 : vector<16xf32>
      %max3A_578 = arith.maximumf %max3A_575, %min3A_577 : vector<16xf32>
      %add3A_579 = arith.constant 64 : i32
      %add3A_580 = arith.addi %mul3A_544, %add3A_579 : i32
      %get3A_581 = arith.index_cast %add3A_580 : i32 to index
      %get3A_582 = tpu.vector_load %arg5[%get3A_581] {strides = array<i32>} : memref<16384xf32, #tpu.memory_space<vmem>>, vector<16xf32>,
      %add3A_583 = arith.constant 80 : i32
      %add3A_584 = arith.addi %mul3A_544, %add3A_583 : i32
      %get3A_585 = arith.index_cast %add3A_584 : i32 to index
      %get3A_586 = tpu.vector_load %arg5[%get3A_585] {strides = array<i32>} : memref<16384xf32, #tpu.memory_space<vmem>>, vector<16xf32>,
      %add3A_587 = arith.constant 96 : i32
      %add3A_588 = arith.addi %mul3A_544, %add3A_587 : i32
      %get3A_589 = arith.index_cast %add3A_588 : i32 to index
      %get3A_590 = tpu.vector_load %arg5[%get3A_589] {strides = array<i32>} : memref<16384xf32, #tpu.memory_space<vmem>>, vector<16xf32>,
      %add3A_591 = arith.constant 112 : i32
      %add3A_592 = arith.addi %mul3A_544, %add3A_591 : i32
      %get3A_593 = arith.index_cast %add3A_592 : i32 to index
      %get3A_594 = tpu.vector_load %arg5[%get3A_593] {strides = array<i32>} : memref<16384xf32, #tpu.memory_space<vmem>>, vector<16xf32>,
      %max3A_595 = arith.maximumf %get3A_582, %get3A_586 : vector<16xf32>
      %min3A_596 = arith.minimumf %get3A_582, %get3A_586 : vector<16xf32>
      %max3A_597 = arith.maximumf %get3A_590, %get3A_594 : vector<16xf32>
      %min3A_598 = arith.minimumf %get3A_590, %get3A_594 : vector<16xf32>
      %max3A_599 = arith.maximumf %max3A_595, %max3A_597 : vector<16xf32>
      %min3A_600 = arith.minimumf %max3A_595, %max3A_597 : vector<16xf32>
      %max3A_601 = arith.maximumf %min3A_596, %min3A_598 : vector<16xf32>
      %max3A_602 = arith.maximumf %scan3A_534, %max3A_599 : vector<16xf32>
      %min3A_603 = arith.minimumf %scan3A_534, %max3A_599 : vector<16xf32>
      %max3A_604 = arith.maximumf %scan3A_535, %min3A_603 : vector<16xf32>
      %min3A_605 = arith.minimumf %scan3A_535, %min3A_603 : vector<16xf32>
      %max3A_606 = arith.maximumf %scan3A_536, %min3A_605 : vector<16xf32>
      %max3A_607 = arith.maximumf %max3A_604, %min3A_600 : vector<16xf32>
      %min3A_608 = arith.minimumf %max3A_604, %min3A_600 : vector<16xf32>
      %max3A_609 = arith.maximumf %max3A_606, %min3A_608 : vector<16xf32>
      %max3A_610 = arith.maximumf %max3A_607, %max3A_601 : vector<16xf32>
      %min3A_611 = arith.minimumf %max3A_607, %max3A_601 : vector<16xf32>
      %max3A_612 = arith.maximumf %max3A_609, %min3A_611 : vector<16xf32>
      %add3A_613 = arith.constant 128 : i32
      %add3A_614 = arith.addi %mul3A_544, %add3A_613 : i32
      %get3A_615 = arith.index_cast %add3A_614 : i32 to index
      %get3A_616 = tpu.vector_load %arg5[%get3A_615] {strides = array<i32>} : memref<16384xf32, #tpu.memory_space<vmem>>, vector<16xf32>,
      %add3A_617 = arith.constant 144 : i32
      %add3A_618 = arith.addi %mul3A_544, %add3A_617 : i32
      %get3A_619 = arith.index_cast %add3A_618 : i32 to index
      %get3A_620 = tpu.vector_load %arg5[%get3A_619] {strides = array<i32>} : memref<16384xf32, #tpu.memory_space<vmem>>, vector<16xf32>,
      %add3A_621 = arith.constant 160 : i32
      %add3A_622 = arith.addi %mul3A_544, %add3A_621 : i32
      %get3A_623 = arith.index_cast %add3A_622 : i32 to index
      %get3A_624 = tpu.vector_load %arg5[%get3A_623] {strides = array<i32>} : memref<16384xf32, #tpu.memory_space<vmem>>, vector<16xf32>,
      %add3A_625 = arith.constant 176 : i32
      %add3A_626 = arith.addi %mul3A_544, %add3A_625 : i32
      %get3A_627 = arith.index_cast %add3A_626 : i32 to index
      %get3A_628 = tpu.vector_load %arg5[%get3A_627] {strides = array<i32>} : memref<16384xf32, #tpu.memory_space<vmem>>, vector<16xf32>,
      %max3A_629 = arith.maximumf %get3A_616, %get3A_620 : vector<16xf32>
      %min3A_630 = arith.minimumf %get3A_616, %get3A_620 : vector<16xf32>
      %max3A_631 = arith.maximumf %get3A_624, %get3A_628 : vector<16xf32>
      %min3A_632 = arith.minimumf %get3A_624, %get3A_628 : vector<16xf32>
      %max3A_633 = arith.maximumf %max3A_629, %max3A_631 : vector<16xf32>
      %min3A_634 = arith.minimumf %max3A_629, %max3A_631 : vector<16xf32>
      %max3A_635 = arith.maximumf %min3A_630, %min3A_632 : vector<16xf32>
      %max3A_636 = arith.maximumf %scan3A_537, %max3A_633 : vector<16xf32>
      %min3A_637 = arith.minimumf %scan3A_537, %max3A_633 : vector<16xf32>
      %max3A_638 = arith.maximumf %scan3A_538, %min3A_637 : vector<16xf32>
      %min3A_639 = arith.minimumf %scan3A_538, %min3A_637 : vector<16xf32>
      %max3A_640 = arith.maximumf %scan3A_539, %min3A_639 : vector<16xf32>
      %max3A_641 = arith.maximumf %max3A_638, %min3A_634 : vector<16xf32>
      %min3A_642 = arith.minimumf %max3A_638, %min3A_634 : vector<16xf32>
      %max3A_643 = arith.maximumf %max3A_640, %min3A_642 : vector<16xf32>
      %max3A_644 = arith.maximumf %max3A_641, %max3A_635 : vector<16xf32>
      %min3A_645 = arith.minimumf %max3A_641, %max3A_635 : vector<16xf32>
      %max3A_646 = arith.maximumf %max3A_643, %min3A_645 : vector<16xf32>
      %add3A_647 = arith.constant 192 : i32
      %add3A_648 = arith.addi %mul3A_544, %add3A_647 : i32
      %get3A_649 = arith.index_cast %add3A_648 : i32 to index
      %get3A_650 = tpu.vector_load %arg5[%get3A_649] {strides = array<i32>} : memref<16384xf32, #tpu.memory_space<vmem>>, vector<16xf32>,
      %add3A_651 = arith.constant 208 : i32
      %add3A_652 = arith.addi %mul3A_544, %add3A_651 : i32
      %get3A_653 = arith.index_cast %add3A_652 : i32 to index
      %get3A_654 = tpu.vector_load %arg5[%get3A_653] {strides = array<i32>} : memref<16384xf32, #tpu.memory_space<vmem>>, vector<16xf32>,
      %add3A_655 = arith.constant 224 : i32
      %add3A_656 = arith.addi %mul3A_544, %add3A_655 : i32
      %get3A_657 = arith.index_cast %add3A_656 : i32 to index
      %get3A_658 = tpu.vector_load %arg5[%get3A_657] {strides = array<i32>} : memref<16384xf32, #tpu.memory_space<vmem>>, vector<16xf32>,
      %add3A_659 = arith.constant 240 : i32
      %add3A_660 = arith.addi %mul3A_544, %add3A_659 : i32
      %get3A_661 = arith.index_cast %add3A_660 : i32 to index
      %get3A_662 = tpu.vector_load %arg5[%get3A_661] {strides = array<i32>} : memref<16384xf32, #tpu.memory_space<vmem>>, vector<16xf32>,
      %max3A_663 = arith.maximumf %get3A_650, %get3A_654 : vector<16xf32>
      %min3A_664 = arith.minimumf %get3A_650, %get3A_654 : vector<16xf32>
      %max3A_665 = arith.maximumf %get3A_658, %get3A_662 : vector<16xf32>
      %min3A_666 = arith.minimumf %get3A_658, %get3A_662 : vector<16xf32>
      %max3A_667 = arith.maximumf %max3A_663, %max3A_665 : vector<16xf32>
      %min3A_668 = arith.minimumf %max3A_663, %max3A_665 : vector<16xf32>
      %max3A_669 = arith.maximumf %min3A_664, %min3A_666 : vector<16xf32>
      %max3A_670 = arith.maximumf %scan3A_540, %max3A_667 : vector<16xf32>
      %min3A_671 = arith.minimumf %scan3A_540, %max3A_667 : vector<16xf32>
      %max3A_672 = arith.maximumf %scan3A_541, %min3A_671 : vector<16xf32>
      %min3A_673 = arith.minimumf %scan3A_541, %min3A_671 : vector<16xf32>
      %max3A_674 = arith.maximumf %scan3A_542, %min3A_673 : vector<16xf32>
      %max3A_675 = arith.maximumf %max3A_672, %min3A_668 : vector<16xf32>
      %min3A_676 = arith.minimumf %max3A_672, %min3A_668 : vector<16xf32>
      %max3A_677 = arith.maximumf %max3A_674, %min3A_676 : vector<16xf32>
      %max3A_678 = arith.maximumf %max3A_675, %max3A_669 : vector<16xf32>
      %min3A_679 = arith.minimumf %max3A_675, %max3A_669 : vector<16xf32>
      %max3A_680 = arith.maximumf %max3A_677, %min3A_679 : vector<16xf32>
      scf.yield %max3A_568, %max3A_576, %max3A_578, %max3A_602, %max3A_610, %max3A_612, %max3A_636, %max3A_644, %max3A_646, %max3A_670, %max3A_678, %max3A_680 : vector<16xf32>, vector<16xf32>, vector<16xf32>, vector<16xf32>, vector<16xf32>, vector<16xf32>, vector<16xf32>, vector<16xf32>, vector<16xf32>, vector<16xf32>, vector<16xf32>, vector<16xf32>
    }
    %scan3A_424 = arith.constant 64 : i32
    %dma_wait3A_425 = arith.constant 16384 : i32
    %dma_wait3A_426 = tpu.memref_slice %arg2[%add3A_406, %dma_wait3A_425] : memref<128x32768xf32, #tpu.memory_space<hbm>> -> memref<1x16384xf32, #tpu.memory_space<hbm>>
    %dma_wait3A_427 = tpu.memref_squeeze %dma_wait3A_426 : memref<1x16384xf32, #tpu.memory_space<hbm>> -> memref<16384xf32, #tpu.memory_space<hbm>>
    %dma_wait3A_428 = arith.constant 16384 : i32
    %dma_wait3A_429 = tpu.memref_slice %arg2[%add3A_406, %dma_wait3A_428] : memref<128x32768xf32, #tpu.memory_space<hbm>> -> memref<1x16384xf32, #tpu.memory_space<hbm>>
    %dma_wait3A_430 = tpu.memref_squeeze %dma_wait3A_429 : memref<1x16384xf32, #tpu.memory_space<hbm>> -> memref<16384xf32, #tpu.memory_space<hbm>>
    tpu.wait_dma2 semaphore(%arg11 : memref<!tpu.dma_semaphore, #tpu.memory_space<semaphore_mem>>) src(%dma_wait3A_430 : memref<16384xf32, #tpu.memory_space<hbm>>) dst(%arg6 : memref<16384xf32, #tpu.memory_space<vmem>>)
    %scan3A_431 = arith.constant 0 : i32
    %scan3A_432 = arith.constant 64 : i32
    %scan3A_433 = arith.addi %scan3A_431, %scan3A_432 : i32
    %scan3A_434 = arith.constant 1 : i32
    %scan3A_435:12 = scf.for %scan3A_530 = %scan3A_431 to %scan3A_433 step %scan3A_434 iter_args(%scan3A_531 = %scan3A_423#0, %scan3A_532 = %scan3A_423#1, %scan3A_533 = %scan3A_423#2, %scan3A_534 = %scan3A_423#3, %scan3A_535 = %scan3A_423#4, %scan3A_536 = %scan3A_423#5, %scan3A_537 = %scan3A_423#6, %scan3A_538 = %scan3A_423#7, %scan3A_539 = %scan3A_423#8, %scan3A_540 = %scan3A_423#9, %scan3A_541 = %scan3A_423#10, %scan3A_542 = %scan3A_423#11) -> (vector<16xf32>, vector<16xf32>, vector<16xf32>, vector<16xf32>, vector<16xf32>, vector<16xf32>, vector<16xf32>, vector<16xf32>, vector<16xf32>, vector<16xf32>, vector<16xf32>, vector<16xf32>)  : i32 {
      %mul3A_543 = arith.constant 256 : i32
      %mul3A_544 = arith.muli %scan3A_530, %mul3A_543 : i32
      %add3A_545 = arith.constant 0 : i32
      %add3A_546 = arith.addi %mul3A_544, %add3A_545 : i32
      %get3A_547 = arith.index_cast %add3A_546 : i32 to index
      %get3A_548 = tpu.vector_load %arg6[%get3A_547] {strides = array<i32>} : memref<16384xf32, #tpu.memory_space<vmem>>, vector<16xf32>,
      %add3A_549 = arith.constant 16 : i32
      %add3A_550 = arith.addi %mul3A_544, %add3A_549 : i32
      %get3A_551 = arith.index_cast %add3A_550 : i32 to index
      %get3A_552 = tpu.vector_load %arg6[%get3A_551] {strides = array<i32>} : memref<16384xf32, #tpu.memory_space<vmem>>, vector<16xf32>,
      %add3A_553 = arith.constant 32 : i32
      %add3A_554 = arith.addi %mul3A_544, %add3A_553 : i32
      %get3A_555 = arith.index_cast %add3A_554 : i32 to index
      %get3A_556 = tpu.vector_load %arg6[%get3A_555] {strides = array<i32>} : memref<16384xf32, #tpu.memory_space<vmem>>, vector<16xf32>,
      %add3A_557 = arith.constant 48 : i32
      %add3A_558 = arith.addi %mul3A_544, %add3A_557 : i32
      %get3A_559 = arith.index_cast %add3A_558 : i32 to index
      %get3A_560 = tpu.vector_load %arg6[%get3A_559] {strides = array<i32>} : memref<16384xf32, #tpu.memory_space<vmem>>, vector<16xf32>,
      %max3A_561 = arith.maximumf %get3A_548, %get3A_552 : vector<16xf32>
      %min3A_562 = arith.minimumf %get3A_548, %get3A_552 : vector<16xf32>
      %max3A_563 = arith.maximumf %get3A_556, %get3A_560 : vector<16xf32>
      %min3A_564 = arith.minimumf %get3A_556, %get3A_560 : vector<16xf32>
      %max3A_565 = arith.maximumf %max3A_561, %max3A_563 : vector<16xf32>
      %min3A_566 = arith.minimumf %max3A_561, %max3A_563 : vector<16xf32>
      %max3A_567 = arith.maximumf %min3A_562, %min3A_564 : vector<16xf32>
      %max3A_568 = arith.maximumf %scan3A_531, %max3A_565 : vector<16xf32>
      %min3A_569 = arith.minimumf %scan3A_531, %max3A_565 : vector<16xf32>
      %max3A_570 = arith.maximumf %scan3A_532, %min3A_569 : vector<16xf32>
      %min3A_571 = arith.minimumf %scan3A_532, %min3A_569 : vector<16xf32>
      %max3A_572 = arith.maximumf %scan3A_533, %min3A_571 : vector<16xf32>
      %max3A_573 = arith.maximumf %max3A_570, %min3A_566 : vector<16xf32>
      %min3A_574 = arith.minimumf %max3A_570, %min3A_566 : vector<16xf32>
      %max3A_575 = arith.maximumf %max3A_572, %min3A_574 : vector<16xf32>
      %max3A_576 = arith.maximumf %max3A_573, %max3A_567 : vector<16xf32>
      %min3A_577 = arith.minimumf %max3A_573, %max3A_567 : vector<16xf32>
      %max3A_578 = arith.maximumf %max3A_575, %min3A_577 : vector<16xf32>
      %add3A_579 = arith.constant 64 : i32
      %add3A_580 = arith.addi %mul3A_544, %add3A_579 : i32
      %get3A_581 = arith.index_cast %add3A_580 : i32 to index
      %get3A_582 = tpu.vector_load %arg6[%get3A_581] {strides = array<i32>} : memref<16384xf32, #tpu.memory_space<vmem>>, vector<16xf32>,
      %add3A_583 = arith.constant 80 : i32
      %add3A_584 = arith.addi %mul3A_544, %add3A_583 : i32
      %get3A_585 = arith.index_cast %add3A_584 : i32 to index
      %get3A_586 = tpu.vector_load %arg6[%get3A_585] {strides = array<i32>} : memref<16384xf32, #tpu.memory_space<vmem>>, vector<16xf32>,
      %add3A_587 = arith.constant 96 : i32
      %add3A_588 = arith.addi %mul3A_544, %add3A_587 : i32
      %get3A_589 = arith.index_cast %add3A_588 : i32 to index
      %get3A_590 = tpu.vector_load %arg6[%get3A_589] {strides = array<i32>} : memref<16384xf32, #tpu.memory_space<vmem>>, vector<16xf32>,
      %add3A_591 = arith.constant 112 : i32
      %add3A_592 = arith.addi %mul3A_544, %add3A_591 : i32
      %get3A_593 = arith.index_cast %add3A_592 : i32 to index
      %get3A_594 = tpu.vector_load %arg6[%get3A_593] {strides = array<i32>} : memref<16384xf32, #tpu.memory_space<vmem>>, vector<16xf32>,
      %max3A_595 = arith.maximumf %get3A_582, %get3A_586 : vector<16xf32>
      %min3A_596 = arith.minimumf %get3A_582, %get3A_586 : vector<16xf32>
      %max3A_597 = arith.maximumf %get3A_590, %get3A_594 : vector<16xf32>
      %min3A_598 = arith.minimumf %get3A_590, %get3A_594 : vector<16xf32>
      %max3A_599 = arith.maximumf %max3A_595, %max3A_597 : vector<16xf32>
      %min3A_600 = arith.minimumf %max3A_595, %max3A_597 : vector<16xf32>
      %max3A_601 = arith.maximumf %min3A_596, %min3A_598 : vector<16xf32>
      %max3A_602 = arith.maximumf %scan3A_534, %max3A_599 : vector<16xf32>
      %min3A_603 = arith.minimumf %scan3A_534, %max3A_599 : vector<16xf32>
      %max3A_604 = arith.maximumf %scan3A_535, %min3A_603 : vector<16xf32>
      %min3A_605 = arith.minimumf %scan3A_535, %min3A_603 : vector<16xf32>
      %max3A_606 = arith.maximumf %scan3A_536, %min3A_605 : vector<16xf32>
      %max3A_607 = arith.maximumf %max3A_604, %min3A_600 : vector<16xf32>
      %min3A_608 = arith.minimumf %max3A_604, %min3A_600 : vector<16xf32>
      %max3A_609 = arith.maximumf %max3A_606, %min3A_608 : vector<16xf32>
      %max3A_610 = arith.maximumf %max3A_607, %max3A_601 : vector<16xf32>
      %min3A_611 = arith.minimumf %max3A_607, %max3A_601 : vector<16xf32>
      %max3A_612 = arith.maximumf %max3A_609, %min3A_611 : vector<16xf32>
      %add3A_613 = arith.constant 128 : i32
      %add3A_614 = arith.addi %mul3A_544, %add3A_613 : i32
      %get3A_615 = arith.index_cast %add3A_614 : i32 to index
      %get3A_616 = tpu.vector_load %arg6[%get3A_615] {strides = array<i32>} : memref<16384xf32, #tpu.memory_space<vmem>>, vector<16xf32>,
      %add3A_617 = arith.constant 144 : i32
      %add3A_618 = arith.addi %mul3A_544, %add3A_617 : i32
      %get3A_619 = arith.index_cast %add3A_618 : i32 to index
      %get3A_620 = tpu.vector_load %arg6[%get3A_619] {strides = array<i32>} : memref<16384xf32, #tpu.memory_space<vmem>>, vector<16xf32>,
      %add3A_621 = arith.constant 160 : i32
      %add3A_622 = arith.addi %mul3A_544, %add3A_621 : i32
      %get3A_623 = arith.index_cast %add3A_622 : i32 to index
      %get3A_624 = tpu.vector_load %arg6[%get3A_623] {strides = array<i32>} : memref<16384xf32, #tpu.memory_space<vmem>>, vector<16xf32>,
      %add3A_625 = arith.constant 176 : i32
      %add3A_626 = arith.addi %mul3A_544, %add3A_625 : i32
      %get3A_627 = arith.index_cast %add3A_626 : i32 to index
      %get3A_628 = tpu.vector_load %arg6[%get3A_627] {strides = array<i32>} : memref<16384xf32, #tpu.memory_space<vmem>>, vector<16xf32>,
      %max3A_629 = arith.maximumf %get3A_616, %get3A_620 : vector<16xf32>
      %min3A_630 = arith.minimumf %get3A_616, %get3A_620 : vector<16xf32>
      %max3A_631 = arith.maximumf %get3A_624, %get3A_628 : vector<16xf32>
      %min3A_632 = arith.minimumf %get3A_624, %get3A_628 : vector<16xf32>
      %max3A_633 = arith.maximumf %max3A_629, %max3A_631 : vector<16xf32>
      %min3A_634 = arith.minimumf %max3A_629, %max3A_631 : vector<16xf32>
      %max3A_635 = arith.maximumf %min3A_630, %min3A_632 : vector<16xf32>
      %max3A_636 = arith.maximumf %scan3A_537, %max3A_633 : vector<16xf32>
      %min3A_637 = arith.minimumf %scan3A_537, %max3A_633 : vector<16xf32>
      %max3A_638 = arith.maximumf %scan3A_538, %min3A_637 : vector<16xf32>
      %min3A_639 = arith.minimumf %scan3A_538, %min3A_637 : vector<16xf32>
      %max3A_640 = arith.maximumf %scan3A_539, %min3A_639 : vector<16xf32>
      %max3A_641 = arith.maximumf %max3A_638, %min3A_634 : vector<16xf32>
      %min3A_642 = arith.minimumf %max3A_638, %min3A_634 : vector<16xf32>
      %max3A_643 = arith.maximumf %max3A_640, %min3A_642 : vector<16xf32>
      %max3A_644 = arith.maximumf %max3A_641, %max3A_635 : vector<16xf32>
      %min3A_645 = arith.minimumf %max3A_641, %max3A_635 : vector<16xf32>
      %max3A_646 = arith.maximumf %max3A_643, %min3A_645 : vector<16xf32>
      %add3A_647 = arith.constant 192 : i32
      %add3A_648 = arith.addi %mul3A_544, %add3A_647 : i32
      %get3A_649 = arith.index_cast %add3A_648 : i32 to index
      %get3A_650 = tpu.vector_load %arg6[%get3A_649] {strides = array<i32>} : memref<16384xf32, #tpu.memory_space<vmem>>, vector<16xf32>,
      %add3A_651 = arith.constant 208 : i32
      %add3A_652 = arith.addi %mul3A_544, %add3A_651 : i32
      %get3A_653 = arith.index_cast %add3A_652 : i32 to index
      %get3A_654 = tpu.vector_load %arg6[%get3A_653] {strides = array<i32>} : memref<16384xf32, #tpu.memory_space<vmem>>, vector<16xf32>,
      %add3A_655 = arith.constant 224 : i32
      %add3A_656 = arith.addi %mul3A_544, %add3A_655 : i32
      %get3A_657 = arith.index_cast %add3A_656 : i32 to index
      %get3A_658 = tpu.vector_load %arg6[%get3A_657] {strides = array<i32>} : memref<16384xf32, #tpu.memory_space<vmem>>, vector<16xf32>,
      %add3A_659 = arith.constant 240 : i32
      %add3A_660 = arith.addi %mul3A_544, %add3A_659 : i32
      %get3A_661 = arith.index_cast %add3A_660 : i32 to index
      %get3A_662 = tpu.vector_load %arg6[%get3A_661] {strides = array<i32>} : memref<16384xf32, #tpu.memory_space<vmem>>, vector<16xf32>,
      %max3A_663 = arith.maximumf %get3A_650, %get3A_654 : vector<16xf32>
      %min3A_664 = arith.minimumf %get3A_650, %get3A_654 : vector<16xf32>
      %max3A_665 = arith.maximumf %get3A_658, %get3A_662 : vector<16xf32>
      %min3A_666 = arith.minimumf %get3A_658, %get3A_662 : vector<16xf32>
      %max3A_667 = arith.maximumf %max3A_663, %max3A_665 : vector<16xf32>
      %min3A_668 = arith.minimumf %max3A_663, %max3A_665 : vector<16xf32>
      %max3A_669 = arith.maximumf %min3A_664, %min3A_666 : vector<16xf32>
      %max3A_670 = arith.maximumf %scan3A_540, %max3A_667 : vector<16xf32>
      %min3A_671 = arith.minimumf %scan3A_540, %max3A_667 : vector<16xf32>
      %max3A_672 = arith.maximumf %scan3A_541, %min3A_671 : vector<16xf32>
      %min3A_673 = arith.minimumf %scan3A_541, %min3A_671 : vector<16xf32>
      %max3A_674 = arith.maximumf %scan3A_542, %min3A_673 : vector<16xf32>
      %max3A_675 = arith.maximumf %max3A_672, %min3A_668 : vector<16xf32>
      %min3A_676 = arith.minimumf %max3A_672, %min3A_668 : vector<16xf32>
      %max3A_677 = arith.maximumf %max3A_674, %min3A_676 : vector<16xf32>
      %max3A_678 = arith.maximumf %max3A_675, %max3A_669 : vector<16xf32>
      %min3A_679 = arith.minimumf %max3A_675, %max3A_669 : vector<16xf32>
      %max3A_680 = arith.maximumf %max3A_677, %min3A_679 : vector<16xf32>
      scf.yield %max3A_568, %max3A_576, %max3A_578, %max3A_602, %max3A_610, %max3A_612, %max3A_636, %max3A_644, %max3A_646, %max3A_670, %max3A_678, %max3A_680 : vector<16xf32>, vector<16xf32>, vector<16xf32>, vector<16xf32>, vector<16xf32>, vector<16xf32>, vector<16xf32>, vector<16xf32>, vector<16xf32>, vector<16xf32>, vector<16xf32>, vector<16xf32>
    }
    %scan3A_436 = arith.constant 64 : i32
    %max3A_437 = arith.maximumf %scan3A_435#0, %scan3A_435#3 : vector<16xf32>
    %min3A_438 = arith.minimumf %scan3A_435#0, %scan3A_435#3 : vector<16xf32>
    %max3A_439 = arith.maximumf %scan3A_435#1, %min3A_438 : vector<16xf32>
    %min3A_440 = arith.minimumf %scan3A_435#1, %min3A_438 : vector<16xf32>
    %max3A_441 = arith.maximumf %scan3A_435#2, %min3A_440 : vector<16xf32>
    %max3A_442 = arith.maximumf %max3A_439, %scan3A_435#4 : vector<16xf32>
    %min3A_443 = arith.minimumf %max3A_439, %scan3A_435#4 : vector<16xf32>
    %max3A_444 = arith.maximumf %max3A_441, %min3A_443 : vector<16xf32>
    %max3A_445 = arith.maximumf %max3A_442, %scan3A_435#5 : vector<16xf32>
    %min3A_446 = arith.minimumf %max3A_442, %scan3A_435#5 : vector<16xf32>
    %max3A_447 = arith.maximumf %max3A_444, %min3A_446 : vector<16xf32>
    %max3A_448 = arith.maximumf %max3A_437, %scan3A_435#6 : vector<16xf32>
    %min3A_449 = arith.minimumf %max3A_437, %scan3A_435#6 : vector<16xf32>
    %max3A_450 = arith.maximumf %max3A_445, %min3A_449 : vector<16xf32>
    %min3A_451 = arith.minimumf %max3A_445, %min3A_449 : vector<16xf32>
    %max3A_452 = arith.maximumf %max3A_447, %min3A_451 : vector<16xf32>
    %max3A_453 = arith.maximumf %max3A_450, %scan3A_435#7 : vector<16xf32>
    %min3A_454 = arith.minimumf %max3A_450, %scan3A_435#7 : vector<16xf32>
    %max3A_455 = arith.maximumf %max3A_452, %min3A_454 : vector<16xf32>
    %max3A_456 = arith.maximumf %max3A_453, %scan3A_435#8 : vector<16xf32>
    %min3A_457 = arith.minimumf %max3A_453, %scan3A_435#8 : vector<16xf32>
    %max3A_458 = arith.maximumf %max3A_455, %min3A_457 : vector<16xf32>
    %max3A_459 = arith.maximumf %max3A_448, %scan3A_435#9 : vector<16xf32>
    %min3A_460 = arith.minimumf %max3A_448, %scan3A_435#9 : vector<16xf32>
    %max3A_461 = arith.maximumf %max3A_456, %min3A_460 : vector<16xf32>
    %min3A_462 = arith.minimumf %max3A_456, %min3A_460 : vector<16xf32>
    %max3A_463 = arith.maximumf %max3A_458, %min3A_462 : vector<16xf32>
    %max3A_464 = arith.maximumf %max3A_461, %scan3A_435#10 : vector<16xf32>
    %min3A_465 = arith.minimumf %max3A_461, %scan3A_435#10 : vector<16xf32>
    %max3A_466 = arith.maximumf %max3A_463, %min3A_465 : vector<16xf32>
    %max3A_467 = arith.maximumf %max3A_464, %scan3A_435#11 : vector<16xf32>
    %min3A_468 = arith.minimumf %max3A_464, %scan3A_435#11 : vector<16xf32>
    %max3A_469 = arith.maximumf %max3A_466, %min3A_468 : vector<16xf32>
    %sort3A_470 = arith.constant dense<true> : vector<16xi1>
    %sort3A_471, %sort3A_472, %sort3A_473 = tpu.sort %max3A_459, %max3A_459 masked %sort3A_470 : (vector<16xf32>, vector<16xf32>, vector<16xi1>) -> (vector<16xi1>, vector<16xf32>, vector<16xf32>)
    %sort3A_474 = arith.constant dense<true> : vector<16xi1>
    %sort3A_475, %sort3A_476, %sort3A_477 = tpu.sort %max3A_467, %max3A_467 masked %sort3A_474 : (vector<16xf32>, vector<16xf32>, vector<16xi1>) -> (vector<16xi1>, vector<16xf32>, vector<16xf32>)
    %sort3A_478 = arith.constant dense<true> : vector<16xi1>
    %sort3A_479, %sort3A_480, %sort3A_481 = tpu.sort %max3A_469, %max3A_469 masked %sort3A_478 : (vector<16xf32>, vector<16xf32>, vector<16xi1>) -> (vector<16xi1>, vector<16xf32>, vector<16xf32>)
    %swap3A_482 = arith.constant 0 : index
    %swap3A_483 = tpu.vector_load %arg8[%swap3A_482] {strides = array<i32>} : memref<16xf32, #tpu.memory_space<vmem>>, vector<16xf32>,
    tpu.vector_store %arg8[%swap3A_482], %sort3A_476 {strides = array<i32>} : memref<16xf32, #tpu.memory_space<vmem>>, vector<16xf32>,
    %add3A_484 = arith.constant 3 : i32
    %add3A_485 = vector.broadcast %add3A_484 : i32 to vector<16xi32>
    %add3A_486 = arith.addi %iota3A, %add3A_485 : vector<16xi32>
    %and3A_487 = arith.constant 15 : i32
    %and3A_488 = vector.broadcast %and3A_487 : i32 to vector<16xi32>
    %and3A_489 = arith.andi %add3A_486, %and3A_488 : vector<16xi32>
    %gather3A_490 = tpu.vector_load_idx %arg8[%and3A_489] : memref<16xf32, #tpu.memory_space<vmem>>[vector<16xi32>], vector<16xf32>,
    %swap3A_491 = arith.constant 0 : index
    %swap3A_492 = tpu.vector_load %arg8[%swap3A_491] {strides = array<i32>} : memref<16xf32, #tpu.memory_space<vmem>>, vector<16xf32>,
    tpu.vector_store %arg8[%swap3A_491], %sort3A_480 {strides = array<i32>} : memref<16xf32, #tpu.memory_space<vmem>>, vector<16xf32>,
    %add3A_493 = arith.constant 6 : i32
    %add3A_494 = vector.broadcast %add3A_493 : i32 to vector<16xi32>
    %add3A_495 = arith.addi %iota3A, %add3A_494 : vector<16xi32>
    %and3A_496 = arith.constant 15 : i32
    %and3A_497 = vector.broadcast %and3A_496 : i32 to vector<16xi32>
    %and3A_498 = arith.andi %add3A_495, %and3A_497 : vector<16xi32>
    %gather3A_499 = tpu.vector_load_idx %arg8[%and3A_498] : memref<16xf32, #tpu.memory_space<vmem>>[vector<16xi32>], vector<16xf32>,
    %ge3A_500 = arith.constant 13 : i32
    %ge3A_501 = vector.broadcast %ge3A_500 : i32 to vector<16xi32>
    %ge3A_502 = arith.cmpi sge, %iota3A, %ge3A_501 : vector<16xi32>
    %ge3A_503 = arith.constant 10 : i32
    %ge3A_504 = vector.broadcast %ge3A_503 : i32 to vector<16xi32>
    %ge3A_505 = arith.cmpi sge, %iota3A, %ge3A_504 : vector<16xi32>
    %ge3A_506 = arith.constant 7 : i32
    %ge3A_507 = vector.broadcast %ge3A_506 : i32 to vector<16xi32>
    %ge3A_508 = arith.cmpi sge, %iota3A, %ge3A_507 : vector<16xi32>
    %select_n3A_509 = arith.select %ge3A_508, %gather3A_499, %broadcast_in_dim3A_6 : vector<16xi1>, vector<16xf32>
    %select_n3A_510 = arith.select %ge3A_505, %gather3A_490, %select_n3A_509 : vector<16xi1>, vector<16xf32>
    %select_n3A_511 = arith.select %ge3A_502, %sort3A_472, %select_n3A_510 : vector<16xi1>, vector<16xf32>
    %sort3A_512 = arith.constant dense<true> : vector<16xi1>
    %sort3A_513, %sort3A_514, %sort3A_515 = tpu.sort %select_n3A_511, %select_n3A_511 masked %sort3A_512 : (vector<16xf32>, vector<16xf32>, vector<16xi1>) -> (vector<16xi1>, vector<16xf32>, vector<16xf32>)
    %rev3A_516 = arith.constant 15 : i32
    %rev3A_517 = vector.broadcast %rev3A_516 : i32 to vector<16xi32>
    %rev3A_518 = tpu.iota {dimensions = array<i32: 0>} : vector<16xi32>
    %rev3A_519 = arith.subi %rev3A_517, %rev3A_518 : vector<16xi32>
    %rev3A_520 = tpu.dynamic_gather %sort3A_514[%rev3A_519] in [0] : vector<16xf32>, vector<16xi32> -> vector<16xf32>
    %broadcast_in_dim3A_521 = arith.constant 3 : i32
    %broadcast_in_dim3A_522 = vector.broadcast %broadcast_in_dim3A_521 : i32 to vector<16xi32>
    %mul3A_523 = arith.constant 2.000000e+00 : f32
    %mul3A_524 = vector.broadcast %mul3A_523 : f32 to vector<16xf32>
    %mul3A_525 = arith.mulf %rev3A_520, %mul3A_524 : vector<16xf32>
    %add3A_526 = arith.addf %mul3A_525, %get3A_55 : vector<16xf32>
    %lt3A_527 = arith.constant 3 : i32
    %lt3A_528 = vector.broadcast %lt3A_527 : i32 to vector<16xi32>
    %lt3A_529 = arith.cmpi slt, %iota3A, %lt3A_528 : vector<16xi32>
    tpu.vector_store_idx %arg9[%broadcast_in_dim3A_522, %iota3A], %add3A_526 masked %lt3A_529 : memref<4x3xf32, #tpu.memory_space<vmem>>[vector<16xi32>, vector<16xi32>], vector<16xf32>, vector<16xi1>
    "tpu.region"() ({
      %run_scoped3A = tpu.sem_alloc : memref<!tpu.dma_semaphore, #tpu.memory_space<semaphore_mem>>
      %dma_start3A_530 = arith.constant 0 : i32
      %dma_start3A_531 = tpu.memref_slice %arg4[%mul3A_2, %dma_start3A_530] : memref<128x3xf32, #tpu.memory_space<hbm>> -> memref<4x3xf32, #tpu.memory_space<hbm>>
      %dma_start3A_532 = arith.constant 0 : i32
      %dma_start3A_533 = tpu.memref_slice %arg4[%mul3A_2, %dma_start3A_532] : memref<128x3xf32, #tpu.memory_space<hbm>> -> memref<4x3xf32, #tpu.memory_space<hbm>>
      tpu.enqueue_dma source(%arg9 : memref<4x3xf32, #tpu.memory_space<vmem>>) target(%dma_start3A_533 : memref<4x3xf32, #tpu.memory_space<hbm>>) target_semaphore(%run_scoped3A : memref<!tpu.dma_semaphore, #tpu.memory_space<semaphore_mem>>)
      %dma_wait3A_534 = arith.constant 0 : i32
      %dma_wait3A_535 = tpu.memref_slice %arg4[%mul3A_2, %dma_wait3A_534] : memref<128x3xf32, #tpu.memory_space<hbm>> -> memref<4x3xf32, #tpu.memory_space<hbm>>
      %dma_wait3A_536 = arith.constant 0 : i32
      %dma_wait3A_537 = tpu.memref_slice %arg4[%mul3A_2, %dma_wait3A_536] : memref<128x3xf32, #tpu.memory_space<hbm>> -> memref<4x3xf32, #tpu.memory_space<hbm>>
      tpu.wait_dma2 semaphore(%run_scoped3A : memref<!tpu.dma_semaphore, #tpu.memory_space<semaphore_mem>>) src(%arg9 : memref<4x3xf32, #tpu.memory_space<vmem>>) dst(%dma_wait3A_537 : memref<4x3xf32, #tpu.memory_space<hbm>>)
      tpu.yield
    }) : () -> ()
    return
  }
}

</mosaic_0001>

<sc_bundles>
// kernel: kernel.3.cloned.1.call-start
scs
__scs_entry_jumppad:
0x0: {  	(pc) =	sbr.rel $0x88, $3  }
0x1: {  	(tag) =	ssettag $0x0;
	lr =	simm.s32 $0x1  }
0x2: {  	[smem:$0x3F9F] =	sst lr;
	_ =	strace $0xD0000000  }
0x3: {  	_ = 	snop  }
0x4: {  	_ = 	snop  }
0x5: {  	_ = 	snop  }
0x6: {  	_ = 	snop  }
0x7: {  	_ = 	snop  }
__scs_overlays_trampoline_lowered:
0x8: {  	[smem:$0x3FAE] =	sst s0  }
0x9: {  	[smem:$0x3FAF] =	sst s1  }
0xa: {  	[smem:$0x3FB0] =	sst s2  }
0xb: {  	[smem:$0x3FB1] =	sst s3  }
0xc: {  	[smem:$0x3FB2] =	sst s4  }
0xd: {  	[smem:$0x3FB3] =	sst s5  }
0xe: {  	[smem:$0x3FB4] =	sst s6  }
0xf: {  	[smem:$0x3FB5] =	sst s7  }
0x10: {  	[smem:$0x3FB6] =	sst s8  }
0x11: {  	[smem:$0x3FB7] =	sst s9;
	s0 =	simm.s32 @!p0 $0x0  }
0x12: {  	s1 =	sld [smem:$0x3F9D];
	s0 =	simm.s32 @p0 $0x1  }
0x13: {  	[smem:$0x3FB8] =	sst s0;
	s0 =	simm.s32 @!p1 $0x0  }
0x14: {  	s2 =	sld [smem:$0x3F9C];
	s0 =	simm.s32 @p1 $0x1  }
0x15: {  	[smem:$0x3FB9] =	sst s0;
	s0 =	simm.s32 @!p2 $0x0  }
0x16: {  	s3 =	sld [smem:$0x3FDB];
	s0 =	simm.s32 @p2 $0x1  }
0x17: {  	s4 =	simm.s32 $0x1BF5;
	[smem:$0x3FBB] =	sst s0  }
0x18: {  	s0 =	sld [smem:$0x3F9E];
	_ =	swait.ge [sflag:s4], $0x0  }
0x19: {  	s7 =	sld [smem:$0x3F9F]  }
0x1a: {  	s8 =	sadd.s32 $0xFFFFE003, lr  }
0x1b: {  	s9 =	sadd.s32 $0xFFFFFEF7, lr;
	s5 =	simm.s32 $0xFFFFFFFF;
	p2 =	slt.u32 s8, $0xFFFFF086  }
0x1c: {  	p1 =	slt.u32 s9, $0xF7A;
	s5 =	simm.s32 @!p2 $0x0  }
0x1d: {  	s5 =	simm.s32 @p1 $0x1;
	p0 =	seq.s32 s7, s2  }
0x1e: {  	s7 =	smul.u32 @!p0 $0xF7A, s2;
	p2 =	seq.s32 @!p0 s5, $0x0  }
0x1f: {  	s9 =	smul.u32 $0xF7A, s1;
	s8 =	simm.s32 @!p0 $0x1BF5;
	p2 =	por !p2, p0  }
0x20: {  	[sflag:s8] =	ssyncset.s32 @!p0 $0xFFFFF086;
	s6 =	sadd.s32 @!p0 s3, s7;
	s7 =	simm.s32 @!p0 $0x108  }
0x21: {  	s3 =	sadd.s32 s3, s9;
	s6 =	sadd.s32 @!p0 $0x88, s6;
	s7 =	simm.s32 @p2 $0x1082  }
0x22: {  	[simem:s7], [sflag:s8] =	dma.local @!p0 [hbm:s6], $0xF7A  }
0x23: {  	s9 =	sor.u32 $0xD0000000, s2;
	s6 =	simm.s32 $0x108;
	_ =	swait.ge @!p0 [sflag:s8], $0x0  }
0x24: {  	s3 =	sadd.s32 $0x88, s3;
	s6 =	simm.s32 @!p1 $0x1082;
	[sflag:s4] =	ssyncset.s32 $0xFFFFF086  }
0x25: {  	[simem:s6], [sflag:s4] =	dma.local [hbm:s3], $0xF7A  }
0x26: {  	[smem:$0x3F9F] =	sst s1;
	(tag) =	ssettag s2;
	_ =	strace s9  }
0x27: {  	s1 =	sld [smem:$0x3FAF]  }
0x28: {  	s2 =	sld [smem:$0x3FB0]  }
0x29: {  	s4 =	sld [smem:$0x3FB2]  }
0x2a: {  	p0 =	seq.s32 s5, $0x0;
	s5 =	sld [smem:$0x3FB3]  }
0x2b: {  	s6 =	sld [smem:$0x3FB4]  }
0x2c: {  	s7 =	sld [smem:$0x3FB5]  }
0x2d: {  	s3 =	simm.s32 $0x108;
	s8 =	sld [smem:$0x3FB6]  }
0x2e: {  	s3 =	simm.s32 @!p0 $0x1082;
	s9 =	sld [smem:$0x3FB7]  }
0x2f: {  	lr =	sadd.s32 s0, s3;
	s0 =	sld [smem:$0x3FAE]  }
0x30: {  	s3 =	sld [smem:$0x3FB1]  }
0x31: {  	[smem:$0x3FBA] =	sst s10  }
0x32: {  	s10 =	sld [smem:$0x3FB8];
	_ =	sdelay $0x3  }
0x33: {  	p0 =	seq.s32 s10, $0x1;
	s10 =	sld [smem:$0x3FBA];
	_ =	sdelay $0x3  }
0x34: {  	[smem:$0x3FBA] =	sst s10  }
0x35: {  	s10 =	sld [smem:$0x3FB9];
	_ =	sdelay $0x3  }
0x36: {  	p1 =	seq.s32 s10, $0x1;
	s10 =	sld [smem:$0x3FBA];
	_ =	sdelay $0x3  }
0x37: {  	[smem:$0x3FBA] =	sst s10  }
0x38: {  	s10 =	sld [smem:$0x3FBB]  }
0x39: {  	_ = 	snop;
	(pc) =	sbr.ind lr, $3  }
0x3a: {  	_ = 	snop  }
0x3b: {  	_ = 	snop  }
0x3c: {  	p2 =	seq.s32 s10, $0x1;
	s10 =	sld [smem:$0x3FBA]  }
0x3d: {  	_ =	shalt  }
0x3e: {  	_ =	shalt  }
0x3f: {  	_ =	shalt  }
0x40: {  	_ =	shalt  }
0x41: {  	_ =	shalt  }
0x42: {  	_ =	shalt  }
0x43: {  	_ =	shalt  }
0x44: {  	_ =	shalt  }
0x45: {  	_ =	shalt  }
0x46: {  	_ =	shalt  }
0x47: {  	_ =	shalt  }
0x48: {  	_ =	shalt  }
0x49: {  	_ =	shalt  }
0x4a: {  	_ =	shalt  }
0x4b: {  	_ =	shalt  }
0x4c: {  	_ =	shalt  }
0x4d: {  	_ =	shalt  }
0x4e: {  	_ =	shalt  }
0x4f: {  	_ =	shalt  }
0x50: {  	_ =	shalt  }
0x51: {  	_ =	shalt  }
0x52: {  	_ =	shalt  }
0x53: {  	_ =	shalt  }
0x54: {  	_ =	shalt  }
0x55: {  	_ =	shalt  }
0x56: {  	_ =	shalt  }
0x57: {  	_ =	shalt  }
0x58: {  	_ =	shalt  }
0x59: {  	_ =	shalt  }
0x5a: {  	_ =	shalt  }
0x5b: {  	_ =	shalt  }
0x5c: {  	_ =	shalt  }
0x5d: {  	_ =	shalt  }
0x5e: {  	_ =	shalt  }
0x5f: {  	_ =	shalt  }
0x60: {  	_ =	shalt  }
0x61: {  	_ =	shalt  }
0x62: {  	_ =	shalt  }
0x63: {  	_ =	shalt  }
0x64: {  	_ =	shalt  }
0x65: {  	_ =	shalt  }
0x66: {  	_ =	shalt  }
0x67: {  	_ =	shalt  }
0x68: {  	_ =	shalt  }
0x69: {  	_ =	shalt  }
0x6a: {  	_ =	shalt  }
0x6b: {  	_ =	shalt  }
0x6c: {  	_ =	shalt  }
0x6d: {  	_ =	shalt  }
0x6e: {  	_ =	shalt  }
0x6f: {  	_ =	shalt  }
0x70: {  	_ =	shalt  }
0x71: {  	_ =	shalt  }
0x72: {  	_ =	shalt  }
0x73: {  	_ =	shalt  }
0x74: {  	_ =	shalt  }
0x75: {  	_ =	shalt  }
0x76: {  	_ =	shalt  }
0x77: {  	_ =	shalt  }
0x78: {  	_ =	shalt  }
0x79: {  	_ =	shalt  }
0x7a: {  	_ =	shalt  }
0x7b: {  	_ =	shalt  }
0x7c: {  	_ =	shalt  }
0x7d: {  	_ =	shalt  }
0x7e: {  	_ =	shalt  }
0x7f: {  	_ =	shalt  }
0x80: {  	_ =	shalt  }
0x81: {  	_ =	shalt  }
0x82: {  	_ =	shalt  }
0x83: {  	_ =	shalt  }
0x84: {  	_ =	shalt  }
0x85: {  	_ =	shalt  }
0x86: {  	_ =	shalt  }
0x87: {  	_ =	shalt  }
.Lfunc_end0:
.L_simem_size_0:
called_computation_lowered:
.L_overlay_start_0:
0x88: {  	s2 =	sld [smem:$0x3FD9]  }
0x89: {  	s3 =	sld [smem:$0x3FFE];
	_ =	sdelay $0x1  }
0x8a: {  	s1 =	srdreg.scid  }
0x8b: {  	s0 =	sand.u32 $0x1, s1  }
0x8c: {  	s17 =	sshll.u32 s0, $0xA;
	s2 =	sadd.s32 s3, s2  }
0x8d: {  	s2 =	sadd.s32 s2, s17  }
0x8e: {  	[smem:$0x3FC6] =	sst s2  }
0x8f: {  	_ = 	snop  }
0x90: {  	s2 =	sld [smem:$0x3FC9]  }
0x91: {  	s18 =	sld [smem:$0x3FC8];
	(tm) =	ssettm $0x1  }
0x92: {  	s4 =	sld [smem:$0x3FFB];
	_ =	sdelay $0x3  }
0x93: {  	_ =	strace s4  }
0x94: {  	s4 =	sld [smem:$0x3FFC];
	_ =	sdelay $0x3  }
0x95: {  	_ =	strace s4  }
0x96: {  	s4 =	sld [smem:$0x3FFD];
	_ =	sdelay $0x3  }
0x97: {  	_ =	strace s4  }
0x98: {  	_ =	strace $0x8FFFFFFF  }
0x99: {  	s19 =	sld [smem:$0x3FDB];
	_ =	sdelay $0x1  }
0x9a: {  	s5 =	simm.s32 $_scs_section_size  }
0x9b: {  	s6 =	simm.s32 $_size__tile_overlayer_lowered;
	s7 =	simm.s32 $_tile_overlayer_lowered  }
0x9c: {  	s22 =	simm.s32 $0x1BFF;
	s21 =	sshll.u32 s7, $0x1;
	s4 =	sadd.s32 s5, s19  }
0x9d: {  	s8 =	simm.s32 $0x0;
	s20 =	sshll.u32 s6, $0x1;
	s6 =	sadd.s32 s21, s4  }
0x9e: {  	[timem:s8], [sflag:s22] =	dma.local [hbm:s6], s20  }
0x9f: {  	_ =	swait.ge [sflag:s22], s20  }
0xa0: {  	s5 =	ssub.s32 $0x0, s20;
	[sflag:s22] =	ssyncset.done $0x0  }
0xa1: {  	[sflag:s22] =	ssyncadd.s32 s5;
	_ =	sdelay $0x1  }
0xa2: {  	s23 =	simm.s32 $0x1B8B  }
0xa3: {  	_ =	swait.ge [sflag:s23], $0x1  }
0xa4: {  	[sflag:s23] =	ssyncset.done $0x0  }
0xa5: {  	s25 =	simm.s32 $0x1B8E;
	s24 =	sld [smem:$0x3FFE];
	[sflag:s23] =	ssyncadd.s32 $0xFFFFFFFF  }
0xa6: {  	s26 =	simm.s32 $execute0_lowered;
	[smem:$0x3FD2] =	sst s25  }
0xa7: {  	s6 =	sshll.u32 s26, $0x1;
	_ =	strace $0x80000046;
	[dreg:$0x1] =	wrdreg $0xFFFFFFFF  }
0xa8: {  	s28 =	simm.s32 $_size_execute0_lowered;
	s4 =	sadd.s32 s4, s6;
	[dreg:$0x0] =	wrdreg $0x0  }
0xa9: {  	s6 =	sshll.u32 s28, $0x1;
	[dreg:$0x2] =	wrdreg s4  }
0xaa: {  	[dreg:$0x3] =	wrdreg s6  }
0xab: {  	[dreg:$0x4] =	wrdreg $0xC0  }
0xac: {  	_ =	task [dreg:s8], $0x5FFFF  }
0xad: {  	[dreg:$0x1] =	wrdreg $0xFFFFFFFF  }
0xae: {  	[dreg:$0x0] =	wrdreg $0x60  }
0xaf: {  	[dreg:$0x2] =	wrdreg s2  }
0xb0: {  	[dreg:$0x3] =	wrdreg s18  }
0xb1: {  	[dreg:$0x4] =	wrdreg s24  }
0xb2: {  	[dreg:$0x5] =	wrdreg $0x9  }
0xb3: {  	_ =	task.clear_ibuf [dreg:s8], $0x6FFFF;
	_ =	strace $0x90000046  }
0xb4: {  	s29 =	simm.s32 $0x9;
	_ =	strace $0x80000048  }
0xb5: {  	_ =	swait.ge [sflag:s29], $0x1  }
0xb6: {  	[sflag:s29] =	ssyncadd.s32 $0xFFFFFFFF  }
0xb7: {  	_ =	strace $0x90000048  }
0xb8: {  	_ =	sfence  }
0xb9: {  	s30 =	sld [smem:$0x0];
	_ =	sdelay $0x2  }
0xba: {  	s31 =	sshll.u32 s1, $0xD;
	s1 =	sshrl.u32 s1, $0x2  }
0xbb: {  	s3 =	sand.u32 $0x4000, s31;
	s1 =	sadd.s32 s1, s30  }
0xbc: {  	s0 =	sor.u32 s3, s0;
	s1 =	sshll.u32 s1, $0x11  }
0xbd: {  	s0 =	sor.u32 s1, s0  }
0xbe: {  	s0 =	sadd.s32 $0x8F2B, s0  }
0xbf: {  	[sflag:s0] =	ssyncadd.remote.s32 $0x1  }
0xc0: {  	_ =	sfence.sel $0xFFFF  }
0xc1: {  	[dreg:$0x0] =	wrdreg $0xFFFFFFFF;
	(pc) =	sbr.abs _section_cstart, $3  }
0xc2: {  	[dreg:$0x1] =	wrdreg $0xFFFFFFFF  }
0xc3: {  	_ =	task.clear_ibuf [dreg:s8], $0x2FFFF;
	_ =	strace $0x9FFFFFFF  }
0xc4: {  	(tm) =	ssettm $0x7FFFFFFF  }
0xc5: {  	_ =	shalt  }
tec
execute0_lowered:
.L_overlay_start_1:
0x0: {  	(tag) =	ssettag $0x1  }
0x1: {  	s10 =	rddreg [dreg:$0x0]  }
0x2: {  	s1 =	rddreg [dreg:$0x1]  }
0x3: {  	s4 =	rddreg [dreg:$0x2]  }
0x4: {  	s0 =	rddreg [dreg:$0x3]  }
0x5: {  	s5 =	srdreg.scid;
	s3 =	simm.s32 $0x0;
	s2 =	stileid.u32  }
0x6: {  	s15 =	simm.s32 $0x80;
	s16 =	simm.s32 $0x400;
	s17 =	simm.s32 $0x4000  }
0x7: {  	s18 =	simm.s32 $0x1;
	s19 =	simm.s32 $0x2;
	s20 =	simm.s32 $0x3  }
0x8: {  	s21 =	simm.s32 $0x8080;
	s22 =	simm.s32 $0x8100;
	s23 =	simm.s32 $0x4  }
0x9: {  	v0 =	vimm.s32 $0x210FEDCB;
	v1 =	vimm.s32 $0xA9876543;
	s24 =	simm.s32 $0x0;
	s5 =	sand.u32 $0x1, s5;
	[smem:$0x7FF] =	sst s3  }
0xa: {  	v2 =	vimm.s32 $0x543210FE;
	s7 =	sshll.u32 s2, $0xA;
	s8 =	sshll.u32 s2, $0x12;
	s14 =	sadd.s32 $0x4000, s10  }
0xb: {  	v3 =	vimm.s32 $0xDCBA9876;
	v0 =	vunpack.c.l.s4.s8 v0;
	s6 =	sshll.u32 s5, $0x9;
	_ =	strace $0x80000047;
	s5 =	ssub.s32 $0x2, s5  }
0xc: {  	v1 =	vunpack.c.l.s4.s8 v1;
	v2 =	vunpack.c.l.s4.s8 v2;
	v3 =	vunpack.c.l.s4.s8 v3;
	s7 =	sor.u32 s6, s7;
	s30 =	sshrl.u32 s5, $0x1;
	s6 =	sor.u32 s6, s8  }
0xd: {  	v0 =	vunpack.c.0.s8.s32 v0;
	s7 =	sshrl.u32 s7, $0x3;
	s13 =	ssub.s32 s5, s30;
	s11 =	sshrl.u32 s6, $0x3  }
0xe: {  	v1 =	vunpack.c.0.s8.s32 v1;
	v2 =	vunpack.c.0.s8.s32 v2;
	v3 =	vunpack.c.0.s8.s32 v3;
	s12 =	sadd.s32 s7, s4;
	s4 =	sadd.s32 s10, s11;
	s5 =	sadd.s32 s11, s14  }
0xf: {  	s31 =	sor.u32 $0x10, s11;
	s9 =	sor.u32 $0x20, s11;
	s11 =	sor.u32 $0x30, s11  }
0x10: {  	s13 =	smax.u32 s13, $0x1;
	v0 =	vcombine.low v1, v0;
	v1 =	vcombine.low v3, v2;
	s6 =	sadd.s32 s10, s31;
	s7 =	sadd.s32 s31, s14  }
0x11: {  	vm0 =	vmmov $0x7f;
	vm1 =	vmmov $0x3ff;
	vm2 =	vmmov $0x1fff;
	s8 =	sadd.s32 s10, s9;
	s9 =	sadd.s32 s9, s14;
	s10 =	sadd.s32 s10, s11  }
0x12: {  	v2 =	vlaneseq.u32;
	s11 =	sadd.s32 s11, s14;
	s12 =	sadd.s32 $0x400, s12;
	s14 =	simm.s32 $0x8000;
	v0 =	vand.u32 $0xF, v0;
	v1 =	vand.u32 $0xF, v1  }
.LBB2_1:
0x13: {  	[tilespmem:s14], [sflag:$0x3] =	stream.linear.gather [hbm4b:s1+s3], $0x3, $0x38;
	[tilespmem:$0x8300] =	vst v63  }
0x14: {  	_ = 	snop  }
0x15: {  	[tilespmem:s3], [sflag:$0x1] =	stream.strided.gather [hbm4b:s4+s15], $0x4000, s16, s15, $0x38;
	[tilespmem:$0x8300] =	vst v63  }
0x16: {  	_ = 	snop  }
0x17: {  	[tilespmem:s17], [sflag:$0x2] =	stream.strided.gather [hbm4b:s5+s15], $0x4000, s16, s15, $0x38;
	[tilespmem:$0x8300] =	vst v63  }
0x18: {  	_ =	swait.ge [sflag:s18], $0x4000  }
0x19: {  	[sflag:s18] =	ssyncset.done $0x0  }
0x1a: {  	s25 =	simm.s32 $0x0;
	[sflag:s18] =	ssyncadd.s32 $0xFFFFC000  }
0x1b: {  	v3 =	vld [tilespmem:s25+$0xF0]  }
0x1c: {  	v7 =	vld [tilespmem:s25+$0x50]  }
0x1d: {  	v5 =	vld [tilespmem:s25+$0x10]  }
0x1e: {  	v8 =	vld [tilespmem:s25+$0x70]  }
0x1f: {  	v10 =	vld [tilespmem:s25+$0x90]  }
0x20: {  	v12 =	vld [tilespmem:s25+$0x20]  }
0x21: {  	v11 =	vld [tilespmem:s25+$0x40]  }
0x22: {  	v13 =	vld [tilespmem:s25+$0xD0]  }
0x23: {  	v14 =	vld [tilespmem:s25+$0x60]  }
0x24: {  	v15 =	vld [tilespmem:s25+$0xE0]  }
0x25: {  	v16 =	vld [tilespmem:s25+$0x0]  }
0x26: {  	v17 =	vld [tilespmem:s25+$0x80]  }
0x27: {  	v18 =	vld [tilespmem:s25+$0xC0]  }
0x28: {  	v21 =	vld [tilespmem:s25+$0x30];
	_ =	sdelay $0x1  }
0x29: {  	v4 =	vimm.f32 $-Inf;
	v19 =	vmin.f32 v11, v7;
	v20 =	vmax.f32 v14, v8  }
0x2a: {  	v6 =	vld [tilespmem:s25+$0xB0];
	v8 =	vmin.f32 v14, v8;
	v23 =	vmax.f32 v15, v3;
	v11 =	vmax.f32 v11, v7  }
0x2b: {  	v9 =	vld [tilespmem:s25+$0xA0];
	v22 =	vmin.f32 v15, v3;
	v31 =	vmax.f32 v16, v5;
	v14 =	vmax.f32 v17, v10  }
0x2c: {  	v30 =	vmin.f32 v17, v10;
	v26 =	vmin.f32 v18, v13;
	v33 =	vmax.f32 v12, v21  }
0x2d: {  	v29 =	vmax.f32 v18, v13;
	v25 =	vmin.f32 v12, v21;
	v18 =	vimm.f32 $-Inf  }
0x2e: {  	v17 =	vimm.f32 $-Inf;
	v21 =	vimm.f32 $-Inf;
	v12 =	vimm.f32 $-Inf  }
0x2f: {  	v13 =	vimm.f32 $-Inf;
	v7 =	vmax.f32 v19, v8;
	v3 =	vmax.f32 v11, v20  }
0x30: {  	v11 =	vmin.f32 v11, v20;
	v8 =	vmax.f32 v9, v6;
	v24 =	vmax.f32 v31, v33  }
0x31: {  	v19 =	vimm.f32 $-Inf;
	v20 =	vimm.f32 $-Inf;
	v15 =	vmin.f32 v4, v3  }
0x32: {  	v28 =	vmax.f32 v14, v8;
	v27 =	vmin.f32 v4, v24;
	v34 =	vmin.f32 v14, v8  }
0x33: {  	v8 =	vimm.f32 $-Inf;
	v14 =	vimm.f32 $-Inf;
	v10 =	vmin.f32 v4, v28  }
0x34: {  	s25 =	simm.s32 $0x400;
	v32 =	vmax.f32 v4, v10;
	v35 =	vmin.f32 v4, v10;
	v10 =	vimm.f32 $-Inf  }
.LBB2_2:
0x35: {  	s26 =	sshra.s32 s25, $0x2;
	p0 =	sne.s32 s25, $0xFC00;
	s25 =	sadd.s32 $0x400, s25;
	v31 =	vmin.f32 v31, v33;
	v6 =	vmin.f32 v9, v6;
	v9 =	vmin.f32 v32, v34  }
0x36: {  	v4 =	vmax.f32 v4, v35;
	v33 =	vld [tilespmem:s26+$0xF0];
	v6 =	vmax.f32 v30, v6;
	v30 =	vmax.f32 v32, v34  }
0x37: {  	v4 =	vmax.f32 v4, v9;
	v32 =	vld [tilespmem:s26+$0x50];
	v35 =	vmax.f32 v30, v6;
	v6 =	vmin.f32 v30, v6  }
0x38: {  	v34 =	vmax.f32 v29, v23;
	v30 =	vmin.f32 v18, v27;
	v9 =	vld [tilespmem:s26+$0x10];
	v4 =	vmax.f32 v4, v6  }
0x39: {  	v17 =	vmax.f32 v17, v28;
	v23 =	vmin.f32 v29, v23;
	v6 =	vmin.f32 v8, v34;
	v36 =	vld [tilespmem:s26+$0x70]  }
0x3a: {  	v22 =	vmax.f32 v26, v22;
	v26 =	vmax.f32 v21, v6;
	v21 =	vmin.f32 v21, v6;
	v28 =	vld [tilespmem:s26+$0x90]  }
0x3b: {  	v37 =	vmin.f32 v16, v5;
	v16 =	vmax.f32 v18, v27;
	v19 =	vmax.f32 v19, v21;
	v6 =	vld [tilespmem:s26+$0xB0]  }
0x3c: {  	v25 =	vmax.f32 v37, v25;
	v18 =	vmin.f32 v16, v31;
	v21 =	vmax.f32 v20, v30;
	v27 =	vld [tilespmem:s26+$0x20]  }
0x3d: {  	v12 =	vmax.f32 v12, v24;
	v16 =	vmax.f32 v16, v31;
	v20 =	vmax.f32 v21, v18;
	v29 =	vld [tilespmem:s26+$0x40];
	v5 =	vmovc v9  }
0x3e: {  	v18 =	vmax.f32 v16, v25;
	v21 =	vmin.f32 v26, v23;
	v9 =	vmax.f32 v26, v23;
	v24 =	vld [tilespmem:s26+$0xD0]  }
0x3f: {  	v19 =	vmax.f32 v19, v21;
	v21 =	vmax.f32 v9, v22;
	v9 =	vmin.f32 v9, v22;
	v23 =	vld [tilespmem:s26+$0x60]  }
0x40: {  	v8 =	vmax.f32 v8, v34;
	v16 =	vmin.f32 v16, v25;
	v19 =	vmax.f32 v19, v9;
	v22 =	vld [tilespmem:s26+$0xE0]  }
0x41: {  	v25 =	vmax.f32 v13, v15;
	v13 =	vmin.f32 v13, v15;
	v20 =	vmax.f32 v20, v16;
	v9 =	vld [tilespmem:s26+$0xA0]  }
0x42: {  	v26 =	vmax.f32 v25, v11;
	v11 =	vmin.f32 v25, v11;
	v16 =	vld [tilespmem:s26+$0x0];
	v15 =	vmin.f32 v29, v32  }
0x43: {  	v14 =	vmax.f32 v14, v13;
	v13 =	vmax.f32 v26, v7;
	v7 =	vmin.f32 v26, v7;
	v25 =	vld [tilespmem:s26+$0x80]  }
0x44: {  	v11 =	vmax.f32 v14, v11;
	v26 =	vmax.f32 v23, v36;
	v30 =	vmin.f32 v23, v36;
	v34 =	vld [tilespmem:s26+$0xC0]  }
0x45: {  	v14 =	vmax.f32 v11, v7;
	v36 =	vld [tilespmem:s26+$0x30];
	v23 =	vmax.f32 v22, v33;
	v22 =	vmin.f32 v22, v33  }
0x46: {  	v10 =	vmax.f32 v10, v3;
	v11 =	vmax.f32 v29, v32;
	v7 =	vmax.f32 v15, v30  }
0x47: {  	v3 =	vmax.f32 v11, v26;
	v11 =	vmin.f32 v11, v26;
	v37 =	vmax.f32 v9, v6  }
.Ltmp0:
0x48: {  	v31 =	vmax.f32 v16, v5;
	v38 =	vmax.f32 v25, v28;
	v30 =	vmin.f32 v25, v28;
	(pc) =	sbr.rel @p0 .LBB2_2-.Ltmp0, $4  }
0x49: {  	v15 =	vmin.f32 v10, v3;
	v28 =	vmax.f32 v38, v37;
	v26 =	vmin.f32 v34, v24  }
0x4a: {  	v29 =	vmax.f32 v34, v24;
	v33 =	vmax.f32 v27, v36;
	v39 =	vmin.f32 v17, v28  }
0x4b: {  	v25 =	vmin.f32 v27, v36;
	v24 =	vmax.f32 v31, v33;
	v32 =	vmax.f32 v35, v39  }
0x4c: {  	v34 =	vmin.f32 v38, v37;
	v35 =	vmin.f32 v35, v39;
	v27 =	vmin.f32 v12, v24  }
0x4d: {  	s25 =	simm.s32 $0x0  }
0x4e: {  	[tilespmem:s25], [sflag:$0x1] =	stream.strided.gather [hbm4b:s6+s15], $0x4000, s16, s15, $0x38;
	[tilespmem:$0x8300] =	vst v63  }
0x4f: {  	_ =	swait.ge [sflag:s19], $0x4000  }
0x50: {  	[sflag:s19] =	ssyncset.done $0x0  }
0x51: {  	v31 =	vmin.f32 v31, v33;
	v6 =	vmin.f32 v9, v6;
	v9 =	vmin.f32 v32, v34;
	s31 =	simm.s32 $0x0;
	[sflag:s19] =	ssyncadd.s32 $0xFFFFC000  }
0x52: {  	v4 =	vmax.f32 v4, v35;
	v6 =	vmax.f32 v30, v6;
	v30 =	vmax.f32 v32, v34;
	v59 =	vld [tilespmem:s31+$0x40F0]  }
0x53: {  	v4 =	vmax.f32 v4, v9;
	v60 =	vmax.f32 v30, v6;
	v6 =	vmin.f32 v30, v6;
	v30 =	vld [tilespmem:s31+$0x4050]  }
0x54: {  	v61 =	vmin.f32 v18, v27;
	v62 =	vmax.f32 v29, v23;
	v9 =	vmax.f32 v4, v6;
	v6 =	vld [tilespmem:s31+$0x4010]  }
0x55: {  	v4 =	vmax.f32 v17, v28;
	v17 =	vmin.f32 v29, v23;
	v23 =	vmin.f32 v8, v62;
	v28 =	vld [tilespmem:s31+$0x4070]  }
0x56: {  	v22 =	vmax.f32 v26, v22;
	v26 =	vmax.f32 v21, v23;
	v21 =	vmin.f32 v21, v23;
	v29 =	vld [tilespmem:s31+$0x4090]  }
0x57: {  	v5 =	vmin.f32 v16, v5;
	v16 =	vmax.f32 v18, v27;
	v18 =	vmax.f32 v19, v21;
	v19 =	vld [tilespmem:s31+$0x40B0]  }
0x58: {  	v3 =	vmax.f32 v10, v3;
	v20 =	vmax.f32 v20, v61;
	v23 =	vmin.f32 v16, v31;
	v27 =	vld [tilespmem:s31+$0x4040]  }
0x59: {  	v21 =	vmax.f32 v5, v25;
	v5 =	vmax.f32 v12, v24;
	v24 =	vmax.f32 v16, v31;
	v36 =	vld [tilespmem:s31+$0x40D0]  }
0x5a: {  	v20 =	vmax.f32 v20, v23;
	v23 =	vmax.f32 v26, v17;
	v16 =	vmin.f32 v26, v17;
	v63 =	vld [tilespmem:s31+$0x40C0]  }
0x5b: {  	v17 =	vmax.f32 v18, v16;
	v16 =	vmax.f32 v23, v22;
	v18 =	vmin.f32 v23, v22;
	v22 =	vld [tilespmem:s31+$0x4060]  }
0x5c: {  	v12 =	vmax.f32 v24, v21;
	v21 =	vmin.f32 v24, v21;
	v24 =	vld [tilespmem:s31+$0x40E0];
	v18 =	vmax.f32 v17, v18  }
0x5d: {  	v17 =	vmax.f32 v20, v21;
	v20 =	vmax.f32 v13, v15;
	v13 =	vmin.f32 v13, v15;
	v21 =	vld [tilespmem:s31+$0x40A0]  }
0x5e: {  	v15 =	vld [tilespmem:s31+$0x4000];
	v23 =	vmax.f32 v20, v11;
	v20 =	vmin.f32 v20, v11;
	v13 =	vmax.f32 v14, v13  }
0x5f: {  	v11 =	vmax.f32 v23, v7;
	v7 =	vmin.f32 v23, v7;
	v13 =	vmax.f32 v13, v20;
	v20 =	vld [tilespmem:s31+$0x4080]  }
0x60: {  	v8 =	vmax.f32 v8, v62;
	v25 =	vld [tilespmem:s31+$0x4020];
	v7 =	vmax.f32 v13, v7;
	v10 =	vmin.f32 v27, v30  }
0x61: {  	v26 =	vmin.f32 v63, v36;
	v14 =	vmax.f32 v22, v28;
	v13 =	vmin.f32 v22, v28;
	v28 =	vld [tilespmem:s31+$0x4030]  }
0x62: {  	v23 =	vmax.f32 v24, v59;
	v22 =	vmin.f32 v24, v59;
	v24 =	vmax.f32 v27, v30  }
0x63: {  	v13 =	vmax.f32 v10, v13;
	v10 =	vmax.f32 v24, v14;
	v14 =	vmin.f32 v24, v14  }
0x64: {  	v37 =	vmax.f32 v21, v19;
	v31 =	vmax.f32 v15, v6;
	v38 =	vmax.f32 v20, v29  }
0x65: {  	v30 =	vmin.f32 v20, v29;
	v20 =	vmin.f32 v3, v10;
	v29 =	vmax.f32 v63, v36  }
0x66: {  	v27 =	vmax.f32 v38, v37;
	v34 =	vmin.f32 v38, v37;
	v33 =	vmax.f32 v25, v28  }
0x67: {  	v39 =	vmin.f32 v4, v27;
	v25 =	vmin.f32 v25, v28;
	v24 =	vmax.f32 v31, v33  }
0x68: {  	s25 =	simm.s32 $0x400;
	v32 =	vmax.f32 v60, v39;
	v35 =	vmin.f32 v60, v39;
	v28 =	vmin.f32 v5, v24  }
.LBB2_4:
0x69: {  	s26 =	sshra.s32 s25, $0x2;
	p0 =	sne.s32 s25, $0xFC00;
	s25 =	sadd.s32 $0x400, s25;
	v31 =	vmin.f32 v31, v33;
	v19 =	vmin.f32 v21, v19;
	v21 =	vmin.f32 v32, v34  }
0x6a: {  	v9 =	vmax.f32 v9, v35;
	v33 =	vld [tilespmem:s26+$0x40F0];
	v19 =	vmax.f32 v30, v19;
	v30 =	vmax.f32 v32, v34  }
0x6b: {  	v9 =	vmax.f32 v9, v21;
	v32 =	vld [tilespmem:s26+$0x4050];
	v35 =	vmax.f32 v30, v19;
	v19 =	vmin.f32 v30, v19  }
0x6c: {  	v34 =	vmax.f32 v29, v23;
	v30 =	vmin.f32 v12, v28;
	v21 =	vld [tilespmem:s26+$0x4010];
	v9 =	vmax.f32 v9, v19  }
0x6d: {  	v4 =	vmax.f32 v4, v27;
	v23 =	vmin.f32 v29, v23;
	v19 =	vmin.f32 v8, v34;
	v36 =	vld [tilespmem:s26+$0x4070]  }
0x6e: {  	v22 =	vmax.f32 v26, v22;
	v26 =	vmax.f32 v16, v19;
	v16 =	vmin.f32 v16, v19;
	v27 =	vld [tilespmem:s26+$0x4090]  }
0x6f: {  	v37 =	vmin.f32 v15, v6;
	v12 =	vmax.f32 v12, v28;
	v15 =	vmax.f32 v18, v16;
	v19 =	vld [tilespmem:s26+$0x40B0]  }
0x70: {  	v29 =	vmax.f32 v17, v30;
	v18 =	vmax.f32 v37, v25;
	v16 =	vmin.f32 v12, v31;
	v28 =	vld [tilespmem:s26+$0x4020]  }
0x71: {  	v5 =	vmax.f32 v5, v24;
	v17 =	vmax.f32 v12, v31;
	v24 =	vmax.f32 v29, v16;
	v25 =	vld [tilespmem:s26+$0x4040];
	v6 =	vmovc v21  }
0x72: {  	v12 =	vmax.f32 v17, v18;
	v16 =	vmin.f32 v26, v23;
	v21 =	vmax.f32 v26, v23;
	v29 =	vld [tilespmem:s26+$0x40D0]  }
0x73: {  	v15 =	vmax.f32 v15, v16;
	v16 =	vmax.f32 v21, v22;
	v21 =	vmin.f32 v21, v22;
	v23 =	vld [tilespmem:s26+$0x4060]  }
0x74: {  	v8 =	vmax.f32 v8, v34;
	v17 =	vmin.f32 v17, v18;
	v18 =	vmax.f32 v15, v21;
	v22 =	vld [tilespmem:s26+$0x40E0]  }
0x75: {  	v17 =	vmax.f32 v24, v17;
	v24 =	vmax.f32 v11, v20;
	v11 =	vmin.f32 v11, v20;
	v21 =	vld [tilespmem:s26+$0x40A0]  }
0x76: {  	v26 =	vmax.f32 v24, v14;
	v14 =	vmin.f32 v24, v14;
	v15 =	vld [tilespmem:s26+$0x4000];
	v20 =	vmin.f32 v25, v32  }
0x77: {  	v7 =	vmax.f32 v7, v11;
	v11 =	vmax.f32 v26, v13;
	v13 =	vmin.f32 v26, v13;
	v24 =	vld [tilespmem:s26+$0x4080]  }
0x78: {  	v7 =	vmax.f32 v7, v14;
	v26 =	vmax.f32 v23, v36;
	v30 =	vmin.f32 v23, v36;
	v34 =	vld [tilespmem:s26+$0x40C0]  }
0x79: {  	v7 =	vmax.f32 v7, v13;
	v36 =	vld [tilespmem:s26+$0x4030];
	v23 =	vmax.f32 v22, v33;
	v22 =	vmin.f32 v22, v33  }
0x7a: {  	v3 =	vmax.f32 v3, v10;
	v14 =	vmax.f32 v25, v32;
	v13 =	vmax.f32 v20, v30  }
0x7b: {  	v10 =	vmax.f32 v14, v26;
	v14 =	vmin.f32 v14, v26;
	v37 =	vmax.f32 v21, v19  }
.Ltmp1:
0x7c: {  	v31 =	vmax.f32 v15, v6;
	v38 =	vmax.f32 v24, v27;
	v30 =	vmin.f32 v24, v27;
	(pc) =	sbr.rel @p0 .LBB2_4-.Ltmp1, $4  }
0x7d: {  	v20 =	vmin.f32 v3, v10;
	v27 =	vmax.f32 v38, v37;
	v26 =	vmin.f32 v34, v29  }
0x7e: {  	v29 =	vmax.f32 v34, v29;
	v33 =	vmax.f32 v28, v36;
	v39 =	vmin.f32 v4, v27  }
0x7f: {  	v25 =	vmin.f32 v28, v36;
	v24 =	vmax.f32 v31, v33;
	v32 =	vmax.f32 v35, v39  }
0x80: {  	v34 =	vmin.f32 v38, v37;
	v35 =	vmin.f32 v35, v39;
	v28 =	vmin.f32 v5, v24  }
0x81: {  	v31 =	vmin.f32 v31, v33;
	v19 =	vmin.f32 v21, v19  }
0x82: {  	v21 =	vmin.f32 v32, v34;
	v9 =	vmax.f32 v9, v35;
	v4 =	vmax.f32 v4, v27  }
0x83: {  	v22 =	vmax.f32 v26, v22;
	v6 =	vmin.f32 v15, v6;
	v5 =	vmax.f32 v5, v24  }
0x84: {  	v3 =	vmax.f32 v3, v10;
	v19 =	vmax.f32 v30, v19;
	v30 =	vmax.f32 v32, v34  }
0x85: {  	v9 =	vmax.f32 v9, v21;
	v21 =	vmax.f32 v30, v19;
	v19 =	vmin.f32 v30, v19  }
0x86: {  	v6 =	vmax.f32 v6, v25;
	v9 =	vmax.f32 v9, v19;
	v19 =	vmax.f32 v29, v23  }
0x87: {  	v30 =	vmin.f32 v12, v28;
	v12 =	vmax.f32 v12, v28;
	v27 =	vmin.f32 v8, v19  }
0x88: {  	v23 =	vmin.f32 v29, v23;
	v26 =	vmax.f32 v16, v27;
	v16 =	vmin.f32 v16, v27  }
0x89: {  	v8 =	vmax.f32 v8, v19;
	v15 =	vmax.f32 v18, v16;
	v16 =	vmax.f32 v17, v30  }
0x8a: {  	v17 =	vmin.f32 v12, v31;
	v12 =	vmax.f32 v12, v31;
	v18 =	vmax.f32 v26, v23  }
0x8b: {  	v23 =	vmin.f32 v26, v23;
	v16 =	vmax.f32 v16, v17;
	v17 =	vmax.f32 v12, v6  }
0x8c: {  	v15 =	vmax.f32 v15, v23;
	v23 =	vmax.f32 v18, v22;
	v18 =	vmin.f32 v18, v22  }
0x8d: {  	v6 =	vmin.f32 v12, v6;
	v12 =	vmax.f32 v11, v20;
	v11 =	vmin.f32 v11, v20  }
0x8e: {  	v6 =	vmax.f32 v16, v6;
	v16 =	vmax.f32 v12, v14;
	v12 =	vmin.f32 v12, v14  }
0x8f: {  	v7 =	vmax.f32 v7, v11;
	v10 =	vmax.f32 v16, v13;
	v11 =	vmin.f32 v16, v13  }
0x90: {  	v13 =	vmin.f32 v5, v3;
	v7 =	vmax.f32 v7, v12;
	v3 =	vmax.f32 v5, v3  }
0x91: {  	v12 =	vmax.f32 v17, v13;
	v13 =	vmin.f32 v17, v13;
	v7 =	vmax.f32 v7, v11  }
0x92: {  	v6 =	vmax.f32 v6, v13;
	v11 =	vmin.f32 v12, v10;
	v5 =	vmax.f32 v12, v10  }
0x93: {  	v6 =	vmax.f32 v6, v11;
	v10 =	vmax.f32 v5, v7;
	v5 =	vmin.f32 v5, v7  }
0x94: {  	v7 =	vmin.f32 v3, v4;
	v3 =	vmax.f32 v3, v4;
	v5 =	vmax.f32 v6, v5  }
0x95: {  	v6 =	vmax.f32 v10, v7;
	v7 =	vmin.f32 v10, v7;
	v10 =	vmax.f32 v15, v18  }
0x96: {  	v5 =	vmax.f32 v5, v7;
	v7 =	vmin.f32 v6, v21;
	v4 =	vmax.f32 v6, v21  }
0x97: {  	v5 =	vmax.f32 v5, v7;
	v6 =	vmax.f32 v4, v9;
	v4 =	vmin.f32 v4, v9  }
0x98: {  	_ =	swait.ge [sflag:s20], $0x3;
	v7 =	vmin.f32 v3, v8;
	v3 =	vmax.f32 v3, v8;
	v4 =	vmax.f32 v5, v4  }
0x99: {  	v5 =	vmax.f32 v6, v7;
	v6 =	vmin.f32 v6, v7;
	(xrf1) =	vsort.ascd.msk.f32 $0xffff, v3, v3  }
0x9a: {  	v4 =	vmax.f32 v4, v6;
	v6 =	vmax.f32 v5, v23;
	v5 =	vmin.f32 v5, v23  }
0x9b: {  	v7 =	vmax.f32 v6, v10;
	v3 =	vmax.f32 v4, v5;
	v4 =	vmin.f32 v6, v10  }
0x9c: {  	(xrf1) =	vsort.ascd.msk.f32 $0xffff, v7, v7;
	v3 =	vmax.f32 v3, v4  }
0x9d: {  	(xrf1) =	vsort.ascd.msk.f32 $0xffff, v3, v3;
	_ =	sdelay $0xb  }
0x9e: {  	[sflag:s20] =	ssyncset.done $0x0;
	v3, _, _ =	vpop (xrf1)  }
0x9f: {  	[sflag:s20] =	ssyncadd.s32 $0xFFFFFFFD;
	v4, _, _ =	vpop (xrf1)  }
0xa0: {  	[tilespmem:$0x8080] =	vst v4;
	v4, _, _ =	vpop (xrf1)  }
0xa1: {  	v5 =	vld.idx.msk [tilespmem:v0+s21+$0x0], $0xffff;
	[tilespmem:$0x8080] =	vst v4  }
0xa2: {  	v4 =	vld.idx.msk [tilespmem:v1+s21+$0x0], $0xffff;
	_ =	sdelay $0x4  }
0xa3: {  	v4 =	vsel vm0, $0xFF800000, v4  }
0xa4: {  	v4 =	vsel vm1, v4, v5  }
0xa5: {  	v3 =	vsel vm2, v4, v3  }
0xa6: {  	(xrf1) =	vsort.ascd.msk.f32 $0xffff, v3, v3;
	_ =	sdelay $0xb  }
0xa7: {  	v4 =	vmul.u32 $0xFFFFFFFF, v2;
	_ =	sdelay $0x1  }
0xa8: {  	v3 =	vld [tilespmem:$0x8000];
	v4 =	vadd.s32 $0xF, v4;
	v5, _, _ =	vpop (xrf1)  }
0xa9: {  	v5 =	vperm.xlane v5, v4;
	_ =	sdelay $0x1  }
0xaa: {  	v5 =	vadd.f32 v5, v5;
	_ =	sdelay $0x1  }
0xab: {  	v5 =	vadd.f32 v5, v3;
	_ =	sdelay $0x1  }
0xac: {  	[tilespmem:v2+s22+$0x0] =	vst.idx.msk $0x7, v5  }
0xad: {  	[tilespmem:s17], [sflag:$0x2] =	stream.strided.gather [hbm4b:s7+s15], $0x4000, s16, s15, $0x38;
	[tilespmem:$0x8300] =	vst v63  }
0xae: {  	_ =	swait.ge [sflag:s18], $0x4000  }
0xaf: {  	[sflag:s18] =	ssyncset.done $0x0  }
0xb0: {  	s25 =	simm.s32 $0x0;
	[sflag:s18] =	ssyncadd.s32 $0xFFFFC000  }
0xb1: {  	v5 =	vld [tilespmem:s25+$0xF0]  }
0xb2: {  	v9 =	vld [tilespmem:s25+$0x50]  }
0xb3: {  	v7 =	vld [tilespmem:s25+$0x10]  }
0xb4: {  	v10 =	vld [tilespmem:s25+$0x70]  }
0xb5: {  	v12 =	vld [tilespmem:s25+$0x90]  }
0xb6: {  	v14 =	vld [tilespmem:s25+$0x20]  }
0xb7: {  	v13 =	vld [tilespmem:s25+$0x40]  }
0xb8: {  	v15 =	vld [tilespmem:s25+$0xD0]  }
0xb9: {  	v16 =	vld [tilespmem:s25+$0x60]  }
0xba: {  	v17 =	vld [tilespmem:s25+$0xE0]  }
0xbb: {  	v18 =	vld [tilespmem:s25+$0x0]  }
0xbc: {  	v19 =	vld [tilespmem:s25+$0x80]  }
0xbd: {  	v20 =	vld [tilespmem:s25+$0xC0]  }
0xbe: {  	v23 =	vld [tilespmem:s25+$0x30];
	_ =	sdelay $0x1  }
0xbf: {  	v6 =	vimm.f32 $-Inf;
	v21 =	vmin.f32 v13, v9;
	v22 =	vmax.f32 v16, v10  }
0xc0: {  	v8 =	vld [tilespmem:s25+$0xB0];
	v10 =	vmin.f32 v16, v10;
	v25 =	vmax.f32 v17, v5;
	v13 =	vmax.f32 v13, v9  }
0xc1: {  	v11 =	vld [tilespmem:s25+$0xA0];
	v24 =	vmin.f32 v17, v5;
	v33 =	vmax.f32 v18, v7;
	v16 =	vmax.f32 v19, v12  }
0xc2: {  	v32 =	vmin.f32 v19, v12;
	v28 =	vmin.f32 v20, v15;
	v35 =	vmax.f32 v14, v23  }
0xc3: {  	v31 =	vmax.f32 v20, v15;
	v27 =	vmin.f32 v14, v23;
	v20 =	vimm.f32 $-Inf  }
0xc4: {  	v19 =	vimm.f32 $-Inf;
	v23 =	vimm.f32 $-Inf;
	v14 =	vimm.f32 $-Inf  }
0xc5: {  	v15 =	vimm.f32 $-Inf;
	v9 =	vmax.f32 v21, v10;
	v5 =	vmax.f32 v13, v22  }
0xc6: {  	v13 =	vmin.f32 v13, v22;
	v10 =	vmax.f32 v11, v8;
	v26 =	vmax.f32 v33, v35  }
0xc7: {  	v21 =	vimm.f32 $-Inf;
	v22 =	vimm.f32 $-Inf;
	v17 =	vmin.f32 v6, v5  }
0xc8: {  	v30 =	vmax.f32 v16, v10;
	v29 =	vmin.f32 v6, v26;
	v36 =	vmin.f32 v16, v10  }
0xc9: {  	v10 =	vimm.f32 $-Inf;
	v16 =	vimm.f32 $-Inf;
	v12 =	vmin.f32 v6, v30  }
0xca: {  	s25 =	simm.s32 $0x400;
	v34 =	vmax.f32 v6, v12;
	v37 =	vmin.f32 v6, v12;
	v12 =	vimm.f32 $-Inf  }
.LBB2_6:
0xcb: {  	s26 =	sshra.s32 s25, $0x2;
	p0 =	sne.s32 s25, $0xFC00;
	s25 =	sadd.s32 $0x400, s25;
	v33 =	vmin.f32 v33, v35;
	v8 =	vmin.f32 v11, v8;
	v11 =	vmin.f32 v34, v36  }
0xcc: {  	v6 =	vmax.f32 v6, v37;
	v35 =	vld [tilespmem:s26+$0xF0];
	v8 =	vmax.f32 v32, v8;
	v32 =	vmax.f32 v34, v36  }
0xcd: {  	v6 =	vmax.f32 v6, v11;
	v34 =	vld [tilespmem:s26+$0x50];
	v37 =	vmax.f32 v32, v8;
	v8 =	vmin.f32 v32, v8  }
0xce: {  	v36 =	vmax.f32 v31, v25;
	v32 =	vmin.f32 v20, v29;
	v11 =	vld [tilespmem:s26+$0x10];
	v6 =	vmax.f32 v6, v8  }
0xcf: {  	v19 =	vmax.f32 v19, v30;
	v25 =	vmin.f32 v31, v25;
	v8 =	vmin.f32 v10, v36;
	v38 =	vld [tilespmem:s26+$0x70]  }
0xd0: {  	v24 =	vmax.f32 v28, v24;
	v28 =	vmax.f32 v23, v8;
	v23 =	vmin.f32 v23, v8;
	v30 =	vld [tilespmem:s26+$0x90]  }
0xd1: {  	v39 =	vmin.f32 v18, v7;
	v18 =	vmax.f32 v20, v29;
	v21 =	vmax.f32 v21, v23;
	v8 =	vld [tilespmem:s26+$0xB0]  }
0xd2: {  	v27 =	vmax.f32 v39, v27;
	v20 =	vmin.f32 v18, v33;
	v23 =	vmax.f32 v22, v32;
	v29 =	vld [tilespmem:s26+$0x20]  }
0xd3: {  	v14 =	vmax.f32 v14, v26;
	v18 =	vmax.f32 v18, v33;
	v22 =	vmax.f32 v23, v20;
	v31 =	vld [tilespmem:s26+$0x40];
	v7 =	vmovc v11  }
0xd4: {  	v20 =	vmax.f32 v18, v27;
	v23 =	vmin.f32 v28, v25;
	v11 =	vmax.f32 v28, v25;
	v26 =	vld [tilespmem:s26+$0xD0]  }
0xd5: {  	v21 =	vmax.f32 v21, v23;
	v23 =	vmax.f32 v11, v24;
	v11 =	vmin.f32 v11, v24;
	v25 =	vld [tilespmem:s26+$0x60]  }
0xd6: {  	v10 =	vmax.f32 v10, v36;
	v18 =	vmin.f32 v18, v27;
	v21 =	vmax.f32 v21, v11;
	v24 =	vld [tilespmem:s26+$0xE0]  }
0xd7: {  	v27 =	vmax.f32 v15, v17;
	v15 =	vmin.f32 v15, v17;
	v22 =	vmax.f32 v22, v18;
	v11 =	vld [tilespmem:s26+$0xA0]  }
0xd8: {  	v28 =	vmax.f32 v27, v13;
	v13 =	vmin.f32 v27, v13;
	v18 =	vld [tilespmem:s26+$0x0];
	v17 =	vmin.f32 v31, v34  }
0xd9: {  	v16 =	vmax.f32 v16, v15;
	v15 =	vmax.f32 v28, v9;
	v9 =	vmin.f32 v28, v9;
	v27 =	vld [tilespmem:s26+$0x80]  }
0xda: {  	v13 =	vmax.f32 v16, v13;
	v28 =	vmax.f32 v25, v38;
	v32 =	vmin.f32 v25, v38;
	v36 =	vld [tilespmem:s26+$0xC0]  }
0xdb: {  	v16 =	vmax.f32 v13, v9;
	v38 =	vld [tilespmem:s26+$0x30];
	v25 =	vmax.f32 v24, v35;
	v24 =	vmin.f32 v24, v35  }
0xdc: {  	v12 =	vmax.f32 v12, v5;
	v13 =	vmax.f32 v31, v34;
	v9 =	vmax.f32 v17, v32  }
0xdd: {  	v5 =	vmax.f32 v13, v28;
	v13 =	vmin.f32 v13, v28;
	v39 =	vmax.f32 v11, v8  }
.Ltmp2:
0xde: {  	v33 =	vmax.f32 v18, v7;
	v40 =	vmax.f32 v27, v30;
	v32 =	vmin.f32 v27, v30;
	(pc) =	sbr.rel @p0 .LBB2_6-.Ltmp2, $4  }
0xdf: {  	v17 =	vmin.f32 v12, v5;
	v30 =	vmax.f32 v40, v39;
	v28 =	vmin.f32 v36, v26  }
0xe0: {  	v31 =	vmax.f32 v36, v26;
	v35 =	vmax.f32 v29, v38;
	v41 =	vmin.f32 v19, v30  }
0xe1: {  	v27 =	vmin.f32 v29, v38;
	v26 =	vmax.f32 v33, v35;
	v34 =	vmax.f32 v37, v41  }
0xe2: {  	v36 =	vmin.f32 v40, v39;
	v37 =	vmin.f32 v37, v41;
	v29 =	vmin.f32 v14, v26  }
0xe3: {  	s25 =	simm.s32 $0x0  }
0xe4: {  	[tilespmem:s25], [sflag:$0x1] =	stream.strided.gather [hbm4b:s8+s15], $0x4000, s16, s15, $0x38;
	[tilespmem:$0x8300] =	vst v63  }
0xe5: {  	_ =	swait.ge [sflag:s19], $0x4000  }
0xe6: {  	[sflag:s19] =	ssyncset.done $0x0  }
0xe7: {  	v33 =	vmin.f32 v33, v35;
	v8 =	vmin.f32 v11, v8;
	v11 =	vmin.f32 v34, v36;
	s31 =	simm.s32 $0x0;
	[sflag:s19] =	ssyncadd.s32 $0xFFFFC000  }
0xe8: {  	v6 =	vmax.f32 v6, v37;
	v57 =	vmax.f32 v34, v36;
	v8 =	vmax.f32 v32, v8;
	v58 =	vld [tilespmem:s31+$0x40F0]  }
0xe9: {  	v6 =	vmax.f32 v6, v11;
	v59 =	vmax.f32 v57, v8;
	v8 =	vmin.f32 v57, v8;
	v60 =	vld [tilespmem:s31+$0x4050]  }
0xea: {  	v61 =	vmin.f32 v20, v29;
	v62 =	vmax.f32 v31, v25;
	v11 =	vmax.f32 v6, v8;
	v8 =	vld [tilespmem:s31+$0x4010]  }
0xeb: {  	v6 =	vmax.f32 v19, v30;
	v19 =	vmin.f32 v31, v25;
	v25 =	vmin.f32 v10, v62;
	v30 =	vld [tilespmem:s31+$0x4070]  }
0xec: {  	v24 =	vmax.f32 v28, v24;
	v28 =	vmax.f32 v23, v25;
	v23 =	vmin.f32 v23, v25;
	v31 =	vld [tilespmem:s31+$0x4090]  }
0xed: {  	v7 =	vmin.f32 v18, v7;
	v18 =	vmax.f32 v20, v29;
	v20 =	vmax.f32 v21, v23;
	v21 =	vld [tilespmem:s31+$0x40B0]  }
0xee: {  	v5 =	vmax.f32 v12, v5;
	v22 =	vmax.f32 v22, v61;
	v25 =	vmin.f32 v18, v33;
	v29 =	vld [tilespmem:s31+$0x4040]  }
0xef: {  	v23 =	vmax.f32 v7, v27;
	v7 =	vmax.f32 v14, v26;
	v26 =	vmax.f32 v18, v33;
	v38 =	vld [tilespmem:s31+$0x40D0]  }
0xf0: {  	v22 =	vmax.f32 v22, v25;
	v25 =	vmax.f32 v28, v19;
	v18 =	vmin.f32 v28, v19;
	v63 =	vld [tilespmem:s31+$0x40C0]  }
0xf1: {  	v19 =	vmax.f32 v20, v18;
	v18 =	vmax.f32 v25, v24;
	v20 =	vmin.f32 v25, v24;
	v24 =	vld [tilespmem:s31+$0x4060]  }
0xf2: {  	v14 =	vmax.f32 v26, v23;
	v23 =	vmin.f32 v26, v23;
	v26 =	vld [tilespmem:s31+$0x40E0];
	v20 =	vmax.f32 v19, v20  }
0xf3: {  	v19 =	vmax.f32 v22, v23;
	v22 =	vmax.f32 v15, v17;
	v15 =	vmin.f32 v15, v17;
	v23 =	vld [tilespmem:s31+$0x40A0]  }
0xf4: {  	v17 =	vld [tilespmem:s31+$0x4000];
	v25 =	vmax.f32 v22, v13;
	v22 =	vmin.f32 v22, v13;
	v15 =	vmax.f32 v16, v15  }
0xf5: {  	v13 =	vmax.f32 v25, v9;
	v9 =	vmin.f32 v25, v9;
	v15 =	vmax.f32 v15, v22;
	v22 =	vld [tilespmem:s31+$0x4080]  }
0xf6: {  	v10 =	vmax.f32 v10, v62;
	v27 =	vld [tilespmem:s31+$0x4020];
	v9 =	vmax.f32 v15, v9;
	v12 =	vmin.f32 v29, v60  }
0xf7: {  	v28 =	vmin.f32 v63, v38;
	v16 =	vmax.f32 v24, v30;
	v15 =	vmin.f32 v24, v30;
	v30 =	vld [tilespmem:s31+$0x4030]  }
0xf8: {  	v25 =	vmax.f32 v26, v58;
	v24 =	vmin.f32 v26, v58;
	v26 =	vmax.f32 v29, v60  }
0xf9: {  	v15 =	vmax.f32 v12, v15;
	v12 =	vmax.f32 v26, v16;
	v16 =	vmin.f32 v26, v16  }
0xfa: {  	v39 =	vmax.f32 v23, v21;
	v33 =	vmax.f32 v17, v8;
	v40 =	vmax.f32 v22, v31  }
0xfb: {  	v32 =	vmin.f32 v22, v31;
	v22 =	vmin.f32 v5, v12;
	v31 =	vmax.f32 v63, v38  }
0xfc: {  	v29 =	vmax.f32 v40, v39;
	v36 =	vmin.f32 v40, v39;
	v35 =	vmax.f32 v27, v30  }
0xfd: {  	v41 =	vmin.f32 v6, v29;
	v27 =	vmin.f32 v27, v30;
	v26 =	vmax.f32 v33, v35  }
0xfe: {  	s25 =	simm.s32 $0x400;
	v34 =	vmax.f32 v59, v41;
	v37 =	vmin.f32 v59, v41;
	v30 =	vmin.f32 v7, v26  }
.LBB2_8:
0xff: {  	s26 =	sshra.s32 s25, $0x2;
	p0 =	sne.s32 s25, $0xFC00;
	s25 =	sadd.s32 $0x400, s25;
	v33 =	vmin.f32 v33, v35;
	v21 =	vmin.f32 v23, v21;
	v23 =	vmin.f32 v34, v36  }
0x100: {  	v11 =	vmax.f32 v11, v37;
	v35 =	vld [tilespmem:s26+$0x40F0];
	v21 =	vmax.f32 v32, v21;
	v32 =	vmax.f32 v34, v36  }
0x101: {  	v11 =	vmax.f32 v11, v23;
	v34 =	vld [tilespmem:s26+$0x4050];
	v37 =	vmax.f32 v32, v21;
	v21 =	vmin.f32 v32, v21  }
0x102: {  	v36 =	vmax.f32 v31, v25;
	v32 =	vmin.f32 v14, v30;
	v23 =	vld [tilespmem:s26+$0x4010];
	v11 =	vmax.f32 v11, v21  }
0x103: {  	v6 =	vmax.f32 v6, v29;
	v25 =	vmin.f32 v31, v25;
	v21 =	vmin.f32 v10, v36;
	v38 =	vld [tilespmem:s26+$0x4070]  }
0x104: {  	v24 =	vmax.f32 v28, v24;
	v28 =	vmax.f32 v18, v21;
	v18 =	vmin.f32 v18, v21;
	v29 =	vld [tilespmem:s26+$0x4090]  }
0x105: {  	v39 =	vmin.f32 v17, v8;
	v14 =	vmax.f32 v14, v30;
	v17 =	vmax.f32 v20, v18;
	v21 =	vld [tilespmem:s26+$0x40B0]  }
0x106: {  	v31 =	vmax.f32 v19, v32;
	v20 =	vmax.f32 v39, v27;
	v18 =	vmin.f32 v14, v33;
	v30 =	vld [tilespmem:s26+$0x4020]  }
0x107: {  	v7 =	vmax.f32 v7, v26;
	v19 =	vmax.f32 v14, v33;
	v26 =	vmax.f32 v31, v18;
	v27 =	vld [tilespmem:s26+$0x4040];
	v8 =	vmovc v23  }
0x108: {  	v14 =	vmax.f32 v19, v20;
	v18 =	vmin.f32 v28, v25;
	v23 =	vmax.f32 v28, v25;
	v31 =	vld [tilespmem:s26+$0x40D0]  }
0x109: {  	v17 =	vmax.f32 v17, v18;
	v18 =	vmax.f32 v23, v24;
	v23 =	vmin.f32 v23, v24;
	v25 =	vld [tilespmem:s26+$0x4060]  }
0x10a: {  	v10 =	vmax.f32 v10, v36;
	v19 =	vmin.f32 v19, v20;
	v20 =	vmax.f32 v17, v23;
	v24 =	vld [tilespmem:s26+$0x40E0]  }
0x10b: {  	v19 =	vmax.f32 v26, v19;
	v26 =	vmax.f32 v13, v22;
	v13 =	vmin.f32 v13, v22;
	v23 =	vld [tilespmem:s26+$0x40A0]  }
0x10c: {  	v28 =	vmax.f32 v26, v16;
	v16 =	vmin.f32 v26, v16;
	v17 =	vld [tilespmem:s26+$0x4000];
	v22 =	vmin.f32 v27, v34  }
0x10d: {  	v9 =	vmax.f32 v9, v13;
	v13 =	vmax.f32 v28, v15;
	v15 =	vmin.f32 v28, v15;
	v26 =	vld [tilespmem:s26+$0x4080]  }
0x10e: {  	v9 =	vmax.f32 v9, v16;
	v28 =	vmax.f32 v25, v38;
	v32 =	vmin.f32 v25, v38;
	v36 =	vld [tilespmem:s26+$0x40C0]  }
0x10f: {  	v9 =	vmax.f32 v9, v15;
	v38 =	vld [tilespmem:s26+$0x4030];
	v25 =	vmax.f32 v24, v35;
	v24 =	vmin.f32 v24, v35  }
0x110: {  	v5 =	vmax.f32 v5, v12;
	v16 =	vmax.f32 v27, v34;
	v15 =	vmax.f32 v22, v32  }
0x111: {  	v12 =	vmax.f32 v16, v28;
	v16 =	vmin.f32 v16, v28;
	v39 =	vmax.f32 v23, v21  }
.Ltmp3:
0x112: {  	v33 =	vmax.f32 v17, v8;
	v40 =	vmax.f32 v26, v29;
	v32 =	vmin.f32 v26, v29;
	(pc) =	sbr.rel @p0 .LBB2_8-.Ltmp3, $4  }
0x113: {  	v22 =	vmin.f32 v5, v12;
	v29 =	vmax.f32 v40, v39;
	v28 =	vmin.f32 v36, v31  }
0x114: {  	v31 =	vmax.f32 v36, v31;
	v35 =	vmax.f32 v30, v38;
	v41 =	vmin.f32 v6, v29  }
0x115: {  	v27 =	vmin.f32 v30, v38;
	v26 =	vmax.f32 v33, v35;
	v34 =	vmax.f32 v37, v41  }
0x116: {  	v36 =	vmin.f32 v40, v39;
	v37 =	vmin.f32 v37, v41;
	v30 =	vmin.f32 v7, v26  }
0x117: {  	v33 =	vmin.f32 v33, v35;
	v21 =	vmin.f32 v23, v21  }
0x118: {  	v23 =	vmin.f32 v34, v36;
	v11 =	vmax.f32 v11, v37;
	v62 =	vmax.f32 v34, v36  }
0x119: {  	v63 =	vmin.f32 v14, v30;
	v6 =	vmax.f32 v6, v29;
	v24 =	vmax.f32 v28, v24  }
0x11a: {  	v8 =	vmin.f32 v17, v8;
	v14 =	vmax.f32 v14, v30;
	v21 =	vmax.f32 v32, v21  }
0x11b: {  	v11 =	vmax.f32 v11, v23;
	v23 =	vmax.f32 v62, v21;
	v21 =	vmin.f32 v62, v21  }
0x11c: {  	v7 =	vmax.f32 v7, v26;
	v11 =	vmax.f32 v11, v21;
	v21 =	vmax.f32 v31, v25  }
0x11d: {  	v5 =	vmax.f32 v5, v12;
	v8 =	vmax.f32 v8, v27;
	v29 =	vmin.f32 v10, v21  }
0x11e: {  	v25 =	vmin.f32 v31, v25;
	v28 =	vmax.f32 v18, v29;
	v18 =	vmin.f32 v18, v29  }
0x11f: {  	v10 =	vmax.f32 v10, v21;
	v17 =	vmax.f32 v20, v18;
	v18 =	vmax.f32 v19, v63  }
0x120: {  	v19 =	vmin.f32 v14, v33;
	v14 =	vmax.f32 v14, v33;
	v20 =	vmax.f32 v28, v25  }
0x121: {  	v25 =	vmin.f32 v28, v25;
	v18 =	vmax.f32 v18, v19;
	v19 =	vmax.f32 v14, v8  }
0x122: {  	v17 =	vmax.f32 v17, v25;
	v25 =	vmax.f32 v20, v24;
	v20 =	vmin.f32 v20, v24  }
0x123: {  	v8 =	vmin.f32 v14, v8;
	v14 =	vmax.f32 v13, v22;
	v13 =	vmin.f32 v13, v22  }
0x124: {  	v8 =	vmax.f32 v18, v8;
	v18 =	vmax.f32 v14, v16;
	v14 =	vmin.f32 v14, v16  }
0x125: {  	v9 =	vmax.f32 v9, v13;
	v12 =	vmax.f32 v18, v15;
	v13 =	vmin.f32 v18, v15  }
0x126: {  	v15 =	vmin.f32 v7, v5;
	v9 =	vmax.f32 v9, v14;
	v5 =	vmax.f32 v7, v5  }
0x127: {  	v14 =	vmax.f32 v19, v15;
	v15 =	vmin.f32 v19, v15;
	v9 =	vmax.f32 v9, v13  }
0x128: {  	v8 =	vmax.f32 v8, v15;
	v13 =	vmin.f32 v14, v12;
	v7 =	vmax.f32 v14, v12  }
0x129: {  	v8 =	vmax.f32 v8, v13;
	v12 =	vmax.f32 v7, v9;
	v7 =	vmin.f32 v7, v9  }
0x12a: {  	v9 =	vmin.f32 v5, v6;
	v5 =	vmax.f32 v5, v6;
	v7 =	vmax.f32 v8, v7  }
0x12b: {  	v8 =	vmax.f32 v12, v9;
	v9 =	vmin.f32 v12, v9;
	v12 =	vmax.f32 v17, v20  }
0x12c: {  	v7 =	vmax.f32 v7, v9;
	v9 =	vmin.f32 v8, v23;
	v6 =	vmax.f32 v8, v23  }
0x12d: {  	v7 =	vmax.f32 v7, v9;
	v8 =	vmax.f32 v6, v11;
	v6 =	vmin.f32 v6, v11  }
0x12e: {  	v9 =	vmin.f32 v5, v10;
	v5 =	vmax.f32 v5, v10;
	v6 =	vmax.f32 v7, v6  }
0x12f: {  	v7 =	vmax.f32 v8, v9;
	v8 =	vmin.f32 v8, v9;
	(xrf1) =	vsort.ascd.msk.f32 $0xffff, v5, v5  }
0x130: {  	v6 =	vmax.f32 v6, v8;
	v8 =	vmax.f32 v7, v25;
	v7 =	vmin.f32 v7, v25  }
0x131: {  	v9 =	vmax.f32 v8, v12;
	v5 =	vmax.f32 v6, v7;
	v6 =	vmin.f32 v8, v12  }
0x132: {  	(xrf1) =	vsort.ascd.msk.f32 $0xffff, v9, v9;
	v5 =	vmax.f32 v5, v6  }
0x133: {  	(xrf1) =	vsort.ascd.msk.f32 $0xffff, v5, v5;
	_ =	sdelay $0xb  }
0x134: {  	v5, _, _ =	vpop (xrf1)  }
0x135: {  	v6, _, _ =	vpop (xrf1)  }
0x136: {  	[tilespmem:$0x8080] =	vst v6;
	v6, _, _ =	vpop (xrf1)  }
0x137: {  	v7 =	vld.idx.msk [tilespmem:v0+s21+$0x0], $0xffff;
	[tilespmem:$0x8080] =	vst v6  }
0x138: {  	v6 =	vld.idx.msk [tilespmem:v1+s21+$0x0], $0xffff;
	_ =	sdelay $0x4  }
0x139: {  	v6 =	vsel vm0, $0xFF800000, v6  }
0x13a: {  	v6 =	vsel vm1, v6, v7  }
0x13b: {  	v5 =	vsel vm2, v6, v5  }
0x13c: {  	(xrf1) =	vsort.ascd.msk.f32 $0xffff, v5, v5;
	_ =	sdelay $0xd  }
0x13d: {  	v5, _, _ =	vpop (xrf1)  }
0x13e: {  	v5 =	vperm.xlane v5, v4  }
0x13f: {  	v6 =	vor.u32 $0x80, v2  }
0x140: {  	v5 =	vadd.f32 v5, v5;
	_ =	sdelay $0x1  }
0x141: {  	v5 =	vadd.f32 v5, v3;
	_ =	sdelay $0x1  }
0x142: {  	[tilespmem:v6+s22+$0x0] =	vst.idx.msk $0x7, v5  }
0x143: {  	[tilespmem:s17], [sflag:$0x2] =	stream.strided.gather [hbm4b:s9+s15], $0x4000, s16, s15, $0x38;
	[tilespmem:$0x8300] =	vst v63  }
0x144: {  	_ =	swait.ge [sflag:s18], $0x4000  }
0x145: {  	[sflag:s18] =	ssyncset.done $0x0  }
0x146: {  	s25 =	simm.s32 $0x0;
	[sflag:s18] =	ssyncadd.s32 $0xFFFFC000  }
0x147: {  	v5 =	vld [tilespmem:s25+$0xF0]  }
0x148: {  	v9 =	vld [tilespmem:s25+$0x50]  }
0x149: {  	v7 =	vld [tilespmem:s25+$0x10]  }
0x14a: {  	v10 =	vld [tilespmem:s25+$0x70]  }
0x14b: {  	v12 =	vld [tilespmem:s25+$0x90]  }
0x14c: {  	v14 =	vld [tilespmem:s25+$0x20]  }
0x14d: {  	v13 =	vld [tilespmem:s25+$0x40]  }
0x14e: {  	v15 =	vld [tilespmem:s25+$0xD0]  }
0x14f: {  	v16 =	vld [tilespmem:s25+$0x60]  }
0x150: {  	v17 =	vld [tilespmem:s25+$0xE0]  }
0x151: {  	v18 =	vld [tilespmem:s25+$0x0]  }
0x152: {  	v19 =	vld [tilespmem:s25+$0x80]  }
0x153: {  	v20 =	vld [tilespmem:s25+$0xC0]  }
0x154: {  	v23 =	vld [tilespmem:s25+$0x30];
	_ =	sdelay $0x1  }
0x155: {  	v6 =	vimm.f32 $-Inf;
	v21 =	vmin.f32 v13, v9;
	v22 =	vmax.f32 v16, v10  }
0x156: {  	v8 =	vld [tilespmem:s25+$0xB0];
	v10 =	vmin.f32 v16, v10;
	v25 =	vmax.f32 v17, v5;
	v13 =	vmax.f32 v13, v9  }
0x157: {  	v11 =	vld [tilespmem:s25+$0xA0];
	v24 =	vmin.f32 v17, v5;
	v33 =	vmax.f32 v18, v7;
	v16 =	vmax.f32 v19, v12  }
0x158: {  	v32 =	vmin.f32 v19, v12;
	v28 =	vmin.f32 v20, v15;
	v35 =	vmax.f32 v14, v23  }
0x159: {  	v31 =	vmax.f32 v20, v15;
	v27 =	vmin.f32 v14, v23;
	v20 =	vimm.f32 $-Inf  }
0x15a: {  	v19 =	vimm.f32 $-Inf;
	v23 =	vimm.f32 $-Inf;
	v14 =	vimm.f32 $-Inf  }
0x15b: {  	v15 =	vimm.f32 $-Inf;
	v9 =	vmax.f32 v21, v10;
	v5 =	vmax.f32 v13, v22  }
0x15c: {  	v13 =	vmin.f32 v13, v22;
	v10 =	vmax.f32 v11, v8;
	v26 =	vmax.f32 v33, v35  }
0x15d: {  	v21 =	vimm.f32 $-Inf;
	v22 =	vimm.f32 $-Inf;
	v17 =	vmin.f32 v6, v5  }
0x15e: {  	v30 =	vmax.f32 v16, v10;
	v29 =	vmin.f32 v6, v26;
	v36 =	vmin.f32 v16, v10  }
0x15f: {  	v10 =	vimm.f32 $-Inf;
	v16 =	vimm.f32 $-Inf;
	v12 =	vmin.f32 v6, v30  }
0x160: {  	s25 =	simm.s32 $0x400;
	v34 =	vmax.f32 v6, v12;
	v37 =	vmin.f32 v6, v12;
	v12 =	vimm.f32 $-Inf  }
.LBB2_10:
0x161: {  	s26 =	sshra.s32 s25, $0x2;
	p0 =	sne.s32 s25, $0xFC00;
	s25 =	sadd.s32 $0x400, s25;
	v33 =	vmin.f32 v33, v35;
	v8 =	vmin.f32 v11, v8;
	v11 =	vmin.f32 v34, v36  }
0x162: {  	v6 =	vmax.f32 v6, v37;
	v35 =	vld [tilespmem:s26+$0xF0];
	v8 =	vmax.f32 v32, v8;
	v32 =	vmax.f32 v34, v36  }
0x163: {  	v6 =	vmax.f32 v6, v11;
	v34 =	vld [tilespmem:s26+$0x50];
	v37 =	vmax.f32 v32, v8;
	v8 =	vmin.f32 v32, v8  }
0x164: {  	v36 =	vmax.f32 v31, v25;
	v32 =	vmin.f32 v20, v29;
	v11 =	vld [tilespmem:s26+$0x10];
	v6 =	vmax.f32 v6, v8  }
0x165: {  	v19 =	vmax.f32 v19, v30;
	v25 =	vmin.f32 v31, v25;
	v8 =	vmin.f32 v10, v36;
	v38 =	vld [tilespmem:s26+$0x70]  }
0x166: {  	v24 =	vmax.f32 v28, v24;
	v28 =	vmax.f32 v23, v8;
	v23 =	vmin.f32 v23, v8;
	v30 =	vld [tilespmem:s26+$0x90]  }
0x167: {  	v39 =	vmin.f32 v18, v7;
	v18 =	vmax.f32 v20, v29;
	v21 =	vmax.f32 v21, v23;
	v8 =	vld [tilespmem:s26+$0xB0]  }
0x168: {  	v27 =	vmax.f32 v39, v27;
	v20 =	vmin.f32 v18, v33;
	v23 =	vmax.f32 v22, v32;
	v29 =	vld [tilespmem:s26+$0x20]  }
0x169: {  	v14 =	vmax.f32 v14, v26;
	v18 =	vmax.f32 v18, v33;
	v22 =	vmax.f32 v23, v20;
	v31 =	vld [tilespmem:s26+$0x40];
	v7 =	vmovc v11  }
0x16a: {  	v20 =	vmax.f32 v18, v27;
	v23 =	vmin.f32 v28, v25;
	v11 =	vmax.f32 v28, v25;
	v26 =	vld [tilespmem:s26+$0xD0]  }
0x16b: {  	v21 =	vmax.f32 v21, v23;
	v23 =	vmax.f32 v11, v24;
	v11 =	vmin.f32 v11, v24;
	v25 =	vld [tilespmem:s26+$0x60]  }
0x16c: {  	v10 =	vmax.f32 v10, v36;
	v18 =	vmin.f32 v18, v27;
	v21 =	vmax.f32 v21, v11;
	v24 =	vld [tilespmem:s26+$0xE0]  }
0x16d: {  	v27 =	vmax.f32 v15, v17;
	v15 =	vmin.f32 v15, v17;
	v22 =	vmax.f32 v22, v18;
	v11 =	vld [tilespmem:s26+$0xA0]  }
0x16e: {  	v28 =	vmax.f32 v27, v13;
	v13 =	vmin.f32 v27, v13;
	v18 =	vld [tilespmem:s26+$0x0];
	v17 =	vmin.f32 v31, v34  }
0x16f: {  	v16 =	vmax.f32 v16, v15;
	v15 =	vmax.f32 v28, v9;
	v9 =	vmin.f32 v28, v9;
	v27 =	vld [tilespmem:s26+$0x80]  }
0x170: {  	v13 =	vmax.f32 v16, v13;
	v28 =	vmax.f32 v25, v38;
	v32 =	vmin.f32 v25, v38;
	v36 =	vld [tilespmem:s26+$0xC0]  }
0x171: {  	v16 =	vmax.f32 v13, v9;
	v38 =	vld [tilespmem:s26+$0x30];
	v25 =	vmax.f32 v24, v35;
	v24 =	vmin.f32 v24, v35  }
0x172: {  	v12 =	vmax.f32 v12, v5;
	v13 =	vmax.f32 v31, v34;
	v9 =	vmax.f32 v17, v32  }
0x173: {  	v5 =	vmax.f32 v13, v28;
	v13 =	vmin.f32 v13, v28;
	v39 =	vmax.f32 v11, v8  }
.Ltmp4:
0x174: {  	v33 =	vmax.f32 v18, v7;
	v40 =	vmax.f32 v27, v30;
	v32 =	vmin.f32 v27, v30;
	(pc) =	sbr.rel @p0 .LBB2_10-.Ltmp4, $4  }
0x175: {  	v17 =	vmin.f32 v12, v5;
	v30 =	vmax.f32 v40, v39;
	v28 =	vmin.f32 v36, v26  }
0x176: {  	v31 =	vmax.f32 v36, v26;
	v35 =	vmax.f32 v29, v38;
	v41 =	vmin.f32 v19, v30  }
0x177: {  	v27 =	vmin.f32 v29, v38;
	v26 =	vmax.f32 v33, v35;
	v34 =	vmax.f32 v37, v41  }
0x178: {  	v36 =	vmin.f32 v40, v39;
	v37 =	vmin.f32 v37, v41;
	v29 =	vmin.f32 v14, v26  }
0x179: {  	s25 =	simm.s32 $0x0  }
0x17a: {  	[tilespmem:s25], [sflag:$0x1] =	stream.strided.gather [hbm4b:s10+s15], $0x4000, s16, s15, $0x38;
	[tilespmem:$0x8300] =	vst v63  }
0x17b: {  	_ =	swait.ge [sflag:s19], $0x4000  }
0x17c: {  	[sflag:s19] =	ssyncset.done $0x0  }
0x17d: {  	v33 =	vmin.f32 v33, v35;
	v8 =	vmin.f32 v11, v8;
	v11 =	vmin.f32 v34, v36;
	s31 =	simm.s32 $0x0;
	[sflag:s19] =	ssyncadd.s32 $0xFFFFC000  }
0x17e: {  	v6 =	vmax.f32 v6, v37;
	v57 =	vmax.f32 v34, v36;
	v8 =	vmax.f32 v32, v8;
	v58 =	vld [tilespmem:s31+$0x40F0]  }
0x17f: {  	v6 =	vmax.f32 v6, v11;
	v59 =	vmax.f32 v57, v8;
	v8 =	vmin.f32 v57, v8;
	v60 =	vld [tilespmem:s31+$0x4050]  }
0x180: {  	v61 =	vmin.f32 v20, v29;
	v62 =	vmax.f32 v31, v25;
	v11 =	vmax.f32 v6, v8;
	v8 =	vld [tilespmem:s31+$0x4010]  }
0x181: {  	v6 =	vmax.f32 v19, v30;
	v19 =	vmin.f32 v31, v25;
	v25 =	vmin.f32 v10, v62;
	v30 =	vld [tilespmem:s31+$0x4070]  }
0x182: {  	v24 =	vmax.f32 v28, v24;
	v28 =	vmax.f32 v23, v25;
	v23 =	vmin.f32 v23, v25;
	v31 =	vld [tilespmem:s31+$0x4090]  }
0x183: {  	v7 =	vmin.f32 v18, v7;
	v18 =	vmax.f32 v20, v29;
	v20 =	vmax.f32 v21, v23;
	v21 =	vld [tilespmem:s31+$0x40B0]  }
0x184: {  	v5 =	vmax.f32 v12, v5;
	v22 =	vmax.f32 v22, v61;
	v25 =	vmin.f32 v18, v33;
	v29 =	vld [tilespmem:s31+$0x4040]  }
0x185: {  	v23 =	vmax.f32 v7, v27;
	v7 =	vmax.f32 v14, v26;
	v26 =	vmax.f32 v18, v33;
	v38 =	vld [tilespmem:s31+$0x40D0]  }
0x186: {  	v22 =	vmax.f32 v22, v25;
	v25 =	vmax.f32 v28, v19;
	v18 =	vmin.f32 v28, v19;
	v63 =	vld [tilespmem:s31+$0x40C0]  }
0x187: {  	v19 =	vmax.f32 v20, v18;
	v18 =	vmax.f32 v25, v24;
	v20 =	vmin.f32 v25, v24;
	v24 =	vld [tilespmem:s31+$0x4060]  }
0x188: {  	v14 =	vmax.f32 v26, v23;
	v23 =	vmin.f32 v26, v23;
	v26 =	vld [tilespmem:s31+$0x40E0];
	v20 =	vmax.f32 v19, v20  }
0x189: {  	v19 =	vmax.f32 v22, v23;
	v22 =	vmax.f32 v15, v17;
	v15 =	vmin.f32 v15, v17;
	v23 =	vld [tilespmem:s31+$0x40A0]  }
0x18a: {  	v17 =	vld [tilespmem:s31+$0x4000];
	v25 =	vmax.f32 v22, v13;
	v22 =	vmin.f32 v22, v13;
	v15 =	vmax.f32 v16, v15  }
0x18b: {  	v13 =	vmax.f32 v25, v9;
	v9 =	vmin.f32 v25, v9;
	v15 =	vmax.f32 v15, v22;
	v22 =	vld [tilespmem:s31+$0x4080]  }
0x18c: {  	v10 =	vmax.f32 v10, v62;
	v27 =	vld [tilespmem:s31+$0x4020];
	v9 =	vmax.f32 v15, v9;
	v12 =	vmin.f32 v29, v60  }
0x18d: {  	v28 =	vmin.f32 v63, v38;
	v16 =	vmax.f32 v24, v30;
	v15 =	vmin.f32 v24, v30;
	v30 =	vld [tilespmem:s31+$0x4030]  }
0x18e: {  	v25 =	vmax.f32 v26, v58;
	v24 =	vmin.f32 v26, v58;
	v26 =	vmax.f32 v29, v60  }
0x18f: {  	v15 =	vmax.f32 v12, v15;
	v12 =	vmax.f32 v26, v16;
	v16 =	vmin.f32 v26, v16  }
0x190: {  	v39 =	vmax.f32 v23, v21;
	v33 =	vmax.f32 v17, v8;
	v40 =	vmax.f32 v22, v31  }
0x191: {  	v32 =	vmin.f32 v22, v31;
	v22 =	vmin.f32 v5, v12;
	v31 =	vmax.f32 v63, v38  }
0x192: {  	v29 =	vmax.f32 v40, v39;
	v36 =	vmin.f32 v40, v39;
	v35 =	vmax.f32 v27, v30  }
0x193: {  	v41 =	vmin.f32 v6, v29;
	v27 =	vmin.f32 v27, v30;
	v26 =	vmax.f32 v33, v35  }
0x194: {  	s25 =	simm.s32 $0x400;
	v34 =	vmax.f32 v59, v41;
	v37 =	vmin.f32 v59, v41;
	v30 =	vmin.f32 v7, v26  }
.LBB2_12:
0x195: {  	s26 =	sshra.s32 s25, $0x2;
	p0 =	sne.s32 s25, $0xFC00;
	s25 =	sadd.s32 $0x400, s25;
	v33 =	vmin.f32 v33, v35;
	v21 =	vmin.f32 v23, v21;
	v23 =	vmin.f32 v34, v36  }
0x196: {  	v11 =	vmax.f32 v11, v37;
	v35 =	vld [tilespmem:s26+$0x40F0];
	v21 =	vmax.f32 v32, v21;
	v32 =	vmax.f32 v34, v36  }
0x197: {  	v11 =	vmax.f32 v11, v23;
	v34 =	vld [tilespmem:s26+$0x4050];
	v37 =	vmax.f32 v32, v21;
	v21 =	vmin.f32 v32, v21  }
0x198: {  	v36 =	vmax.f32 v31, v25;
	v32 =	vmin.f32 v14, v30;
	v23 =	vld [tilespmem:s26+$0x4010];
	v11 =	vmax.f32 v11, v21  }
0x199: {  	v6 =	vmax.f32 v6, v29;
	v25 =	vmin.f32 v31, v25;
	v21 =	vmin.f32 v10, v36;
	v38 =	vld [tilespmem:s26+$0x4070]  }
0x19a: {  	v24 =	vmax.f32 v28, v24;
	v28 =	vmax.f32 v18, v21;
	v18 =	vmin.f32 v18, v21;
	v29 =	vld [tilespmem:s26+$0x4090]  }
0x19b: {  	v39 =	vmin.f32 v17, v8;
	v14 =	vmax.f32 v14, v30;
	v17 =	vmax.f32 v20, v18;
	v21 =	vld [tilespmem:s26+$0x40B0]  }
0x19c: {  	v31 =	vmax.f32 v19, v32;
	v20 =	vmax.f32 v39, v27;
	v18 =	vmin.f32 v14, v33;
	v30 =	vld [tilespmem:s26+$0x4020]  }
0x19d: {  	v7 =	vmax.f32 v7, v26;
	v19 =	vmax.f32 v14, v33;
	v26 =	vmax.f32 v31, v18;
	v27 =	vld [tilespmem:s26+$0x4040];
	v8 =	vmovc v23  }
0x19e: {  	v14 =	vmax.f32 v19, v20;
	v18 =	vmin.f32 v28, v25;
	v23 =	vmax.f32 v28, v25;
	v31 =	vld [tilespmem:s26+$0x40D0]  }
0x19f: {  	v17 =	vmax.f32 v17, v18;
	v18 =	vmax.f32 v23, v24;
	v23 =	vmin.f32 v23, v24;
	v25 =	vld [tilespmem:s26+$0x4060]  }
0x1a0: {  	v10 =	vmax.f32 v10, v36;
	v19 =	vmin.f32 v19, v20;
	v20 =	vmax.f32 v17, v23;
	v24 =	vld [tilespmem:s26+$0x40E0]  }
0x1a1: {  	v19 =	vmax.f32 v26, v19;
	v26 =	vmax.f32 v13, v22;
	v13 =	vmin.f32 v13, v22;
	v23 =	vld [tilespmem:s26+$0x40A0]  }
0x1a2: {  	v28 =	vmax.f32 v26, v16;
	v16 =	vmin.f32 v26, v16;
	v17 =	vld [tilespmem:s26+$0x4000];
	v22 =	vmin.f32 v27, v34  }
0x1a3: {  	v9 =	vmax.f32 v9, v13;
	v13 =	vmax.f32 v28, v15;
	v15 =	vmin.f32 v28, v15;
	v26 =	vld [tilespmem:s26+$0x4080]  }
0x1a4: {  	v9 =	vmax.f32 v9, v16;
	v28 =	vmax.f32 v25, v38;
	v32 =	vmin.f32 v25, v38;
	v36 =	vld [tilespmem:s26+$0x40C0]  }
0x1a5: {  	v9 =	vmax.f32 v9, v15;
	v38 =	vld [tilespmem:s26+$0x4030];
	v25 =	vmax.f32 v24, v35;
	v24 =	vmin.f32 v24, v35  }
0x1a6: {  	v5 =	vmax.f32 v5, v12;
	v16 =	vmax.f32 v27, v34;
	v15 =	vmax.f32 v22, v32  }
0x1a7: {  	v12 =	vmax.f32 v16, v28;
	v16 =	vmin.f32 v16, v28;
	v39 =	vmax.f32 v23, v21  }
.Ltmp5:
0x1a8: {  	v33 =	vmax.f32 v17, v8;
	v40 =	vmax.f32 v26, v29;
	v32 =	vmin.f32 v26, v29;
	(pc) =	sbr.rel @p0 .LBB2_12-.Ltmp5, $4  }
0x1a9: {  	v22 =	vmin.f32 v5, v12;
	v29 =	vmax.f32 v40, v39;
	v28 =	vmin.f32 v36, v31  }
0x1aa: {  	v31 =	vmax.f32 v36, v31;
	v35 =	vmax.f32 v30, v38;
	v41 =	vmin.f32 v6, v29  }
0x1ab: {  	v27 =	vmin.f32 v30, v38;
	v26 =	vmax.f32 v33, v35;
	v34 =	vmax.f32 v37, v41  }
0x1ac: {  	v36 =	vmin.f32 v40, v39;
	v37 =	vmin.f32 v37, v41;
	v30 =	vmin.f32 v7, v26  }
0x1ad: {  	v33 =	vmin.f32 v33, v35;
	v21 =	vmin.f32 v23, v21  }
0x1ae: {  	v23 =	vmin.f32 v34, v36;
	v11 =	vmax.f32 v11, v37;
	v62 =	vmax.f32 v34, v36  }
0x1af: {  	v63 =	vmin.f32 v14, v30;
	v6 =	vmax.f32 v6, v29;
	v24 =	vmax.f32 v28, v24  }
0x1b0: {  	v8 =	vmin.f32 v17, v8;
	v14 =	vmax.f32 v14, v30;
	v21 =	vmax.f32 v32, v21  }
0x1b1: {  	v11 =	vmax.f32 v11, v23;
	v23 =	vmax.f32 v62, v21;
	v21 =	vmin.f32 v62, v21  }
0x1b2: {  	v7 =	vmax.f32 v7, v26;
	v11 =	vmax.f32 v11, v21;
	v21 =	vmax.f32 v31, v25  }
0x1b3: {  	v5 =	vmax.f32 v5, v12;
	v8 =	vmax.f32 v8, v27;
	v29 =	vmin.f32 v10, v21  }
0x1b4: {  	v25 =	vmin.f32 v31, v25;
	v28 =	vmax.f32 v18, v29;
	v18 =	vmin.f32 v18, v29  }
0x1b5: {  	v10 =	vmax.f32 v10, v21;
	v17 =	vmax.f32 v20, v18;
	v18 =	vmax.f32 v19, v63  }
0x1b6: {  	v19 =	vmin.f32 v14, v33;
	v14 =	vmax.f32 v14, v33;
	v20 =	vmax.f32 v28, v25  }
0x1b7: {  	v25 =	vmin.f32 v28, v25;
	v18 =	vmax.f32 v18, v19;
	v19 =	vmax.f32 v14, v8  }
0x1b8: {  	v17 =	vmax.f32 v17, v25;
	v25 =	vmax.f32 v20, v24;
	v20 =	vmin.f32 v20, v24  }
0x1b9: {  	v8 =	vmin.f32 v14, v8;
	v14 =	vmax.f32 v13, v22;
	v13 =	vmin.f32 v13, v22  }
0x1ba: {  	v8 =	vmax.f32 v18, v8;
	v18 =	vmax.f32 v14, v16;
	v14 =	vmin.f32 v14, v16  }
0x1bb: {  	v9 =	vmax.f32 v9, v13;
	v12 =	vmax.f32 v18, v15;
	v13 =	vmin.f32 v18, v15  }
0x1bc: {  	v15 =	vmin.f32 v7, v5;
	v9 =	vmax.f32 v9, v14;
	v5 =	vmax.f32 v7, v5  }
0x1bd: {  	v14 =	vmax.f32 v19, v15;
	v15 =	vmin.f32 v19, v15;
	v9 =	vmax.f32 v9, v13  }
0x1be: {  	v8 =	vmax.f32 v8, v15;
	v13 =	vmin.f32 v14, v12;
	v7 =	vmax.f32 v14, v12  }
0x1bf: {  	v8 =	vmax.f32 v8, v13;
	v12 =	vmax.f32 v7, v9;
	v7 =	vmin.f32 v7, v9  }
0x1c0: {  	v9 =	vmin.f32 v5, v6;
	v5 =	vmax.f32 v5, v6;
	v7 =	vmax.f32 v8, v7  }
0x1c1: {  	v8 =	vmax.f32 v12, v9;
	v9 =	vmin.f32 v12, v9;
	v12 =	vmax.f32 v17, v20  }
0x1c2: {  	v7 =	vmax.f32 v7, v9;
	v9 =	vmin.f32 v8, v23;
	v6 =	vmax.f32 v8, v23  }
0x1c3: {  	v7 =	vmax.f32 v7, v9;
	v8 =	vmax.f32 v6, v11;
	v6 =	vmin.f32 v6, v11  }
0x1c4: {  	v9 =	vmin.f32 v5, v10;
	v5 =	vmax.f32 v5, v10;
	v6 =	vmax.f32 v7, v6  }
0x1c5: {  	v7 =	vmax.f32 v8, v9;
	v8 =	vmin.f32 v8, v9;
	(xrf1) =	vsort.ascd.msk.f32 $0xffff, v5, v5  }
0x1c6: {  	v6 =	vmax.f32 v6, v8;
	v8 =	vmax.f32 v7, v25;
	v7 =	vmin.f32 v7, v25  }
0x1c7: {  	v9 =	vmax.f32 v8, v12;
	v5 =	vmax.f32 v6, v7;
	v6 =	vmin.f32 v8, v12  }
0x1c8: {  	(xrf1) =	vsort.ascd.msk.f32 $0xffff, v9, v9;
	v5 =	vmax.f32 v5, v6  }
0x1c9: {  	(xrf1) =	vsort.ascd.msk.f32 $0xffff, v5, v5;
	_ =	sdelay $0xb  }
0x1ca: {  	v5, _, _ =	vpop (xrf1)  }
0x1cb: {  	v6, _, _ =	vpop (xrf1)  }
0x1cc: {  	[tilespmem:$0x8080] =	vst v6;
	v6, _, _ =	vpop (xrf1)  }
0x1cd: {  	v7 =	vld.idx.msk [tilespmem:v0+s21+$0x0], $0xffff;
	[tilespmem:$0x8080] =	vst v6  }
0x1ce: {  	v6 =	vld.idx.msk [tilespmem:v1+s21+$0x0], $0xffff;
	_ =	sdelay $0x4  }
0x1cf: {  	v6 =	vsel vm0, $0xFF800000, v6  }
0x1d0: {  	v6 =	vsel vm1, v6, v7  }
0x1d1: {  	v5 =	vsel vm2, v6, v5  }
0x1d2: {  	(xrf1) =	vsort.ascd.msk.f32 $0xffff, v5, v5;
	_ =	sdelay $0xd  }
0x1d3: {  	v5, _, _ =	vpop (xrf1)  }
0x1d4: {  	v5 =	vperm.xlane v5, v4  }
0x1d5: {  	v6 =	vor.u32 $0x100, v2  }
0x1d6: {  	v5 =	vadd.f32 v5, v5;
	_ =	sdelay $0x1  }
0x1d7: {  	v5 =	vadd.f32 v5, v3;
	_ =	sdelay $0x1  }
0x1d8: {  	[tilespmem:v6+s22+$0x0] =	vst.idx.msk $0x7, v5  }
0x1d9: {  	[tilespmem:s17], [sflag:$0x2] =	stream.strided.gather [hbm4b:s11+s15], $0x4000, s16, s15, $0x38;
	[tilespmem:$0x8300] =	vst v63  }
0x1da: {  	_ =	swait.ge [sflag:s18], $0x4000  }
0x1db: {  	[sflag:s18] =	ssyncset.done $0x0  }
0x1dc: {  	s25 =	simm.s32 $0x0;
	[sflag:s18] =	ssyncadd.s32 $0xFFFFC000  }
0x1dd: {  	v5 =	vld [tilespmem:s25+$0xF0]  }
0x1de: {  	v9 =	vld [tilespmem:s25+$0x50]  }
0x1df: {  	v7 =	vld [tilespmem:s25+$0x10]  }
0x1e0: {  	v10 =	vld [tilespmem:s25+$0x70]  }
0x1e1: {  	v12 =	vld [tilespmem:s25+$0x90]  }
0x1e2: {  	v14 =	vld [tilespmem:s25+$0x20]  }
0x1e3: {  	v13 =	vld [tilespmem:s25+$0x40]  }
0x1e4: {  	v15 =	vld [tilespmem:s25+$0xD0]  }
0x1e5: {  	v16 =	vld [tilespmem:s25+$0x60]  }
0x1e6: {  	v17 =	vld [tilespmem:s25+$0xE0]  }
0x1e7: {  	v18 =	vld [tilespmem:s25+$0x0]  }
0x1e8: {  	v19 =	vld [tilespmem:s25+$0x80]  }
0x1e9: {  	v20 =	vld [tilespmem:s25+$0xC0]  }
0x1ea: {  	v23 =	vld [tilespmem:s25+$0x30];
	_ =	sdelay $0x1  }
0x1eb: {  	v6 =	vimm.f32 $-Inf;
	v21 =	vmin.f32 v13, v9;
	v22 =	vmax.f32 v16, v10  }
0x1ec: {  	v8 =	vld [tilespmem:s25+$0xB0];
	v10 =	vmin.f32 v16, v10;
	v25 =	vmax.f32 v17, v5;
	v9 =	vmax.f32 v13, v9  }
0x1ed: {  	v11 =	vld [tilespmem:s25+$0xA0];
	v24 =	vmin.f32 v17, v5;
	v33 =	vmax.f32 v18, v7;
	v16 =	vmax.f32 v19, v12  }
0x1ee: {  	v32 =	vmin.f32 v19, v12;
	v28 =	vmin.f32 v20, v15;
	v35 =	vmax.f32 v14, v23  }
0x1ef: {  	v31 =	vmax.f32 v20, v15;
	v27 =	vmin.f32 v14, v23;
	v20 =	vimm.f32 $-Inf  }
0x1f0: {  	v19 =	vimm.f32 $-Inf;
	v23 =	vimm.f32 $-Inf;
	v14 =	vimm.f32 $-Inf  }
0x1f1: {  	v15 =	vimm.f32 $-Inf;
	v10 =	vmax.f32 v21, v10;
	v5 =	vmax.f32 v9, v22  }
0x1f2: {  	v13 =	vmin.f32 v9, v22;
	v9 =	vmax.f32 v11, v8;
	v26 =	vmax.f32 v33, v35  }
0x1f3: {  	v21 =	vimm.f32 $-Inf;
	v22 =	vimm.f32 $-Inf;
	v17 =	vmin.f32 v6, v5  }
0x1f4: {  	v30 =	vmax.f32 v16, v9;
	v29 =	vmin.f32 v6, v26;
	v36 =	vmin.f32 v16, v9  }
0x1f5: {  	v9 =	vimm.f32 $-Inf;
	v16 =	vimm.f32 $-Inf;
	v12 =	vmin.f32 v6, v30  }
0x1f6: {  	s25 =	simm.s32 $0x400;
	v34 =	vmax.f32 v6, v12;
	v37 =	vmin.f32 v6, v12;
	v12 =	vimm.f32 $-Inf  }
.LBB2_14:
0x1f7: {  	s26 =	sshra.s32 s25, $0x2;
	p0 =	sne.s32 s25, $0xFC00;
	s25 =	sadd.s32 $0x400, s25;
	v33 =	vmin.f32 v33, v35;
	v8 =	vmin.f32 v11, v8;
	v11 =	vmin.f32 v34, v36  }
0x1f8: {  	v6 =	vmax.f32 v6, v37;
	v35 =	vld [tilespmem:s26+$0xF0];
	v8 =	vmax.f32 v32, v8;
	v32 =	vmax.f32 v34, v36  }
0x1f9: {  	v6 =	vmax.f32 v6, v11;
	v34 =	vld [tilespmem:s26+$0x50];
	v37 =	vmax.f32 v32, v8;
	v8 =	vmin.f32 v32, v8  }
0x1fa: {  	v36 =	vmax.f32 v31, v25;
	v32 =	vmin.f32 v20, v29;
	v11 =	vld [tilespmem:s26+$0x10];
	v6 =	vmax.f32 v6, v8  }
0x1fb: {  	v19 =	vmax.f32 v19, v30;
	v25 =	vmin.f32 v31, v25;
	v8 =	vmin.f32 v9, v36;
	v38 =	vld [tilespmem:s26+$0x70]  }
0x1fc: {  	v24 =	vmax.f32 v28, v24;
	v28 =	vmax.f32 v23, v8;
	v23 =	vmin.f32 v23, v8;
	v30 =	vld [tilespmem:s26+$0x90]  }
0x1fd: {  	v39 =	vmin.f32 v18, v7;
	v18 =	vmax.f32 v20, v29;
	v21 =	vmax.f32 v21, v23;
	v8 =	vld [tilespmem:s26+$0xB0]  }
0x1fe: {  	v27 =	vmax.f32 v39, v27;
	v20 =	vmin.f32 v18, v33;
	v23 =	vmax.f32 v22, v32;
	v29 =	vld [tilespmem:s26+$0x20]  }
0x1ff: {  	v14 =	vmax.f32 v14, v26;
	v18 =	vmax.f32 v18, v33;
	v22 =	vmax.f32 v23, v20;
	v31 =	vld [tilespmem:s26+$0x40];
	v7 =	vmovc v11  }
0x200: {  	v20 =	vmax.f32 v18, v27;
	v23 =	vmin.f32 v28, v25;
	v11 =	vmax.f32 v28, v25;
	v26 =	vld [tilespmem:s26+$0xD0]  }
0x201: {  	v21 =	vmax.f32 v21, v23;
	v23 =	vmax.f32 v11, v24;
	v11 =	vmin.f32 v11, v24;
	v25 =	vld [tilespmem:s26+$0x60]  }
0x202: {  	v9 =	vmax.f32 v9, v36;
	v18 =	vmin.f32 v18, v27;
	v21 =	vmax.f32 v21, v11;
	v24 =	vld [tilespmem:s26+$0xE0]  }
0x203: {  	v27 =	vmax.f32 v15, v17;
	v15 =	vmin.f32 v15, v17;
	v22 =	vmax.f32 v22, v18;
	v11 =	vld [tilespmem:s26+$0xA0]  }
0x204: {  	v28 =	vmax.f32 v27, v13;
	v13 =	vmin.f32 v27, v13;
	v18 =	vld [tilespmem:s26+$0x0];
	v17 =	vmin.f32 v31, v34  }
0x205: {  	v16 =	vmax.f32 v16, v15;
	v15 =	vmax.f32 v28, v10;
	v10 =	vmin.f32 v28, v10;
	v27 =	vld [tilespmem:s26+$0x80]  }
0x206: {  	v13 =	vmax.f32 v16, v13;
	v28 =	vmax.f32 v25, v38;
	v32 =	vmin.f32 v25, v38;
	v36 =	vld [tilespmem:s26+$0xC0]  }
0x207: {  	v16 =	vmax.f32 v13, v10;
	v38 =	vld [tilespmem:s26+$0x30];
	v25 =	vmax.f32 v24, v35;
	v24 =	vmin.f32 v24, v35  }
0x208: {  	v12 =	vmax.f32 v12, v5;
	v13 =	vmax.f32 v31, v34;
	v10 =	vmax.f32 v17, v32  }
0x209: {  	v5 =	vmax.f32 v13, v28;
	v13 =	vmin.f32 v13, v28;
	v39 =	vmax.f32 v11, v8  }
.Ltmp6:
0x20a: {  	v33 =	vmax.f32 v18, v7;
	v40 =	vmax.f32 v27, v30;
	v32 =	vmin.f32 v27, v30;
	(pc) =	sbr.rel @p0 .LBB2_14-.Ltmp6, $4  }
0x20b: {  	v17 =	vmin.f32 v12, v5;
	v30 =	vmax.f32 v40, v39;
	v28 =	vmin.f32 v36, v26  }
0x20c: {  	v31 =	vmax.f32 v36, v26;
	v35 =	vmax.f32 v29, v38;
	v41 =	vmin.f32 v19, v30  }
0x20d: {  	v27 =	vmin.f32 v29, v38;
	v26 =	vmax.f32 v33, v35;
	v34 =	vmax.f32 v37, v41  }
0x20e: {  	v36 =	vmin.f32 v40, v39;
	v37 =	vmin.f32 v37, v41;
	v29 =	vmin.f32 v14, v26  }
0x20f: {  	_ =	swait.ge [sflag:s19], $0x4000  }
0x210: {  	[sflag:s19] =	ssyncset.done $0x0  }
0x211: {  	v33 =	vmin.f32 v33, v35;
	v8 =	vmin.f32 v11, v8;
	v11 =	vmin.f32 v34, v36;
	s25 =	simm.s32 $0x0;
	[sflag:s19] =	ssyncadd.s32 $0xFFFFC000  }
0x212: {  	v6 =	vmax.f32 v6, v37;
	v57 =	vmax.f32 v34, v36;
	v8 =	vmax.f32 v32, v8;
	v58 =	vld [tilespmem:s25+$0x40F0]  }
0x213: {  	v6 =	vmax.f32 v6, v11;
	v59 =	vmax.f32 v57, v8;
	v8 =	vmin.f32 v57, v8;
	v60 =	vld [tilespmem:s25+$0x4050]  }
0x214: {  	v61 =	vmin.f32 v20, v29;
	v62 =	vmax.f32 v31, v25;
	v11 =	vmax.f32 v6, v8;
	v8 =	vld [tilespmem:s25+$0x4010]  }
0x215: {  	v24 =	vmax.f32 v28, v24;
	v7 =	vmin.f32 v18, v7;
	v6 =	vmax.f32 v19, v30;
	v30 =	vld [tilespmem:s25+$0x4070]  }
0x216: {  	v18 =	vmax.f32 v20, v29;
	v19 =	vmin.f32 v31, v25;
	v25 =	vmin.f32 v9, v62;
	v31 =	vld [tilespmem:s25+$0x4090]  }
0x217: {  	v5 =	vmax.f32 v12, v5;
	v29 =	vld [tilespmem:s25+$0x4040];
	v28 =	vmax.f32 v23, v25;
	v23 =	vmin.f32 v23, v25  }
0x218: {  	v22 =	vmax.f32 v22, v61;
	v38 =	vld [tilespmem:s25+$0x40D0];
	v25 =	vmin.f32 v18, v33;
	v20 =	vmax.f32 v21, v23  }
0x219: {  	v63 =	vld [tilespmem:s25+$0x40C0];
	v23 =	vmax.f32 v7, v27;
	v7 =	vmax.f32 v14, v26;
	v26 =	vmax.f32 v18, v33  }
0x21a: {  	v21 =	vld [tilespmem:s25+$0x40B0];
	v22 =	vmax.f32 v22, v25;
	v25 =	vmax.f32 v28, v19;
	v18 =	vmin.f32 v28, v19  }
0x21b: {  	v19 =	vmax.f32 v20, v18;
	v18 =	vmax.f32 v25, v24;
	v20 =	vmin.f32 v25, v24;
	v24 =	vld [tilespmem:s25+$0x4060]  }
0x21c: {  	v14 =	vmax.f32 v26, v23;
	v23 =	vmin.f32 v26, v23;
	v26 =	vld [tilespmem:s25+$0x40E0];
	v20 =	vmax.f32 v19, v20  }
0x21d: {  	v19 =	vmax.f32 v22, v23;
	v22 =	vmax.f32 v15, v17;
	v15 =	vmin.f32 v15, v17;
	v23 =	vld [tilespmem:s25+$0x40A0]  }
0x21e: {  	v17 =	vld [tilespmem:s25+$0x4000];
	v25 =	vmax.f32 v22, v13;
	v22 =	vmin.f32 v22, v13;
	v15 =	vmax.f32 v16, v15  }
0x21f: {  	v9 =	vmax.f32 v9, v62;
	v12 =	vmin.f32 v29, v60;
	v15 =	vmax.f32 v15, v22;
	v22 =	vld [tilespmem:s25+$0x4080]  }
0x220: {  	v27 =	vld [tilespmem:s25+$0x4020];
	v28 =	vmin.f32 v63, v38;
	v13 =	vmax.f32 v25, v10;
	v10 =	vmin.f32 v25, v10  }
0x221: {  	v10 =	vmax.f32 v15, v10;
	v16 =	vmax.f32 v24, v30;
	v15 =	vmin.f32 v24, v30;
	v30 =	vld [tilespmem:s25+$0x4030]  }
0x222: {  	v25 =	vmax.f32 v26, v58;
	v24 =	vmin.f32 v26, v58;
	v26 =	vmax.f32 v29, v60  }
0x223: {  	v15 =	vmax.f32 v12, v15;
	v12 =	vmax.f32 v26, v16;
	v16 =	vmin.f32 v26, v16  }
0x224: {  	v39 =	vmax.f32 v23, v21;
	v33 =	vmax.f32 v17, v8;
	v40 =	vmax.f32 v22, v31  }
0x225: {  	v32 =	vmin.f32 v22, v31;
	v22 =	vmin.f32 v5, v12;
	v31 =	vmax.f32 v63, v38  }
0x226: {  	v29 =	vmax.f32 v40, v39;
	v36 =	vmin.f32 v40, v39;
	v35 =	vmax.f32 v27, v30  }
0x227: {  	v41 =	vmin.f32 v6, v29;
	v27 =	vmin.f32 v27, v30;
	v26 =	vmax.f32 v33, v35  }
0x228: {  	s25 =	simm.s32 $0x400;
	v34 =	vmax.f32 v59, v41;
	v37 =	vmin.f32 v59, v41;
	v30 =	vmin.f32 v7, v26  }
.LBB2_16:
0x229: {  	s26 =	sshra.s32 s25, $0x2;
	p0 =	sne.s32 s25, $0xFC00;
	s25 =	sadd.s32 $0x400, s25;
	v33 =	vmin.f32 v33, v35;
	v21 =	vmin.f32 v23, v21;
	v23 =	vmin.f32 v34, v36  }
0x22a: {  	v11 =	vmax.f32 v11, v37;
	v35 =	vld [tilespmem:s26+$0x40F0];
	v21 =	vmax.f32 v32, v21;
	v32 =	vmax.f32 v34, v36  }
0x22b: {  	v11 =	vmax.f32 v11, v23;
	v34 =	vld [tilespmem:s26+$0x4050];
	v37 =	vmax.f32 v32, v21;
	v21 =	vmin.f32 v32, v21  }
0x22c: {  	v36 =	vmax.f32 v31, v25;
	v32 =	vmin.f32 v14, v30;
	v23 =	vld [tilespmem:s26+$0x4010];
	v11 =	vmax.f32 v11, v21  }
0x22d: {  	v6 =	vmax.f32 v6, v29;
	v25 =	vmin.f32 v31, v25;
	v21 =	vmin.f32 v9, v36;
	v38 =	vld [tilespmem:s26+$0x4070]  }
0x22e: {  	v24 =	vmax.f32 v28, v24;
	v28 =	vmax.f32 v18, v21;
	v18 =	vmin.f32 v18, v21;
	v29 =	vld [tilespmem:s26+$0x4090]  }
0x22f: {  	v39 =	vmin.f32 v17, v8;
	v14 =	vmax.f32 v14, v30;
	v17 =	vmax.f32 v20, v18;
	v21 =	vld [tilespmem:s26+$0x40B0]  }
0x230: {  	v31 =	vmax.f32 v19, v32;
	v20 =	vmax.f32 v39, v27;
	v18 =	vmin.f32 v14, v33;
	v30 =	vld [tilespmem:s26+$0x4020]  }
0x231: {  	v7 =	vmax.f32 v7, v26;
	v19 =	vmax.f32 v14, v33;
	v26 =	vmax.f32 v31, v18;
	v27 =	vld [tilespmem:s26+$0x4040];
	v8 =	vmovc v23  }
0x232: {  	v14 =	vmax.f32 v19, v20;
	v18 =	vmin.f32 v28, v25;
	v23 =	vmax.f32 v28, v25;
	v31 =	vld [tilespmem:s26+$0x40D0]  }
0x233: {  	v17 =	vmax.f32 v17, v18;
	v18 =	vmax.f32 v23, v24;
	v23 =	vmin.f32 v23, v24;
	v25 =	vld [tilespmem:s26+$0x4060]  }
0x234: {  	v9 =	vmax.f32 v9, v36;
	v19 =	vmin.f32 v19, v20;
	v20 =	vmax.f32 v17, v23;
	v24 =	vld [tilespmem:s26+$0x40E0]  }
0x235: {  	v19 =	vmax.f32 v26, v19;
	v26 =	vmax.f32 v13, v22;
	v13 =	vmin.f32 v13, v22;
	v23 =	vld [tilespmem:s26+$0x40A0]  }
0x236: {  	v28 =	vmax.f32 v26, v16;
	v16 =	vmin.f32 v26, v16;
	v17 =	vld [tilespmem:s26+$0x4000];
	v22 =	vmin.f32 v27, v34  }
0x237: {  	v10 =	vmax.f32 v10, v13;
	v13 =	vmax.f32 v28, v15;
	v15 =	vmin.f32 v28, v15;
	v26 =	vld [tilespmem:s26+$0x4080]  }
0x238: {  	v10 =	vmax.f32 v10, v16;
	v28 =	vmax.f32 v25, v38;
	v32 =	vmin.f32 v25, v38;
	v36 =	vld [tilespmem:s26+$0x40C0]  }
0x239: {  	v10 =	vmax.f32 v10, v15;
	v38 =	vld [tilespmem:s26+$0x4030];
	v25 =	vmax.f32 v24, v35;
	v24 =	vmin.f32 v24, v35  }
0x23a: {  	v5 =	vmax.f32 v5, v12;
	v16 =	vmax.f32 v27, v34;
	v15 =	vmax.f32 v22, v32  }
0x23b: {  	v12 =	vmax.f32 v16, v28;
	v16 =	vmin.f32 v16, v28;
	v39 =	vmax.f32 v23, v21  }
.Ltmp7:
0x23c: {  	v33 =	vmax.f32 v17, v8;
	v40 =	vmax.f32 v26, v29;
	v32 =	vmin.f32 v26, v29;
	(pc) =	sbr.rel @p0 .LBB2_16-.Ltmp7, $4  }
0x23d: {  	v22 =	vmin.f32 v5, v12;
	v29 =	vmax.f32 v40, v39;
	v28 =	vmin.f32 v36, v31  }
0x23e: {  	v31 =	vmax.f32 v36, v31;
	v35 =	vmax.f32 v30, v38;
	v41 =	vmin.f32 v6, v29  }
0x23f: {  	v27 =	vmin.f32 v30, v38;
	v26 =	vmax.f32 v33, v35;
	v34 =	vmax.f32 v37, v41  }
0x240: {  	v36 =	vmin.f32 v40, v39;
	v37 =	vmin.f32 v37, v41;
	v30 =	vmin.f32 v7, v26  }
0x241: {  	v33 =	vmin.f32 v33, v35;
	v21 =	vmin.f32 v23, v21  }
0x242: {  	v56 =	vmin.f32 v34, v36;
	v11 =	vmax.f32 v11, v37;
	v57 =	vmax.f32 v34, v36  }
0x243: {  	v59 =	vmin.f32 v14, v30;
	v60 =	vmax.f32 v31, v25;
	v6 =	vmax.f32 v6, v29  }
0x244: {  	v61 =	vmin.f32 v31, v25;
	v24 =	vmax.f32 v28, v24;
	v8 =	vmin.f32 v17, v8  }
0x245: {  	v30 =	vmax.f32 v14, v30;
	v7 =	vmax.f32 v7, v26;
	v39 =	vmax.f32 v13, v22  }
0x246: {  	v40 =	vmin.f32 v13, v22;
	v5 =	vmax.f32 v5, v12;
	v21 =	vmax.f32 v32, v21  }
0x247: {  	v11 =	vmax.f32 v11, v56;
	v62 =	vmin.f32 v9, v60;
	v8 =	vmax.f32 v8, v27  }
0x248: {  	v32 =	vmax.f32 v19, v59;
	v34 =	vmin.f32 v30, v33;
	v14 =	vmax.f32 v30, v33  }
0x249: {  	v38 =	vmax.f32 v9, v60;
	v41 =	vmax.f32 v39, v16;
	v10 =	vmax.f32 v10, v40  }
0x24a: {  	v44 =	vmin.f32 v7, v5;
	v5 =	vmax.f32 v7, v5;
	v58 =	vmax.f32 v57, v21  }
0x24b: {  	v21 =	vmin.f32 v57, v21;
	v63 =	vmax.f32 v18, v62;
	v29 =	vmin.f32 v18, v62  }
0x24c: {  	v18 =	vmax.f32 v32, v34;
	v35 =	vmax.f32 v14, v8;
	v8 =	vmin.f32 v14, v8  }
0x24d: {  	v14 =	vmin.f32 v39, v16;
	v42 =	vmax.f32 v41, v15;
	v43 =	vmin.f32 v41, v15  }
0x24e: {  	v48 =	vmin.f32 v5, v6;
	v5 =	vmax.f32 v5, v6;
	v11 =	vmax.f32 v11, v21  }
0x24f: {  	v31 =	vmax.f32 v20, v29;
	v36 =	vmax.f32 v63, v61;
	v25 =	vmin.f32 v63, v61  }
0x250: {  	v8 =	vmax.f32 v18, v8;
	v10 =	vmax.f32 v10, v14;
	v45 =	vmax.f32 v35, v44  }
0x251: {  	v15 =	vmin.f32 v35, v44;
	v53 =	vmin.f32 v5, v38;
	v5 =	vmax.f32 v5, v38  }
0x252: {  	v17 =	vmax.f32 v31, v25;
	v37 =	vmax.f32 v36, v24;
	v20 =	vmin.f32 v36, v24  }
0x253: {  	v10 =	vmax.f32 v10, v43;
	v8 =	vmax.f32 v8, v15;
	v46 =	vmin.f32 v45, v42  }
0x254: {  	v47 =	vmax.f32 v45, v42;
	(xrf1) =	vsort.ascd.msk.f32 $0xffff, v5, v5;
	v8 =	vmax.f32 v8, v46  }
0x255: {  	v12 =	vmax.f32 v47, v10;
	v7 =	vmin.f32 v47, v10;
	v50 =	vmax.f32 v17, v20  }
0x256: {  	v7 =	vmax.f32 v8, v7;
	v49 =	vmax.f32 v12, v48;
	v10 =	vmin.f32 v12, v48  }
0x257: {  	v7 =	vmax.f32 v7, v10;
	v51 =	vmin.f32 v49, v58;
	v52 =	vmax.f32 v49, v58  }
0x258: {  	v7 =	vmax.f32 v7, v51;
	v8 =	vmax.f32 v52, v11;
	v6 =	vmin.f32 v52, v11  }
0x259: {  	v6 =	vmax.f32 v7, v6;
	v54 =	vmax.f32 v8, v53;
	v8 =	vmin.f32 v8, v53  }
0x25a: {  	v6 =	vmax.f32 v6, v8;
	v55 =	vmax.f32 v54, v37;
	v7 =	vmin.f32 v54, v37  }
0x25b: {  	v56 =	vmax.f32 v55, v50;
	v57 =	vmax.f32 v6, v7;
	v58 =	vmin.f32 v55, v50  }
0x25c: {  	(xrf1) =	vsort.ascd.msk.f32 $0xffff, v56, v56;
	v5 =	vmax.f32 v57, v58  }
0x25d: {  	(xrf1) =	vsort.ascd.msk.f32 $0xffff, v5, v5;
	_ =	sdelay $0xb  }
0x25e: {  	v59, _, _ =	vpop (xrf1)  }
0x25f: {  	v60, _, _ =	vpop (xrf1)  }
0x260: {  	[tilespmem:$0x8080] =	vst v60;
	v61, _, _ =	vpop (xrf1)  }
0x261: {  	v62 =	vld.idx.msk [tilespmem:v0+s21+$0x0], $0xffff;
	[tilespmem:$0x8080] =	vst v61  }
0x262: {  	v6 =	vld.idx.msk [tilespmem:v1+s21+$0x0], $0xffff;
	_ =	sdelay $0x4  }
0x263: {  	v6 =	vsel vm0, $0xFF800000, v6  }
0x264: {  	v6 =	vsel vm1, v6, v62  }
0x265: {  	v5 =	vsel vm2, v6, v59  }
0x266: {  	(xrf1) =	vsort.ascd.msk.f32 $0xffff, v5, v5;
	_ =	sdelay $0xd  }
0x267: {  	v5, _, _ =	vpop (xrf1)  }
0x268: {  	v4 =	vperm.xlane v5, v4  }
0x269: {  	v63 =	vor.u32 $0x180, v2  }
0x26a: {  	v4 =	vadd.f32 v4, v4;
	_ =	sdelay $0x1  }
0x26b: {  	s24 =	sadd.s32 $0x1, s24;
	v3 =	vadd.f32 v4, v3  }
0x26c: {  	p0 =	sne.s32 s24, s13  }
.Ltmp8:
0x26d: {  	[tilespmem:v63+s22+$0x0] =	vst.idx.msk $0x7, v3;
	(pc) =	sbr.rel @p0 .LBB2_1-.Ltmp8, $4  }
0x26e: {  	[hbm4b:s12+s3] =	stream.linear.scatter [tilespmem:s22], [sflag:$0x4], $0x200, $0x38;
	[tilespmem:$0x8300] =	vst v63  }
0x26f: {  	_ =	swait.ge [sflag:s23], $0x200  }
0x270: {  	[sflag:s23] =	ssyncset.done $0x0  }
0x271: {  	[sflag:s23] =	ssyncadd.s32 $0xFFFFFE00  }
0x272: {  	_ =	sfence.sel $0x180000  }
0x273: {  	[bflag:$0x0] =	sbarrier.arrive $0xFFFF  }
0x274: {  	p0 =	sne.s32 s2, $0x0;
	_ =	strace $0x90000047  }
0x275: {  	s0 =	sadd.s32 @!p0 $0x100000, s0;
	[bflag:$0x2] =	sbarrier.arrive $0xFFFF  }
0x276: {  	[sflag:s0] =	ssyncadd.tile.s32 @!p0 $0x1;
	_ =	shalt  }
.Lfunc_end2:
_tile_overlayer_lowered:
.L_overlay_start_2:
0x277: {  	(tag) =	ssettag $0x2  }
0x278: {  	s0 =	rddreg [dreg:$0x0];
	s2 =	stileid.u32  }
0x279: {  	s1 =	rddreg [dreg:$0x1];
	p0 =	sne.s32 s2, $0x0  }
0x27a: {  	s3 =	rddreg [dreg:$0x2];
	[bflag:$0x3] =	sbarrier.arrive $0xFFFF;
	s2 =	simm.s32 @!p0 $0x1C04  }
0x27b: {  	[timem:s3], [sflag:s2] =	dma.local @!p0 [hbm:s0], s1  }
0x27c: {  	s0 =	simm.s32 @!p0 $0x4  }
0x27d: {  	_ =	swait.ge @!p0 [sflag:s0], s1  }
0x27e: {  	s1 =	ssub.s32 @!p0 $0x0, s1;
	[sflag:s0] =	ssyncset.done @!p0 $0x0  }
0x27f: {  	[sflag:s0] =	ssyncadd.s32 @!p0 s1  }
0x280: {  	[bflag:$0x3] =	sbarrier.arrive $0xFFFF  }
0x281: {  	_ =	shalt  }

</sc_bundles>
